<compile_context>
chip_gen: v7x
topology: tpu7x:2x2x1
jax: 0.10.2.dev20260603
libtpu: 0.0.44.dev20260713+nightly
codegen_flags: <defaults>
</compile_context>

<pallas_src>
import functools

import jax
import jax.numpy as jnp
from jax import lax
from jax.experimental import pallas as pl
from jax.experimental.pallas import tpu as pltpu
from jax.experimental.pallas import tpu_sc as plsc

N = 10000
E = 320000
NC = 2
NS = 16
NW = NC * NS
EBA = 80
NSTEP0 = 126
NSTEP1 = 124
EBC = 128
NSTEPC = 80
EPADC = NW * NSTEPC * EBC
NP = 10240
RPW = NP // NS

@functools.lru_cache(maxsize=None)
def _mesh():
    return plsc.VectorSubcoreMesh(core_axis_name="c", subcore_axis_name="s",
                                  num_cores=NC, num_subcores=NS)



def _sc_agg_body(D, m_hbm, src_hbm, dst_hbm, zeros_hbm, out_hbm,
                 isA, isB, idA, idB, rowsA, rowsB, acc,
                 sgA, sgB, siA, siB):
    c = lax.axis_index("c")
    s = lax.axis_index("s")
    nst = jnp.where(c == 0, NSTEP0, NSTEP1)
    base = c * NS * NSTEP0 * EBA + s * nst * EBA

    pltpu.sync_copy(zeros_hbm, acc.at[pl.ds(s * RPW, RPW)])
    pltpu.sync_copy(src_hbm.at[pl.ds(base, EBA)], isA)
    pltpu.sync_copy(dst_hbm.at[pl.ds(base, EBA)], idA)
    pltpu.sync_copy(src_hbm.at[pl.ds(base + EBA, EBA)], isB)
    pltpu.sync_copy(dst_hbm.at[pl.ds(base + EBA, EBA)], idB)
    plsc.subcore_barrier()

    pltpu.async_copy(m_hbm.at[isA], rowsA, sgA)
    pltpu.async_copy(m_hbm.at[isB], rowsB, sgB)

    def pair(k, carry):
        b = 2 * k
        offA = base + (b + 2) * EBA
        offB = base + (b + 3) * EBA
        pltpu.make_async_copy(m_hbm.at[isA], rowsA, sgA).wait()
        pltpu.sync_copy(rowsA, acc.at[idA], add=True)
        pltpu.async_copy(src_hbm.at[pl.ds(offA, EBA)], isA, siA)
        pltpu.async_copy(dst_hbm.at[pl.ds(offA, EBA)], idA, siA)
        pltpu.make_async_copy(m_hbm.at[isB], rowsB, sgB).wait()
        pltpu.sync_copy(rowsB, acc.at[idB], add=True)
        pltpu.async_copy(src_hbm.at[pl.ds(offB, EBA)], isB, siB)
        pltpu.async_copy(dst_hbm.at[pl.ds(offB, EBA)], idB, siB)
        pltpu.make_async_copy(src_hbm.at[pl.ds(offA, EBA)], isA, siA).wait()
        pltpu.make_async_copy(dst_hbm.at[pl.ds(offA, EBA)], idA, siA).wait()
        pltpu.async_copy(m_hbm.at[isA], rowsA, sgA)
        pltpu.make_async_copy(src_hbm.at[pl.ds(offB, EBA)], isB, siB).wait()
        pltpu.make_async_copy(dst_hbm.at[pl.ds(offB, EBA)], idB, siB).wait()
        pltpu.async_copy(m_hbm.at[isB], rowsB, sgB)
        return carry

    lax.fori_loop(0, nst // 2 - 1, pair, 0)
    pltpu.make_async_copy(m_hbm.at[isA], rowsA, sgA).wait()
    pltpu.sync_copy(rowsA, acc.at[idA], add=True)
    pltpu.make_async_copy(m_hbm.at[isB], rowsB, sgB).wait()
    pltpu.sync_copy(rowsB, acc.at[idB], add=True)
    plsc.subcore_barrier()
    pltpu.sync_copy(acc.at[pl.ds(s * RPW, RPW)],
                    out_hbm.at[c, pl.ds(s * RPW, RPW)])


@functools.lru_cache(maxsize=None)
def _make_sc_agg(D):
    return pl.kernel(
        functools.partial(_sc_agg_body, D),
        out_type=jax.ShapeDtypeStruct((NC, NP, D), jnp.float32),
        mesh=_mesh(),
        scratch_types=[
            pltpu.VMEM((EBA,), jnp.int32),
            pltpu.VMEM((EBA,), jnp.int32),
            pltpu.VMEM((EBA,), jnp.int32),
            pltpu.VMEM((EBA,), jnp.int32),
            pltpu.VMEM((EBA, D), jnp.float32),
            pltpu.VMEM((EBA, D), jnp.float32),
            pltpu.VMEM_SHARED((NP, D), jnp.float32),
            pltpu.SemaphoreType.DMA,
            pltpu.SemaphoreType.DMA,
            pltpu.SemaphoreType.DMA,
            pltpu.SemaphoreType.DMA,
        ],
    )


def _sc_count_body(dst3_hbm, ones_hbm, zeros_hbm, out_hbm,
                   idx_d, ones_v, acc, ssA, ssB):
    c = lax.axis_index("c")
    s = lax.axis_index("s")
    wid = c * NS + s
    pltpu.sync_copy(zeros_hbm, acc.at[pl.ds(s * RPW, RPW)])
    pltpu.sync_copy(ones_hbm, ones_v)
    pltpu.sync_copy(dst3_hbm.at[wid], idx_d)
    plsc.subcore_barrier()

    pltpu.async_copy(ones_v, acc.at[idx_d.at[0]], ssA, add=True)
    pltpu.async_copy(ones_v, acc.at[idx_d.at[1]], ssB, add=True)

    def pair(k, carry):
        b = 2 * k
        pltpu.make_async_copy(ones_v, acc.at[idx_d.at[b]], ssA).wait()
        pltpu.async_copy(ones_v, acc.at[idx_d.at[b + 2]], ssA, add=True)
        pltpu.make_async_copy(ones_v, acc.at[idx_d.at[b]], ssB).wait()
        pltpu.async_copy(ones_v, acc.at[idx_d.at[b + 3]], ssB, add=True)
        return carry

    lax.fori_loop(0, NSTEPC // 2 - 1, pair, 0)
    pltpu.make_async_copy(ones_v, acc.at[idx_d.at[0]], ssA).wait()
    pltpu.make_async_copy(ones_v, acc.at[idx_d.at[0]], ssB).wait()
    plsc.subcore_barrier()
    pltpu.sync_copy(acc.at[pl.ds(s * RPW, RPW)],
                    out_hbm.at[c, pl.ds(s * RPW, RPW)])


@functools.lru_cache(maxsize=None)
def _make_sc_count():
    return pl.kernel(
        _sc_count_body,
        out_type=jax.ShapeDtypeStruct((NC, NP, 128), jnp.float32),
        mesh=_mesh(),
        scratch_types=[
            pltpu.VMEM((NSTEPC, EBC), jnp.int32),
            pltpu.VMEM((EBC, 128), jnp.float32),
            pltpu.VMEM_SHARED((NP, 128), jnp.float32),
            pltpu.SemaphoreType.DMA,
            pltpu.SemaphoreType.DMA,
        ],
    )



RB = 1000
GRID = N // RB


def _proj_body(x_ref, win_ref, bin_ref, wl_ref, bl_ref, wr_ref,
               inp_ref, m_ref, r_ref):
    inp = jnp.dot(x_ref[...], win_ref[...],
                  preferred_element_type=jnp.float32) + bin_ref[...]
    h = jnp.maximum(inp, 0.0)
    inp_ref[...] = inp
    m_ref[...] = jnp.dot(h, wl_ref[...], preferred_element_type=jnp.float32)
    r_ref[...] = jnp.dot(h, wr_ref[...],
                         preferred_element_type=jnp.float32) + bl_ref[...]


def _tc_proj(x, W_in, b_in, Wl0, bl0, Wr0):
    row = pl.BlockSpec((RB, 128), lambda i: (i, 0))
    full = pl.BlockSpec((128, 128), lambda i: (0, 0))
    bias = pl.BlockSpec((1, 128), lambda i: (0, 0))
    return pl.pallas_call(
        _proj_body,
        grid=(GRID,),
        in_specs=[row, full, bias, full, bias, full],
        out_specs=[row, row, row],
        out_shape=[jax.ShapeDtypeStruct((N, 128), jnp.float32)] * 3,
    )(x, W_in, b_in.reshape(1, 128), Wl0, bl0.reshape(1, 128), Wr0)


def _inv_counts(cnt_ref):
    cnt = cnt_ref[0, :, 0:1] + cnt_ref[1, :, 0:1]
    return 1.0 / jnp.maximum(cnt, 1.0)


def _combine_body(do, s_ref, cnt_ref, r_ref, inp_ref, wl_ref, bl_ref, wr_ref,
                  m_ref, rn_ref):
    agg = (s_ref[0] + s_ref[1]) * _inv_counts(cnt_ref)
    h = jnp.maximum(agg + r_ref[...], 0.0) + 0.2 * inp_ref[...]
    m_ref[...] = jnp.dot(h, wl_ref[...], preferred_element_type=jnp.float32)
    rn_ref[...] = jnp.dot(h, wr_ref[...],
                          preferred_element_type=jnp.float32) + bl_ref[...]


def _tc_combine(S, cntP, r, inp, Wl, bl, Wr):
    do = Wl.shape[1]
    row = pl.BlockSpec((RB, 128), lambda i: (i, 0))
    rowo = pl.BlockSpec((RB, do), lambda i: (i, 0))
    return pl.pallas_call(
        functools.partial(_combine_body, do),
        grid=(GRID,),
        in_specs=[
            pl.BlockSpec((2, RB, 128), lambda i: (0, i, 0)),
            pl.BlockSpec((2, RB, 128), lambda i: (0, i, 0)),
            row, row,
            pl.BlockSpec((128, do), lambda i: (0, 0)),
            pl.BlockSpec((1, do), lambda i: (0, 0)),
            pl.BlockSpec((128, do), lambda i: (0, 0)),
        ],
        out_specs=[rowo, rowo],
        out_shape=[jax.ShapeDtypeStruct((N, do), jnp.float32)] * 2,
    )(S, cntP, r, inp, Wl, bl.reshape(1, do), Wr)


def _final_body(s_ref, cnt_ref, r_ref, out_ref):
    zf = (s_ref[0] + s_ref[1]) * _inv_counts(cnt_ref) + r_ref[...]
    z = zf[:, 0:64]
    zmax = jnp.max(z, axis=-1, keepdims=True)
    ez = jnp.exp(z - zmax)
    lse = jnp.log(jnp.sum(ez, axis=-1, keepdims=True)) + zmax
    out_ref[...] = z - lse


def _tc_final(S, cntP, r):
    row = pl.BlockSpec((RB, 128), lambda i: (i, 0))
    return pl.pallas_call(
        _final_body,
        grid=(GRID,),
        in_specs=[
            pl.BlockSpec((2, RB, 128), lambda i: (0, i, 0)),
            pl.BlockSpec((2, RB, 128), lambda i: (0, i, 0)),
            row,
        ],
        out_specs=pl.BlockSpec((RB, 64), lambda i: (i, 0)),
        out_shape=jax.ShapeDtypeStruct((N, 64), jnp.float32),
    )(S, cntP, r)



def kernel(x, edge_index, W_in, b_in, Wl, bl, Wr):
    src = edge_index[0]
    dst = edge_index[1]
    dst3 = jnp.concatenate(
        [dst, jnp.full((EPADC - E,), NP - 1, jnp.int32)]
    ).reshape(NW, NSTEPC, EBC)
    zeros128 = jnp.zeros((RPW, 128), jnp.float32)
    ones128 = jnp.ones((EBC, 128), jnp.float32)
    Wls = [Wl[1], Wl[2], jnp.pad(Wl[3], ((0, 0), (0, 64)))]
    Wrs = [Wr[1], Wr[2], jnp.pad(Wr[3], ((0, 0), (0, 64)))]
    bls = [bl[1], bl[2], jnp.pad(bl[3], (0, 64))]

    cntP = _make_sc_count()(dst3, ones128, zeros128)
    inp, m, r = _tc_proj(x, W_in, b_in, Wl[0], bl[0], Wr[0])
    for i in range(3):
        S = _make_sc_agg(128)(m, src, dst, zeros128)
        m, r = _tc_combine(S, cntP, r, inp, Wls[i], bls[i], Wrs[i])
    S = _make_sc_agg(128)(m, src, dst, zeros128)
    return _tc_final(S, cntP, r)

# --- scband reference (transcript-rebuilt; emitter-appended) ---
"""Pipeline reference for scband-gcn-15977278341936 (READ-ONLY COPY).

The authoritative reference and input builder live on the scoring server;
editing this copy changes nothing except your own understanding.
"""

import jax, jax.numpy as jnp
import numpy as np

N = 10000
E = 320000
D_IN = 128
D_H = 128
D_OUT = 64
NUM_LAYERS = 3  # module builds NUM_LAYERS hidden SAGEConvs + 1 output SAGEConv


def setup_inputs(seed: int = 0) -> dict:
    key = jax.random.key(seed)
    ks = jax.random.split(key, 20)
    x = jax.random.normal(ks[0], (N, D_IN), dtype=jnp.float32)
    edge_index = jax.random.randint(ks[1], (2, E), 0, N, dtype=jnp.int32)
    W_in = jax.random.normal(ks[2], (D_IN, D_H), dtype=jnp.float32) / np.sqrt(D_IN)
    b_in = jnp.zeros((D_H,), dtype=jnp.float32)
    dims = [(D_H, D_H)] * NUM_LAYERS + [(D_H, D_OUT)]
    Wl, bl, Wr = [], [], []
    for i, (di, do) in enumerate(dims):
        Wl.append(jax.random.normal(ks[3 + 3 * i], (di, do), dtype=jnp.float32) / np.sqrt(di))
        bl.append(jnp.zeros((do,), dtype=jnp.float32))
        Wr.append(jax.random.normal(ks[4 + 3 * i], (di, do), dtype=jnp.float32) / np.sqrt(di))
    return {"x": x, "edge_index": edge_index, "W_in": W_in, "b_in": b_in,
            "Wl": tuple(Wl), "bl": tuple(bl), "Wr": tuple(Wr)}


def _segment_mean(msg, dst, n):
    s = jax.ops.segment_sum(msg, dst, num_segments=n)
    cnt = jax.ops.segment_sum(jnp.ones((msg.shape[0], 1), msg.dtype), dst, num_segments=n)
    return s / jnp.maximum(cnt, 1.0)


def reference(x, edge_index, W_in, b_in, Wl, bl, Wr):
    # Faithful port of GCN.forward (eval mode: dropout = identity).
    # SAGEConv (PyG default): out = lin_l(mean_{j in N(i)} x_j) + lin_r(x_i)
    n = x.shape[0]
    src, dst = edge_index[0], edge_index[1]
    h = x @ W_in + b_in          # self.inProj(x)
    inp = h
    h = jax.nn.relu(h)
    L = len(Wl)
    for i in range(L):
        agg = _segment_mean(h[src], dst, n)   # gather x_j, scatter-mean to dst
        h = agg @ Wl[i] + bl[i] + h @ Wr[i]
        if i != L - 1:
            h = jax.nn.relu(h)
            # dropout skipped (eval / training=False)
            h = h + 0.2 * inp
    return jax.nn.log_softmax(h, axis=-1)

if __name__ == "__main__":
    import jax
    _d = setup_inputs()
    print(jax.jit(kernel)(*tuple(_d.values())))

</pallas_src>

<mosaic_0001>
#map = affine_map<(d0, d1) -> (0, 0)>
#map1 = affine_map<(d0, d1) -> (0)>
#map2 = affine_map<(d0, d1) -> (0, 0, 0)>
module attributes {stable_mosaic.version = 14 : i64} {
  func.func @_sc_agg_body(%arg0: i32, %arg1: i32, %arg2: memref<10000x128xf32, #tpu.memory_space<hbm>>, %arg3: memref<320000xi32, #tpu.memory_space<hbm>>, %arg4: memref<320000xi32, #tpu.memory_space<hbm>>, %arg5: memref<640x128xf32, #tpu.memory_space<hbm>>, %arg6: memref<2x10240x128xf32, #tpu.memory_space<hbm>>, %arg7: memref<80xi32, #tpu.memory_space<vmem>>, %arg8: memref<80xi32, #tpu.memory_space<vmem>>, %arg9: memref<80xi32, #tpu.memory_space<vmem>>, %arg10: memref<80xi32, #tpu.memory_space<vmem>>, %arg11: memref<80x128xf32, #tpu.memory_space<vmem>>, %arg12: memref<80x128xf32, #tpu.memory_space<vmem>>, %arg13: memref<10240x128xf32, #tpu.memory_space<vmem_shared>>, %arg14: memref<!tpu.dma_semaphore, #tpu.memory_space<semaphore_mem>>, %arg15: memref<!tpu.dma_semaphore, #tpu.memory_space<semaphore_mem>>, %arg16: memref<!tpu.dma_semaphore, #tpu.memory_space<semaphore_mem>>, %arg17: memref<!tpu.dma_semaphore, #tpu.memory_space<semaphore_mem>>) attributes {dimension_semantics = [#tpu.dimension_semantics<core_parallel>, #tpu.dimension_semantics<subcore_parallel>], iteration_bounds = array<i64: 2, 16>, scalar_prefetch = 0 : i64, scratch_operands = 11 : i64, tpu.core_type = #tpu.core_type<sc_vector_subcore>, window_params = [{transform_indices = #map}, {transform_indices = #map1}, {transform_indices = #map1}, {transform_indices = #map}, {transform_indices = #map2}]} {
    %eq3A = arith.constant 0 : i32
    %eq3A_0 = arith.cmpi eq, %arg0, %eq3A : i32
    %jit3A = arith.constant 126 : i32
    %jit3A_1 = arith.constant 124 : i32
    %select_n3A = arith.select %eq3A_0, %jit3A, %jit3A_1 : i32
    %mul3A = arith.constant 16 : i32
    %mul3A_2 = arith.muli %arg0, %mul3A : i32
    %mul3A_3 = arith.constant 126 : i32
    %mul3A_4 = arith.muli %mul3A_2, %mul3A_3 : i32
    %mul3A_5 = arith.constant 80 : i32
    %mul3A_6 = arith.muli %mul3A_4, %mul3A_5 : i32
    %mul3A_7 = arith.muli %arg1, %select_n3A : i32
    %mul3A_8 = arith.constant 80 : i32
    %mul3A_9 = arith.muli %mul3A_7, %mul3A_8 : i32
    %add3A = arith.addi %mul3A_6, %mul3A_9 : i32
    %mul3A_10 = arith.constant 640 : i32
    %mul3A_11 = arith.muli %arg1, %mul3A_10 : i32
    "tpu.region"() ({
      %run_scoped3A = tpu.sem_alloc : memref<!tpu.dma_semaphore, #tpu.memory_space<semaphore_mem>>
      %dma_start3A_60 = arith.constant 0 : i32
      %dma_start3A_61 = tpu.memref_slice %arg13[%mul3A_11, %dma_start3A_60] : memref<10240x128xf32, #tpu.memory_space<vmem_shared>> -> memref<640x128xf32, #tpu.memory_space<vmem_shared>>
      tpu.enqueue_dma source(%arg5 : memref<640x128xf32, #tpu.memory_space<hbm>>) target(%dma_start3A_61 : memref<640x128xf32, #tpu.memory_space<vmem_shared>>) target_semaphore(%run_scoped3A : memref<!tpu.dma_semaphore, #tpu.memory_space<semaphore_mem>>)
      %dma_wait3A_62 = arith.constant 0 : i32
      %dma_wait3A_63 = tpu.memref_slice %arg13[%mul3A_11, %dma_wait3A_62] : memref<10240x128xf32, #tpu.memory_space<vmem_shared>> -> memref<640x128xf32, #tpu.memory_space<vmem_shared>>
      tpu.wait_dma2 semaphore(%run_scoped3A : memref<!tpu.dma_semaphore, #tpu.memory_space<semaphore_mem>>) src(%arg5 : memref<640x128xf32, #tpu.memory_space<hbm>>) dst(%dma_wait3A_63 : memref<640x128xf32, #tpu.memory_space<vmem_shared>>)
      tpu.yield
    }) : () -> ()
    "tpu.region"() ({
      %run_scoped3A = tpu.sem_alloc : memref<!tpu.dma_semaphore, #tpu.memory_space<semaphore_mem>>
      %dma_start3A_60 = tpu.memref_slice %arg3[%add3A] : memref<320000xi32, #tpu.memory_space<hbm>> -> memref<80xi32, #tpu.memory_space<hbm>>
      %dma_start3A_61 = tpu.memref_slice %arg3[%add3A] : memref<320000xi32, #tpu.memory_space<hbm>> -> memref<80xi32, #tpu.memory_space<hbm>>
      tpu.enqueue_dma source(%dma_start3A_61 : memref<80xi32, #tpu.memory_space<hbm>>) target(%arg7 : memref<80xi32, #tpu.memory_space<vmem>>) target_semaphore(%run_scoped3A : memref<!tpu.dma_semaphore, #tpu.memory_space<semaphore_mem>>)
      %dma_wait3A_62 = tpu.memref_slice %arg3[%add3A] : memref<320000xi32, #tpu.memory_space<hbm>> -> memref<80xi32, #tpu.memory_space<hbm>>
      %dma_wait3A_63 = tpu.memref_slice %arg3[%add3A] : memref<320000xi32, #tpu.memory_space<hbm>> -> memref<80xi32, #tpu.memory_space<hbm>>
      tpu.wait_dma2 semaphore(%run_scoped3A : memref<!tpu.dma_semaphore, #tpu.memory_space<semaphore_mem>>) src(%dma_wait3A_63 : memref<80xi32, #tpu.memory_space<hbm>>) dst(%arg7 : memref<80xi32, #tpu.memory_space<vmem>>)
      tpu.yield
    }) : () -> ()
    "tpu.region"() ({
      %run_scoped3A = tpu.sem_alloc : memref<!tpu.dma_semaphore, #tpu.memory_space<semaphore_mem>>
      %dma_start3A_60 = tpu.memref_slice %arg4[%add3A] : memref<320000xi32, #tpu.memory_space<hbm>> -> memref<80xi32, #tpu.memory_space<hbm>>
      %dma_start3A_61 = tpu.memref_slice %arg4[%add3A] : memref<320000xi32, #tpu.memory_space<hbm>> -> memref<80xi32, #tpu.memory_space<hbm>>
      tpu.enqueue_dma source(%dma_start3A_61 : memref<80xi32, #tpu.memory_space<hbm>>) target(%arg9 : memref<80xi32, #tpu.memory_space<vmem>>) target_semaphore(%run_scoped3A : memref<!tpu.dma_semaphore, #tpu.memory_space<semaphore_mem>>)
      %dma_wait3A_62 = tpu.memref_slice %arg4[%add3A] : memref<320000xi32, #tpu.memory_space<hbm>> -> memref<80xi32, #tpu.memory_space<hbm>>
      %dma_wait3A_63 = tpu.memref_slice %arg4[%add3A] : memref<320000xi32, #tpu.memory_space<hbm>> -> memref<80xi32, #tpu.memory_space<hbm>>
      tpu.wait_dma2 semaphore(%run_scoped3A : memref<!tpu.dma_semaphore, #tpu.memory_space<semaphore_mem>>) src(%dma_wait3A_63 : memref<80xi32, #tpu.memory_space<hbm>>) dst(%arg9 : memref<80xi32, #tpu.memory_space<vmem>>)
      tpu.yield
    }) : () -> ()
    %add3A_12 = arith.constant 80 : i32
    %add3A_13 = arith.addi %add3A, %add3A_12 : i32
    "tpu.region"() ({
      %run_scoped3A = tpu.sem_alloc : memref<!tpu.dma_semaphore, #tpu.memory_space<semaphore_mem>>
      %dma_start3A_60 = tpu.memref_slice %arg3[%add3A_13] : memref<320000xi32, #tpu.memory_space<hbm>> -> memref<80xi32, #tpu.memory_space<hbm>>
      %dma_start3A_61 = tpu.memref_slice %arg3[%add3A_13] : memref<320000xi32, #tpu.memory_space<hbm>> -> memref<80xi32, #tpu.memory_space<hbm>>
      tpu.enqueue_dma source(%dma_start3A_61 : memref<80xi32, #tpu.memory_space<hbm>>) target(%arg8 : memref<80xi32, #tpu.memory_space<vmem>>) target_semaphore(%run_scoped3A : memref<!tpu.dma_semaphore, #tpu.memory_space<semaphore_mem>>)
      %dma_wait3A_62 = tpu.memref_slice %arg3[%add3A_13] : memref<320000xi32, #tpu.memory_space<hbm>> -> memref<80xi32, #tpu.memory_space<hbm>>
      %dma_wait3A_63 = tpu.memref_slice %arg3[%add3A_13] : memref<320000xi32, #tpu.memory_space<hbm>> -> memref<80xi32, #tpu.memory_space<hbm>>
      tpu.wait_dma2 semaphore(%run_scoped3A : memref<!tpu.dma_semaphore, #tpu.memory_space<semaphore_mem>>) src(%dma_wait3A_63 : memref<80xi32, #tpu.memory_space<hbm>>) dst(%arg8 : memref<80xi32, #tpu.memory_space<vmem>>)
      tpu.yield
    }) : () -> ()
    %add3A_14 = arith.constant 80 : i32
    %add3A_15 = arith.addi %add3A, %add3A_14 : i32
    "tpu.region"() ({
      %run_scoped3A = tpu.sem_alloc : memref<!tpu.dma_semaphore, #tpu.memory_space<semaphore_mem>>
      %dma_start3A_60 = tpu.memref_slice %arg4[%add3A_15] : memref<320000xi32, #tpu.memory_space<hbm>> -> memref<80xi32, #tpu.memory_space<hbm>>
      %dma_start3A_61 = tpu.memref_slice %arg4[%add3A_15] : memref<320000xi32, #tpu.memory_space<hbm>> -> memref<80xi32, #tpu.memory_space<hbm>>
      tpu.enqueue_dma source(%dma_start3A_61 : memref<80xi32, #tpu.memory_space<hbm>>) target(%arg10 : memref<80xi32, #tpu.memory_space<vmem>>) target_semaphore(%run_scoped3A : memref<!tpu.dma_semaphore, #tpu.memory_space<semaphore_mem>>)
      %dma_wait3A_62 = tpu.memref_slice %arg4[%add3A_15] : memref<320000xi32, #tpu.memory_space<hbm>> -> memref<80xi32, #tpu.memory_space<hbm>>
      %dma_wait3A_63 = tpu.memref_slice %arg4[%add3A_15] : memref<320000xi32, #tpu.memory_space<hbm>> -> memref<80xi32, #tpu.memory_space<hbm>>
      tpu.wait_dma2 semaphore(%run_scoped3A : memref<!tpu.dma_semaphore, #tpu.memory_space<semaphore_mem>>) src(%dma_wait3A_63 : memref<80xi32, #tpu.memory_space<hbm>>) dst(%arg10 : memref<80xi32, #tpu.memory_space<vmem>>)
      tpu.yield
    }) : () -> ()
    %barrier3A = arith.constant 0 : index
    tpu.barrier barrier_id(%barrier3A)
    %dma_start3A = arith.constant 0 : i32
    %dma_start3A_16 = arith.constant 0 : i32
    %dma_start3A_17 = tpu.memref_slice %arg2[%dma_start3A, %dma_start3A_16] : memref<10000x128xf32, #tpu.memory_space<hbm>> -> memref<10000x128xf32, #tpu.memory_space<hbm>>
    tpu.enqueue_indirect_dma source(%dma_start3A_17 : memref<10000x128xf32, #tpu.memory_space<hbm>>) target(%arg11 : memref<80x128xf32, #tpu.memory_space<vmem>>) offsets(%arg7 : memref<80xi32, #tpu.memory_space<vmem>>) semaphore(%arg14 : memref<!tpu.dma_semaphore, #tpu.memory_space<semaphore_mem>>)
    %dma_start3A_18 = arith.constant 0 : i32
    %dma_start3A_19 = arith.constant 0 : i32
    %dma_start3A_20 = tpu.memref_slice %arg2[%dma_start3A_18, %dma_start3A_19] : memref<10000x128xf32, #tpu.memory_space<hbm>> -> memref<10000x128xf32, #tpu.memory_space<hbm>>
    tpu.enqueue_indirect_dma source(%dma_start3A_20 : memref<10000x128xf32, #tpu.memory_space<hbm>>) target(%arg12 : memref<80x128xf32, #tpu.memory_space<vmem>>) offsets(%arg8 : memref<80xi32, #tpu.memory_space<vmem>>) semaphore(%arg15 : memref<!tpu.dma_semaphore, #tpu.memory_space<semaphore_mem>>)
    %jit3A_21 = arith.constant 2 : i32
    %div3A = arith.divsi %select_n3A, %jit3A_21 : i32
    %sign3A = arith.constant 0 : i32
    %sign3A_22 = arith.cmpi sgt, %select_n3A, %sign3A : i32
    %sign3A_23 = arith.extui %sign3A_22 : i1 to i32
    %sign3A_24 = arith.constant 0 : i32
    %sign3A_25 = arith.cmpi slt, %select_n3A, %sign3A_24 : i32
    %sign3A_26 = arith.extui %sign3A_25 : i1 to i32
    %sign3A_27 = arith.subi %sign3A_23, %sign3A_26 : i32
    %sign3A_28 = arith.constant 0 : i32
    %sign3A_29 = arith.cmpi sgt, %jit3A_21, %sign3A_28 : i32
    %sign3A_30 = arith.extui %sign3A_29 : i1 to i32
    %sign3A_31 = arith.constant 0 : i32
    %sign3A_32 = arith.cmpi slt, %jit3A_21, %sign3A_31 : i32
    %sign3A_33 = arith.extui %sign3A_32 : i1 to i32
    %sign3A_34 = arith.subi %sign3A_30, %sign3A_33 : i32
    %ne3A = arith.cmpi ne, %sign3A_27, %sign3A_34 : i32
    %rem3A = arith.remsi %select_n3A, %jit3A_21 : i32
    %ne3A_35 = arith.constant 0 : i32
    %ne3A_36 = arith.cmpi ne, %rem3A, %ne3A_35 : i32
    %and3A = arith.andi %ne3A, %ne3A_36 : i1
    %sub3A = arith.constant 1 : i32
    %sub3A_37 = arith.subi %div3A, %sub3A : i32
    %select_n3A_38 = arith.select %and3A, %sub3A_37, %div3A : i32
    %sub3A_39 = arith.constant 1 : i32
    %sub3A_40 = arith.subi %select_n3A_38, %sub3A_39 : i32
    %while3A = arith.constant 0 : i32
    %while3A_41 = arith.constant 0 : i32
    %while3A_42 = arith.subi %sub3A_40, %while3A_41 : i32
    %while3A_43 = arith.addi %while3A_41, %while3A_42 : i32
    %while3A_44 = arith.constant 1 : i32
    %while3A_45 = arith.divsi %while3A_42, %while3A_44 : i32
    %while3A_46 = arith.muli %while3A_45, %while3A_44 : i32
    %while3A_47 = arith.addi %while3A_41, %while3A_46 : i32
    %while3A_48 = arith.constant 1 : i32
    scf.for %while3A_60 = %while3A_41 to %while3A_47 step %while3A_48  : i32 {
      %mul3A_61 = arith.constant 2 : i32
      %mul3A_62 = arith.muli %mul3A_61, %while3A_60 : i32
      %add3A_63 = arith.constant 2 : i32
      %add3A_64 = arith.addi %mul3A_62, %add3A_63 : i32
      %mul3A_65 = arith.constant 80 : i32
      %mul3A_66 = arith.muli %add3A_64, %mul3A_65 : i32
      %add3A_67 = arith.addi %add3A, %mul3A_66 : i32
      %add3A_68 = arith.constant 3 : i32
      %add3A_69 = arith.addi %mul3A_62, %add3A_68 : i32
      %mul3A_70 = arith.constant 80 : i32
      %mul3A_71 = arith.muli %add3A_69, %mul3A_70 : i32
      %add3A_72 = arith.addi %add3A, %mul3A_71 : i32
      %dma_wait3A_73 = arith.constant 0 : i32
      %dma_wait3A_74 = arith.constant 0 : i32
      %dma_wait3A_75 = tpu.memref_slice %arg2[%dma_wait3A_73, %dma_wait3A_74] : memref<10000x128xf32, #tpu.memory_space<hbm>> -> memref<10000x128xf32, #tpu.memory_space<hbm>>
      tpu.wait_indirect_dma semaphore(%arg14 : memref<!tpu.dma_semaphore, #tpu.memory_space<semaphore_mem>>) src(%dma_wait3A_75 : memref<10000x128xf32, #tpu.memory_space<hbm>>) dst(%arg11 : memref<80x128xf32, #tpu.memory_space<vmem>>)
      "tpu.region"() ({
        %run_scoped3A = tpu.sem_alloc : memref<!tpu.dma_semaphore, #tpu.memory_space<semaphore_mem>>
        %dma_start3A_101 = arith.constant 0 : i32
        %dma_start3A_102 = arith.constant 0 : i32
        %dma_start3A_103 = tpu.memref_slice %arg13[%dma_start3A_101, %dma_start3A_102] : memref<10240x128xf32, #tpu.memory_space<vmem_shared>> -> memref<10240x128xf32, #tpu.memory_space<vmem_shared>>
        tpu.enqueue_indirect_dma source(%arg11 : memref<80x128xf32, #tpu.memory_space<vmem>>) target(%dma_start3A_103 : memref<10240x128xf32, #tpu.memory_space<vmem_shared>>) offsets(%arg9 : memref<80xi32, #tpu.memory_space<vmem>>) semaphore(%run_scoped3A : memref<!tpu.dma_semaphore, #tpu.memory_space<semaphore_mem>>) {add = true}
        %dma_wait3A_104 = arith.constant 0 : i32
        %dma_wait3A_105 = arith.constant 0 : i32
        %dma_wait3A_106 = tpu.memref_slice %arg13[%dma_wait3A_104, %dma_wait3A_105] : memref<10240x128xf32, #tpu.memory_space<vmem_shared>> -> memref<10240x128xf32, #tpu.memory_space<vmem_shared>>
        tpu.wait_indirect_dma semaphore(%run_scoped3A : memref<!tpu.dma_semaphore, #tpu.memory_space<semaphore_mem>>) src(%arg11 : memref<80x128xf32, #tpu.memory_space<vmem>>) dst(%dma_wait3A_106 : memref<10240x128xf32, #tpu.memory_space<vmem_shared>>)
        tpu.yield
      }) : () -> ()
      %dma_start3A_76 = tpu.memref_slice %arg3[%add3A_67] : memref<320000xi32, #tpu.memory_space<hbm>> -> memref<80xi32, #tpu.memory_space<hbm>>
      %dma_start3A_77 = tpu.memref_slice %arg3[%add3A_67] : memref<320000xi32, #tpu.memory_space<hbm>> -> memref<80xi32, #tpu.memory_space<hbm>>
      tpu.enqueue_dma source(%dma_start3A_77 : memref<80xi32, #tpu.memory_space<hbm>>) target(%arg7 : memref<80xi32, #tpu.memory_space<vmem>>) target_semaphore(%arg16 : memref<!tpu.dma_semaphore, #tpu.memory_space<semaphore_mem>>)
      %dma_start3A_78 = tpu.memref_slice %arg4[%add3A_67] : memref<320000xi32, #tpu.memory_space<hbm>> -> memref<80xi32, #tpu.memory_space<hbm>>
      %dma_start3A_79 = tpu.memref_slice %arg4[%add3A_67] : memref<320000xi32, #tpu.memory_space<hbm>> -> memref<80xi32, #tpu.memory_space<hbm>>
      tpu.enqueue_dma source(%dma_start3A_79 : memref<80xi32, #tpu.memory_space<hbm>>) target(%arg9 : memref<80xi32, #tpu.memory_space<vmem>>) target_semaphore(%arg16 : memref<!tpu.dma_semaphore, #tpu.memory_space<semaphore_mem>>)
      %dma_wait3A_80 = arith.constant 0 : i32
      %dma_wait3A_81 = arith.constant 0 : i32
      %dma_wait3A_82 = tpu.memref_slice %arg2[%dma_wait3A_80, %dma_wait3A_81] : memref<10000x128xf32, #tpu.memory_space<hbm>> -> memref<10000x128xf32, #tpu.memory_space<hbm>>
      tpu.wait_indirect_dma semaphore(%arg15 : memref<!tpu.dma_semaphore, #tpu.memory_space<semaphore_mem>>) src(%dma_wait3A_82 : memref<10000x128xf32, #tpu.memory_space<hbm>>) dst(%arg12 : memref<80x128xf32, #tpu.memory_space<vmem>>)
      "tpu.region"() ({
        %run_scoped3A = tpu.sem_alloc : memref<!tpu.dma_semaphore, #tpu.memory_space<semaphore_mem>>
        %dma_start3A_101 = arith.constant 0 : i32
        %dma_start3A_102 = arith.constant 0 : i32
        %dma_start3A_103 = tpu.memref_slice %arg13[%dma_start3A_101, %dma_start3A_102] : memref<10240x128xf32, #tpu.memory_space<vmem_shared>> -> memref<10240x128xf32, #tpu.memory_space<vmem_shared>>
        tpu.enqueue_indirect_dma source(%arg12 : memref<80x128xf32, #tpu.memory_space<vmem>>) target(%dma_start3A_103 : memref<10240x128xf32, #tpu.memory_space<vmem_shared>>) offsets(%arg10 : memref<80xi32, #tpu.memory_space<vmem>>) semaphore(%run_scoped3A : memref<!tpu.dma_semaphore, #tpu.memory_space<semaphore_mem>>) {add = true}
        %dma_wait3A_104 = arith.constant 0 : i32
        %dma_wait3A_105 = arith.constant 0 : i32
        %dma_wait3A_106 = tpu.memref_slice %arg13[%dma_wait3A_104, %dma_wait3A_105] : memref<10240x128xf32, #tpu.memory_space<vmem_shared>> -> memref<10240x128xf32, #tpu.memory_space<vmem_shared>>
        tpu.wait_indirect_dma semaphore(%run_scoped3A : memref<!tpu.dma_semaphore, #tpu.memory_space<semaphore_mem>>) src(%arg12 : memref<80x128xf32, #tpu.memory_space<vmem>>) dst(%dma_wait3A_106 : memref<10240x128xf32, #tpu.memory_space<vmem_shared>>)
        tpu.yield
      }) : () -> ()
      %dma_start3A_83 = tpu.memref_slice %arg3[%add3A_72] : memref<320000xi32, #tpu.memory_space<hbm>> -> memref<80xi32, #tpu.memory_space<hbm>>
      %dma_start3A_84 = tpu.memref_slice %arg3[%add3A_72] : memref<320000xi32, #tpu.memory_space<hbm>> -> memref<80xi32, #tpu.memory_space<hbm>>
      tpu.enqueue_dma source(%dma_start3A_84 : memref<80xi32, #tpu.memory_space<hbm>>) target(%arg8 : memref<80xi32, #tpu.memory_space<vmem>>) target_semaphore(%arg17 : memref<!tpu.dma_semaphore, #tpu.memory_space<semaphore_mem>>)
      %dma_start3A_85 = tpu.memref_slice %arg4[%add3A_72] : memref<320000xi32, #tpu.memory_space<hbm>> -> memref<80xi32, #tpu.memory_space<hbm>>
      %dma_start3A_86 = tpu.memref_slice %arg4[%add3A_72] : memref<320000xi32, #tpu.memory_space<hbm>> -> memref<80xi32, #tpu.memory_space<hbm>>
      tpu.enqueue_dma source(%dma_start3A_86 : memref<80xi32, #tpu.memory_space<hbm>>) target(%arg10 : memref<80xi32, #tpu.memory_space<vmem>>) target_semaphore(%arg17 : memref<!tpu.dma_semaphore, #tpu.memory_space<semaphore_mem>>)
      %dma_wait3A_87 = tpu.memref_slice %arg3[%add3A_67] : memref<320000xi32, #tpu.memory_space<hbm>> -> memref<80xi32, #tpu.memory_space<hbm>>
      %dma_wait3A_88 = tpu.memref_slice %arg3[%add3A_67] : memref<320000xi32, #tpu.memory_space<hbm>> -> memref<80xi32, #tpu.memory_space<hbm>>
      tpu.wait_dma2 semaphore(%arg16 : memref<!tpu.dma_semaphore, #tpu.memory_space<semaphore_mem>>) src(%dma_wait3A_88 : memref<80xi32, #tpu.memory_space<hbm>>) dst(%arg7 : memref<80xi32, #tpu.memory_space<vmem>>)
      %dma_wait3A_89 = tpu.memref_slice %arg4[%add3A_67] : memref<320000xi32, #tpu.memory_space<hbm>> -> memref<80xi32, #tpu.memory_space<hbm>>
      %dma_wait3A_90 = tpu.memref_slice %arg4[%add3A_67] : memref<320000xi32, #tpu.memory_space<hbm>> -> memref<80xi32, #tpu.memory_space<hbm>>
      tpu.wait_dma2 semaphore(%arg16 : memref<!tpu.dma_semaphore, #tpu.memory_space<semaphore_mem>>) src(%dma_wait3A_90 : memref<80xi32, #tpu.memory_space<hbm>>) dst(%arg9 : memref<80xi32, #tpu.memory_space<vmem>>)
      %dma_start3A_91 = arith.constant 0 : i32
      %dma_start3A_92 = arith.constant 0 : i32
      %dma_start3A_93 = tpu.memref_slice %arg2[%dma_start3A_91, %dma_start3A_92] : memref<10000x128xf32, #tpu.memory_space<hbm>> -> memref<10000x128xf32, #tpu.memory_space<hbm>>
      tpu.enqueue_indirect_dma source(%dma_start3A_93 : memref<10000x128xf32, #tpu.memory_space<hbm>>) target(%arg11 : memref<80x128xf32, #tpu.memory_space<vmem>>) offsets(%arg7 : memref<80xi32, #tpu.memory_space<vmem>>) semaphore(%arg14 : memref<!tpu.dma_semaphore, #tpu.memory_space<semaphore_mem>>)
      %dma_wait3A_94 = tpu.memref_slice %arg3[%add3A_72] : memref<320000xi32, #tpu.memory_space<hbm>> -> memref<80xi32, #tpu.memory_space<hbm>>
      %dma_wait3A_95 = tpu.memref_slice %arg3[%add3A_72] : memref<320000xi32, #tpu.memory_space<hbm>> -> memref<80xi32, #tpu.memory_space<hbm>>
      tpu.wait_dma2 semaphore(%arg17 : memref<!tpu.dma_semaphore, #tpu.memory_space<semaphore_mem>>) src(%dma_wait3A_95 : memref<80xi32, #tpu.memory_space<hbm>>) dst(%arg8 : memref<80xi32, #tpu.memory_space<vmem>>)
      %dma_wait3A_96 = tpu.memref_slice %arg4[%add3A_72] : memref<320000xi32, #tpu.memory_space<hbm>> -> memref<80xi32, #tpu.memory_space<hbm>>
      %dma_wait3A_97 = tpu.memref_slice %arg4[%add3A_72] : memref<320000xi32, #tpu.memory_space<hbm>> -> memref<80xi32, #tpu.memory_space<hbm>>
      tpu.wait_dma2 semaphore(%arg17 : memref<!tpu.dma_semaphore, #tpu.memory_space<semaphore_mem>>) src(%dma_wait3A_97 : memref<80xi32, #tpu.memory_space<hbm>>) dst(%arg10 : memref<80xi32, #tpu.memory_space<vmem>>)
      %dma_start3A_98 = arith.constant 0 : i32
      %dma_start3A_99 = arith.constant 0 : i32
      %dma_start3A_100 = tpu.memref_slice %arg2[%dma_start3A_98, %dma_start3A_99] : memref<10000x128xf32, #tpu.memory_space<hbm>> -> memref<10000x128xf32, #tpu.memory_space<hbm>>
      tpu.enqueue_indirect_dma source(%dma_start3A_100 : memref<10000x128xf32, #tpu.memory_space<hbm>>) target(%arg12 : memref<80x128xf32, #tpu.memory_space<vmem>>) offsets(%arg8 : memref<80xi32, #tpu.memory_space<vmem>>) semaphore(%arg15 : memref<!tpu.dma_semaphore, #tpu.memory_space<semaphore_mem>>)
    }
    %while3A_49 = arith.constant 1 : i32
    scf.for %while3A_60 = %while3A_47 to %while3A_43 step %while3A_49  : i32 {
      %mul3A_61 = arith.constant 2 : i32
      %mul3A_62 = arith.muli %mul3A_61, %while3A_60 : i32
      %add3A_63 = arith.constant 2 : i32
      %add3A_64 = arith.addi %mul3A_62, %add3A_63 : i32
      %mul3A_65 = arith.constant 80 : i32
      %mul3A_66 = arith.muli %add3A_64, %mul3A_65 : i32
      %add3A_67 = arith.addi %add3A, %mul3A_66 : i32
      %add3A_68 = arith.constant 3 : i32
      %add3A_69 = arith.addi %mul3A_62, %add3A_68 : i32
      %mul3A_70 = arith.constant 80 : i32
      %mul3A_71 = arith.muli %add3A_69, %mul3A_70 : i32
      %add3A_72 = arith.addi %add3A, %mul3A_71 : i32
      %dma_wait3A_73 = arith.constant 0 : i32
      %dma_wait3A_74 = arith.constant 0 : i32
      %dma_wait3A_75 = tpu.memref_slice %arg2[%dma_wait3A_73, %dma_wait3A_74] : memref<10000x128xf32, #tpu.memory_space<hbm>> -> memref<10000x128xf32, #tpu.memory_space<hbm>>
      tpu.wait_indirect_dma semaphore(%arg14 : memref<!tpu.dma_semaphore, #tpu.memory_space<semaphore_mem>>) src(%dma_wait3A_75 : memref<10000x128xf32, #tpu.memory_space<hbm>>) dst(%arg11 : memref<80x128xf32, #tpu.memory_space<vmem>>)
      "tpu.region"() ({
        %run_scoped3A = tpu.sem_alloc : memref<!tpu.dma_semaphore, #tpu.memory_space<semaphore_mem>>
        %dma_start3A_101 = arith.constant 0 : i32
        %dma_start3A_102 = arith.constant 0 : i32
        %dma_start3A_103 = tpu.memref_slice %arg13[%dma_start3A_101, %dma_start3A_102] : memref<10240x128xf32, #tpu.memory_space<vmem_shared>> -> memref<10240x128xf32, #tpu.memory_space<vmem_shared>>
        tpu.enqueue_indirect_dma source(%arg11 : memref<80x128xf32, #tpu.memory_space<vmem>>) target(%dma_start3A_103 : memref<10240x128xf32, #tpu.memory_space<vmem_shared>>) offsets(%arg9 : memref<80xi32, #tpu.memory_space<vmem>>) semaphore(%run_scoped3A : memref<!tpu.dma_semaphore, #tpu.memory_space<semaphore_mem>>) {add = true}
        %dma_wait3A_104 = arith.constant 0 : i32
        %dma_wait3A_105 = arith.constant 0 : i32
        %dma_wait3A_106 = tpu.memref_slice %arg13[%dma_wait3A_104, %dma_wait3A_105] : memref<10240x128xf32, #tpu.memory_space<vmem_shared>> -> memref<10240x128xf32, #tpu.memory_space<vmem_shared>>
        tpu.wait_indirect_dma semaphore(%run_scoped3A : memref<!tpu.dma_semaphore, #tpu.memory_space<semaphore_mem>>) src(%arg11 : memref<80x128xf32, #tpu.memory_space<vmem>>) dst(%dma_wait3A_106 : memref<10240x128xf32, #tpu.memory_space<vmem_shared>>)
        tpu.yield
      }) : () -> ()
      %dma_start3A_76 = tpu.memref_slice %arg3[%add3A_67] : memref<320000xi32, #tpu.memory_space<hbm>> -> memref<80xi32, #tpu.memory_space<hbm>>
      %dma_start3A_77 = tpu.memref_slice %arg3[%add3A_67] : memref<320000xi32, #tpu.memory_space<hbm>> -> memref<80xi32, #tpu.memory_space<hbm>>
      tpu.enqueue_dma source(%dma_start3A_77 : memref<80xi32, #tpu.memory_space<hbm>>) target(%arg7 : memref<80xi32, #tpu.memory_space<vmem>>) target_semaphore(%arg16 : memref<!tpu.dma_semaphore, #tpu.memory_space<semaphore_mem>>)
      %dma_start3A_78 = tpu.memref_slice %arg4[%add3A_67] : memref<320000xi32, #tpu.memory_space<hbm>> -> memref<80xi32, #tpu.memory_space<hbm>>
      %dma_start3A_79 = tpu.memref_slice %arg4[%add3A_67] : memref<320000xi32, #tpu.memory_space<hbm>> -> memref<80xi32, #tpu.memory_space<hbm>>
      tpu.enqueue_dma source(%dma_start3A_79 : memref<80xi32, #tpu.memory_space<hbm>>) target(%arg9 : memref<80xi32, #tpu.memory_space<vmem>>) target_semaphore(%arg16 : memref<!tpu.dma_semaphore, #tpu.memory_space<semaphore_mem>>)
      %dma_wait3A_80 = arith.constant 0 : i32
      %dma_wait3A_81 = arith.constant 0 : i32
      %dma_wait3A_82 = tpu.memref_slice %arg2[%dma_wait3A_80, %dma_wait3A_81] : memref<10000x128xf32, #tpu.memory_space<hbm>> -> memref<10000x128xf32, #tpu.memory_space<hbm>>
      tpu.wait_indirect_dma semaphore(%arg15 : memref<!tpu.dma_semaphore, #tpu.memory_space<semaphore_mem>>) src(%dma_wait3A_82 : memref<10000x128xf32, #tpu.memory_space<hbm>>) dst(%arg12 : memref<80x128xf32, #tpu.memory_space<vmem>>)
      "tpu.region"() ({
        %run_scoped3A = tpu.sem_alloc : memref<!tpu.dma_semaphore, #tpu.memory_space<semaphore_mem>>
        %dma_start3A_101 = arith.constant 0 : i32
        %dma_start3A_102 = arith.constant 0 : i32
        %dma_start3A_103 = tpu.memref_slice %arg13[%dma_start3A_101, %dma_start3A_102] : memref<10240x128xf32, #tpu.memory_space<vmem_shared>> -> memref<10240x128xf32, #tpu.memory_space<vmem_shared>>
        tpu.enqueue_indirect_dma source(%arg12 : memref<80x128xf32, #tpu.memory_space<vmem>>) target(%dma_start3A_103 : memref<10240x128xf32, #tpu.memory_space<vmem_shared>>) offsets(%arg10 : memref<80xi32, #tpu.memory_space<vmem>>) semaphore(%run_scoped3A : memref<!tpu.dma_semaphore, #tpu.memory_space<semaphore_mem>>) {add = true}
        %dma_wait3A_104 = arith.constant 0 : i32
        %dma_wait3A_105 = arith.constant 0 : i32
        %dma_wait3A_106 = tpu.memref_slice %arg13[%dma_wait3A_104, %dma_wait3A_105] : memref<10240x128xf32, #tpu.memory_space<vmem_shared>> -> memref<10240x128xf32, #tpu.memory_space<vmem_shared>>
        tpu.wait_indirect_dma semaphore(%run_scoped3A : memref<!tpu.dma_semaphore, #tpu.memory_space<semaphore_mem>>) src(%arg12 : memref<80x128xf32, #tpu.memory_space<vmem>>) dst(%dma_wait3A_106 : memref<10240x128xf32, #tpu.memory_space<vmem_shared>>)
        tpu.yield
      }) : () -> ()
      %dma_start3A_83 = tpu.memref_slice %arg3[%add3A_72] : memref<320000xi32, #tpu.memory_space<hbm>> -> memref<80xi32, #tpu.memory_space<hbm>>
      %dma_start3A_84 = tpu.memref_slice %arg3[%add3A_72] : memref<320000xi32, #tpu.memory_space<hbm>> -> memref<80xi32, #tpu.memory_space<hbm>>
      tpu.enqueue_dma source(%dma_start3A_84 : memref<80xi32, #tpu.memory_space<hbm>>) target(%arg8 : memref<80xi32, #tpu.memory_space<vmem>>) target_semaphore(%arg17 : memref<!tpu.dma_semaphore, #tpu.memory_space<semaphore_mem>>)
      %dma_start3A_85 = tpu.memref_slice %arg4[%add3A_72] : memref<320000xi32, #tpu.memory_space<hbm>> -> memref<80xi32, #tpu.memory_space<hbm>>
      %dma_start3A_86 = tpu.memref_slice %arg4[%add3A_72] : memref<320000xi32, #tpu.memory_space<hbm>> -> memref<80xi32, #tpu.memory_space<hbm>>
      tpu.enqueue_dma source(%dma_start3A_86 : memref<80xi32, #tpu.memory_space<hbm>>) target(%arg10 : memref<80xi32, #tpu.memory_space<vmem>>) target_semaphore(%arg17 : memref<!tpu.dma_semaphore, #tpu.memory_space<semaphore_mem>>)
      %dma_wait3A_87 = tpu.memref_slice %arg3[%add3A_67] : memref<320000xi32, #tpu.memory_space<hbm>> -> memref<80xi32, #tpu.memory_space<hbm>>
      %dma_wait3A_88 = tpu.memref_slice %arg3[%add3A_67] : memref<320000xi32, #tpu.memory_space<hbm>> -> memref<80xi32, #tpu.memory_space<hbm>>
      tpu.wait_dma2 semaphore(%arg16 : memref<!tpu.dma_semaphore, #tpu.memory_space<semaphore_mem>>) src(%dma_wait3A_88 : memref<80xi32, #tpu.memory_space<hbm>>) dst(%arg7 : memref<80xi32, #tpu.memory_space<vmem>>)
      %dma_wait3A_89 = tpu.memref_slice %arg4[%add3A_67] : memref<320000xi32, #tpu.memory_space<hbm>> -> memref<80xi32, #tpu.memory_space<hbm>>
      %dma_wait3A_90 = tpu.memref_slice %arg4[%add3A_67] : memref<320000xi32, #tpu.memory_space<hbm>> -> memref<80xi32, #tpu.memory_space<hbm>>
      tpu.wait_dma2 semaphore(%arg16 : memref<!tpu.dma_semaphore, #tpu.memory_space<semaphore_mem>>) src(%dma_wait3A_90 : memref<80xi32, #tpu.memory_space<hbm>>) dst(%arg9 : memref<80xi32, #tpu.memory_space<vmem>>)
      %dma_start3A_91 = arith.constant 0 : i32
      %dma_start3A_92 = arith.constant 0 : i32
      %dma_start3A_93 = tpu.memref_slice %arg2[%dma_start3A_91, %dma_start3A_92] : memref<10000x128xf32, #tpu.memory_space<hbm>> -> memref<10000x128xf32, #tpu.memory_space<hbm>>
      tpu.enqueue_indirect_dma source(%dma_start3A_93 : memref<10000x128xf32, #tpu.memory_space<hbm>>) target(%arg11 : memref<80x128xf32, #tpu.memory_space<vmem>>) offsets(%arg7 : memref<80xi32, #tpu.memory_space<vmem>>) semaphore(%arg14 : memref<!tpu.dma_semaphore, #tpu.memory_space<semaphore_mem>>)
      %dma_wait3A_94 = tpu.memref_slice %arg3[%add3A_72] : memref<320000xi32, #tpu.memory_space<hbm>> -> memref<80xi32, #tpu.memory_space<hbm>>
      %dma_wait3A_95 = tpu.memref_slice %arg3[%add3A_72] : memref<320000xi32, #tpu.memory_space<hbm>> -> memref<80xi32, #tpu.memory_space<hbm>>
      tpu.wait_dma2 semaphore(%arg17 : memref<!tpu.dma_semaphore, #tpu.memory_space<semaphore_mem>>) src(%dma_wait3A_95 : memref<80xi32, #tpu.memory_space<hbm>>) dst(%arg8 : memref<80xi32, #tpu.memory_space<vmem>>)
      %dma_wait3A_96 = tpu.memref_slice %arg4[%add3A_72] : memref<320000xi32, #tpu.memory_space<hbm>> -> memref<80xi32, #tpu.memory_space<hbm>>
      %dma_wait3A_97 = tpu.memref_slice %arg4[%add3A_72] : memref<320000xi32, #tpu.memory_space<hbm>> -> memref<80xi32, #tpu.memory_space<hbm>>
      tpu.wait_dma2 semaphore(%arg17 : memref<!tpu.dma_semaphore, #tpu.memory_space<semaphore_mem>>) src(%dma_wait3A_97 : memref<80xi32, #tpu.memory_space<hbm>>) dst(%arg10 : memref<80xi32, #tpu.memory_space<vmem>>)
      %dma_start3A_98 = arith.constant 0 : i32
      %dma_start3A_99 = arith.constant 0 : i32
      %dma_start3A_100 = tpu.memref_slice %arg2[%dma_start3A_98, %dma_start3A_99] : memref<10000x128xf32, #tpu.memory_space<hbm>> -> memref<10000x128xf32, #tpu.memory_space<hbm>>
      tpu.enqueue_indirect_dma source(%dma_start3A_100 : memref<10000x128xf32, #tpu.memory_space<hbm>>) target(%arg12 : memref<80x128xf32, #tpu.memory_space<vmem>>) offsets(%arg8 : memref<80xi32, #tpu.memory_space<vmem>>) semaphore(%arg15 : memref<!tpu.dma_semaphore, #tpu.memory_space<semaphore_mem>>)
    }
    %dma_wait3A = arith.constant 0 : i32
    %dma_wait3A_50 = arith.constant 0 : i32
    %dma_wait3A_51 = tpu.memref_slice %arg2[%dma_wait3A, %dma_wait3A_50] : memref<10000x128xf32, #tpu.memory_space<hbm>> -> memref<10000x128xf32, #tpu.memory_space<hbm>>
    tpu.wait_indirect_dma semaphore(%arg14 : memref<!tpu.dma_semaphore, #tpu.memory_space<semaphore_mem>>) src(%dma_wait3A_51 : memref<10000x128xf32, #tpu.memory_space<hbm>>) dst(%arg11 : memref<80x128xf32, #tpu.memory_space<vmem>>)
    "tpu.region"() ({
      %run_scoped3A = tpu.sem_alloc : memref<!tpu.dma_semaphore, #tpu.memory_space<semaphore_mem>>
      %dma_start3A_60 = arith.constant 0 : i32
      %dma_start3A_61 = arith.constant 0 : i32
      %dma_start3A_62 = tpu.memref_slice %arg13[%dma_start3A_60, %dma_start3A_61] : memref<10240x128xf32, #tpu.memory_space<vmem_shared>> -> memref<10240x128xf32, #tpu.memory_space<vmem_shared>>
      tpu.enqueue_indirect_dma source(%arg11 : memref<80x128xf32, #tpu.memory_space<vmem>>) target(%dma_start3A_62 : memref<10240x128xf32, #tpu.memory_space<vmem_shared>>) offsets(%arg9 : memref<80xi32, #tpu.memory_space<vmem>>) semaphore(%run_scoped3A : memref<!tpu.dma_semaphore, #tpu.memory_space<semaphore_mem>>) {add = true}
      %dma_wait3A_63 = arith.constant 0 : i32
      %dma_wait3A_64 = arith.constant 0 : i32
      %dma_wait3A_65 = tpu.memref_slice %arg13[%dma_wait3A_63, %dma_wait3A_64] : memref<10240x128xf32, #tpu.memory_space<vmem_shared>> -> memref<10240x128xf32, #tpu.memory_space<vmem_shared>>
      tpu.wait_indirect_dma semaphore(%run_scoped3A : memref<!tpu.dma_semaphore, #tpu.memory_space<semaphore_mem>>) src(%arg11 : memref<80x128xf32, #tpu.memory_space<vmem>>) dst(%dma_wait3A_65 : memref<10240x128xf32, #tpu.memory_space<vmem_shared>>)
      tpu.yield
    }) : () -> ()
    %dma_wait3A_52 = arith.constant 0 : i32
    %dma_wait3A_53 = arith.constant 0 : i32
    %dma_wait3A_54 = tpu.memref_slice %arg2[%dma_wait3A_52, %dma_wait3A_53] : memref<10000x128xf32, #tpu.memory_space<hbm>> -> memref<10000x128xf32, #tpu.memory_space<hbm>>
    tpu.wait_indirect_dma semaphore(%arg15 : memref<!tpu.dma_semaphore, #tpu.memory_space<semaphore_mem>>) src(%dma_wait3A_54 : memref<10000x128xf32, #tpu.memory_space<hbm>>) dst(%arg12 : memref<80x128xf32, #tpu.memory_space<vmem>>)
    "tpu.region"() ({
      %run_scoped3A = tpu.sem_alloc : memref<!tpu.dma_semaphore, #tpu.memory_space<semaphore_mem>>
      %dma_start3A_60 = arith.constant 0 : i32
      %dma_start3A_61 = arith.constant 0 : i32
      %dma_start3A_62 = tpu.memref_slice %arg13[%dma_start3A_60, %dma_start3A_61] : memref<10240x128xf32, #tpu.memory_space<vmem_shared>> -> memref<10240x128xf32, #tpu.memory_space<vmem_shared>>
      tpu.enqueue_indirect_dma source(%arg12 : memref<80x128xf32, #tpu.memory_space<vmem>>) target(%dma_start3A_62 : memref<10240x128xf32, #tpu.memory_space<vmem_shared>>) offsets(%arg10 : memref<80xi32, #tpu.memory_space<vmem>>) semaphore(%run_scoped3A : memref<!tpu.dma_semaphore, #tpu.memory_space<semaphore_mem>>) {add = true}
      %dma_wait3A_63 = arith.constant 0 : i32
      %dma_wait3A_64 = arith.constant 0 : i32
      %dma_wait3A_65 = tpu.memref_slice %arg13[%dma_wait3A_63, %dma_wait3A_64] : memref<10240x128xf32, #tpu.memory_space<vmem_shared>> -> memref<10240x128xf32, #tpu.memory_space<vmem_shared>>
      tpu.wait_indirect_dma semaphore(%run_scoped3A : memref<!tpu.dma_semaphore, #tpu.memory_space<semaphore_mem>>) src(%arg12 : memref<80x128xf32, #tpu.memory_space<vmem>>) dst(%dma_wait3A_65 : memref<10240x128xf32, #tpu.memory_space<vmem_shared>>)
      tpu.yield
    }) : () -> ()
    %barrier3A_55 = arith.constant 0 : index
    tpu.barrier barrier_id(%barrier3A_55)
    %mul3A_56 = arith.constant 640 : i32
    %mul3A_57 = arith.muli %arg1, %mul3A_56 : i32
    %mul3A_58 = arith.constant 640 : i32
    %mul3A_59 = arith.muli %arg1, %mul3A_58 : i32
    "tpu.region"() ({
      %run_scoped3A = tpu.sem_alloc : memref<!tpu.dma_semaphore, #tpu.memory_space<semaphore_mem>>
      %dma_start3A_60 = arith.constant 0 : i32
      %dma_start3A_61 = tpu.memref_slice %arg6[%arg0, %mul3A_59, %dma_start3A_60] : memref<2x10240x128xf32, #tpu.memory_space<hbm>> -> memref<1x640x128xf32, #tpu.memory_space<hbm>>
      %dma_start3A_62 = tpu.memref_squeeze %dma_start3A_61 : memref<1x640x128xf32, #tpu.memory_space<hbm>> -> memref<640x128xf32, #tpu.memory_space<hbm>>
      %dma_start3A_63 = arith.constant 0 : i32
      %dma_start3A_64 = tpu.memref_slice %arg13[%mul3A_57, %dma_start3A_63] : memref<10240x128xf32, #tpu.memory_space<vmem_shared>> -> memref<640x128xf32, #tpu.memory_space<vmem_shared>>
      tpu.enqueue_dma source(%dma_start3A_64 : memref<640x128xf32, #tpu.memory_space<vmem_shared>>) target(%dma_start3A_62 : memref<640x128xf32, #tpu.memory_space<hbm>>) target_semaphore(%run_scoped3A : memref<!tpu.dma_semaphore, #tpu.memory_space<semaphore_mem>>)
      %dma_wait3A_65 = arith.constant 0 : i32
      %dma_wait3A_66 = tpu.memref_slice %arg6[%arg0, %mul3A_59, %dma_wait3A_65] : memref<2x10240x128xf32, #tpu.memory_space<hbm>> -> memref<1x640x128xf32, #tpu.memory_space<hbm>>
      %dma_wait3A_67 = tpu.memref_squeeze %dma_wait3A_66 : memref<1x640x128xf32, #tpu.memory_space<hbm>> -> memref<640x128xf32, #tpu.memory_space<hbm>>
      %dma_wait3A_68 = arith.constant 0 : i32
      %dma_wait3A_69 = tpu.memref_slice %arg13[%mul3A_57, %dma_wait3A_68] : memref<10240x128xf32, #tpu.memory_space<vmem_shared>> -> memref<640x128xf32, #tpu.memory_space<vmem_shared>>
      tpu.wait_dma2 semaphore(%run_scoped3A : memref<!tpu.dma_semaphore, #tpu.memory_space<semaphore_mem>>) src(%dma_wait3A_69 : memref<640x128xf32, #tpu.memory_space<vmem_shared>>) dst(%dma_wait3A_67 : memref<640x128xf32, #tpu.memory_space<hbm>>)
      tpu.yield
    }) : () -> ()
    return
  }
}

#map = affine_map<(d0, d1) -> (0, 0, 0)>
#map1 = affine_map<(d0, d1) -> (0, 0)>
module attributes {stable_mosaic.version = 14 : i64} {
  func.func @_sc_count_body(%arg0: i32, %arg1: i32, %arg2: memref<32x80x128xi32, #tpu.memory_space<hbm>>, %arg3: memref<128x128xf32, #tpu.memory_space<hbm>>, %arg4: memref<640x128xf32, #tpu.memory_space<hbm>>, %arg5: memref<2x10240x128xf32, #tpu.memory_space<hbm>>, %arg6: memref<80x128xi32, #tpu.memory_space<vmem>>, %arg7: memref<128x128xf32, #tpu.memory_space<vmem>>, %arg8: memref<10240x128xf32, #tpu.memory_space<vmem_shared>>, %arg9: memref<!tpu.dma_semaphore, #tpu.memory_space<semaphore_mem>>, %arg10: memref<!tpu.dma_semaphore, #tpu.memory_space<semaphore_mem>>) attributes {dimension_semantics = [#tpu.dimension_semantics<core_parallel>, #tpu.dimension_semantics<subcore_parallel>], iteration_bounds = array<i64: 2, 16>, scalar_prefetch = 0 : i64, scratch_operands = 5 : i64, tpu.core_type = #tpu.core_type<sc_vector_subcore>, window_params = [{transform_indices = #map}, {transform_indices = #map1}, {transform_indices = #map1}, {transform_indices = #map}]} {
    %mul3A = arith.constant 16 : i32
    %mul3A_0 = arith.muli %arg0, %mul3A : i32
    %add3A = arith.addi %mul3A_0, %arg1 : i32
    %mul3A_1 = arith.constant 640 : i32
    %mul3A_2 = arith.muli %arg1, %mul3A_1 : i32
    "tpu.region"() ({
      %run_scoped3A = tpu.sem_alloc : memref<!tpu.dma_semaphore, #tpu.memory_space<semaphore_mem>>
      %dma_start3A_39 = arith.constant 0 : i32
      %dma_start3A_40 = tpu.memref_slice %arg8[%mul3A_2, %dma_start3A_39] : memref<10240x128xf32, #tpu.memory_space<vmem_shared>> -> memref<640x128xf32, #tpu.memory_space<vmem_shared>>
      tpu.enqueue_dma source(%arg4 : memref<640x128xf32, #tpu.memory_space<hbm>>) target(%dma_start3A_40 : memref<640x128xf32, #tpu.memory_space<vmem_shared>>) target_semaphore(%run_scoped3A : memref<!tpu.dma_semaphore, #tpu.memory_space<semaphore_mem>>)
      %dma_wait3A_41 = arith.constant 0 : i32
      %dma_wait3A_42 = tpu.memref_slice %arg8[%mul3A_2, %dma_wait3A_41] : memref<10240x128xf32, #tpu.memory_space<vmem_shared>> -> memref<640x128xf32, #tpu.memory_space<vmem_shared>>
      tpu.wait_dma2 semaphore(%run_scoped3A : memref<!tpu.dma_semaphore, #tpu.memory_space<semaphore_mem>>) src(%arg4 : memref<640x128xf32, #tpu.memory_space<hbm>>) dst(%dma_wait3A_42 : memref<640x128xf32, #tpu.memory_space<vmem_shared>>)
      tpu.yield
    }) : () -> ()
    "tpu.region"() ({
      %run_scoped3A = tpu.sem_alloc : memref<!tpu.dma_semaphore, #tpu.memory_space<semaphore_mem>>
      tpu.enqueue_dma source(%arg3 : memref<128x128xf32, #tpu.memory_space<hbm>>) target(%arg7 : memref<128x128xf32, #tpu.memory_space<vmem>>) target_semaphore(%run_scoped3A : memref<!tpu.dma_semaphore, #tpu.memory_space<semaphore_mem>>)
      tpu.wait_dma2 semaphore(%run_scoped3A : memref<!tpu.dma_semaphore, #tpu.memory_space<semaphore_mem>>) src(%arg3 : memref<128x128xf32, #tpu.memory_space<hbm>>) dst(%arg7 : memref<128x128xf32, #tpu.memory_space<vmem>>)
      tpu.yield
    }) : () -> ()
    "tpu.region"() ({
      %run_scoped3A = tpu.sem_alloc : memref<!tpu.dma_semaphore, #tpu.memory_space<semaphore_mem>>
      %dma_start3A_39 = arith.constant 0 : i32
      %dma_start3A_40 = arith.constant 0 : i32
      %dma_start3A_41 = tpu.memref_slice %arg2[%add3A, %dma_start3A_39, %dma_start3A_40] : memref<32x80x128xi32, #tpu.memory_space<hbm>> -> memref<1x80x128xi32, #tpu.memory_space<hbm>>
      %dma_start3A_42 = tpu.memref_squeeze %dma_start3A_41 : memref<1x80x128xi32, #tpu.memory_space<hbm>> -> memref<80x128xi32, #tpu.memory_space<hbm>>
      %dma_start3A_43 = arith.constant 0 : i32
      %dma_start3A_44 = arith.constant 0 : i32
      %dma_start3A_45 = tpu.memref_slice %arg2[%add3A, %dma_start3A_43, %dma_start3A_44] : memref<32x80x128xi32, #tpu.memory_space<hbm>> -> memref<1x80x128xi32, #tpu.memory_space<hbm>>
      %dma_start3A_46 = tpu.memref_squeeze %dma_start3A_45 : memref<1x80x128xi32, #tpu.memory_space<hbm>> -> memref<80x128xi32, #tpu.memory_space<hbm>>
      tpu.enqueue_dma source(%dma_start3A_46 : memref<80x128xi32, #tpu.memory_space<hbm>>) target(%arg6 : memref<80x128xi32, #tpu.memory_space<vmem>>) target_semaphore(%run_scoped3A : memref<!tpu.dma_semaphore, #tpu.memory_space<semaphore_mem>>)
      %dma_wait3A_47 = arith.constant 0 : i32
      %dma_wait3A_48 = arith.constant 0 : i32
      %dma_wait3A_49 = tpu.memref_slice %arg2[%add3A, %dma_wait3A_47, %dma_wait3A_48] : memref<32x80x128xi32, #tpu.memory_space<hbm>> -> memref<1x80x128xi32, #tpu.memory_space<hbm>>
      %dma_wait3A_50 = tpu.memref_squeeze %dma_wait3A_49 : memref<1x80x128xi32, #tpu.memory_space<hbm>> -> memref<80x128xi32, #tpu.memory_space<hbm>>
      %dma_wait3A_51 = arith.constant 0 : i32
      %dma_wait3A_52 = arith.constant 0 : i32
      %dma_wait3A_53 = tpu.memref_slice %arg2[%add3A, %dma_wait3A_51, %dma_wait3A_52] : memref<32x80x128xi32, #tpu.memory_space<hbm>> -> memref<1x80x128xi32, #tpu.memory_space<hbm>>
      %dma_wait3A_54 = tpu.memref_squeeze %dma_wait3A_53 : memref<1x80x128xi32, #tpu.memory_space<hbm>> -> memref<80x128xi32, #tpu.memory_space<hbm>>
      tpu.wait_dma2 semaphore(%run_scoped3A : memref<!tpu.dma_semaphore, #tpu.memory_space<semaphore_mem>>) src(%dma_wait3A_54 : memref<80x128xi32, #tpu.memory_space<hbm>>) dst(%arg6 : memref<80x128xi32, #tpu.memory_space<vmem>>)
      tpu.yield
    }) : () -> ()
    %barrier3A = arith.constant 0 : index
    tpu.barrier barrier_id(%barrier3A)
    %dma_start3A = arith.constant 0 : i32
    %dma_start3A_3 = arith.constant 0 : i32
    %dma_start3A_4 = tpu.memref_slice %arg6[%dma_start3A, %dma_start3A_3] : memref<80x128xi32, #tpu.memory_space<vmem>> -> memref<1x128xi32, #tpu.memory_space<vmem>>
    %dma_start3A_5 = tpu.memref_squeeze %dma_start3A_4 : memref<1x128xi32, #tpu.memory_space<vmem>> -> memref<128xi32, #tpu.memory_space<vmem>>
    %dma_start3A_6 = arith.constant 0 : i32
    %dma_start3A_7 = arith.constant 0 : i32
    %dma_start3A_8 = tpu.memref_slice %arg8[%dma_start3A_6, %dma_start3A_7] : memref<10240x128xf32, #tpu.memory_space<vmem_shared>> -> memref<10240x128xf32, #tpu.memory_space<vmem_shared>>
    tpu.enqueue_indirect_dma source(%arg7 : memref<128x128xf32, #tpu.memory_space<vmem>>) target(%dma_start3A_8 : memref<10240x128xf32, #tpu.memory_space<vmem_shared>>) offsets(%dma_start3A_5 : memref<128xi32, #tpu.memory_space<vmem>>) semaphore(%arg9 : memref<!tpu.dma_semaphore, #tpu.memory_space<semaphore_mem>>) {add = true}
    %dma_start3A_9 = arith.constant 1 : i32
    %dma_start3A_10 = arith.constant 0 : i32
    %dma_start3A_11 = tpu.memref_slice %arg6[%dma_start3A_9, %dma_start3A_10] : memref<80x128xi32, #tpu.memory_space<vmem>> -> memref<1x128xi32, #tpu.memory_space<vmem>>
    %dma_start3A_12 = tpu.memref_squeeze %dma_start3A_11 : memref<1x128xi32, #tpu.memory_space<vmem>> -> memref<128xi32, #tpu.memory_space<vmem>>
    %dma_start3A_13 = arith.constant 0 : i32
    %dma_start3A_14 = arith.constant 0 : i32
    %dma_start3A_15 = tpu.memref_slice %arg8[%dma_start3A_13, %dma_start3A_14] : memref<10240x128xf32, #tpu.memory_space<vmem_shared>> -> memref<10240x128xf32, #tpu.memory_space<vmem_shared>>
    tpu.enqueue_indirect_dma source(%arg7 : memref<128x128xf32, #tpu.memory_space<vmem>>) target(%dma_start3A_15 : memref<10240x128xf32, #tpu.memory_space<vmem_shared>>) offsets(%dma_start3A_12 : memref<128xi32, #tpu.memory_space<vmem>>) semaphore(%arg10 : memref<!tpu.dma_semaphore, #tpu.memory_space<semaphore_mem>>) {add = true}
    %scan3A = arith.constant 0 : i32
    %scan3A_16 = arith.constant 0 : i32
    %scan3A_17 = arith.constant 39 : i32
    %scan3A_18 = arith.addi %scan3A_16, %scan3A_17 : i32
    %scan3A_19 = arith.constant 1 : i32
    scf.for %scan3A_39 = %scan3A_16 to %scan3A_18 step %scan3A_19  : i32 {
      %mul3A_40 = arith.constant 2 : i32
      %mul3A_41 = arith.muli %mul3A_40, %scan3A_39 : i32
      %dma_wait3A_42 = arith.constant 0 : i32
      %dma_wait3A_43 = tpu.memref_slice %arg6[%mul3A_41, %dma_wait3A_42] : memref<80x128xi32, #tpu.memory_space<vmem>> -> memref<1x128xi32, #tpu.memory_space<vmem>>
      %dma_wait3A_44 = tpu.memref_squeeze %dma_wait3A_43 : memref<1x128xi32, #tpu.memory_space<vmem>> -> memref<128xi32, #tpu.memory_space<vmem>>
      %dma_wait3A_45 = arith.constant 0 : i32
      %dma_wait3A_46 = arith.constant 0 : i32
      %dma_wait3A_47 = tpu.memref_slice %arg8[%dma_wait3A_45, %dma_wait3A_46] : memref<10240x128xf32, #tpu.memory_space<vmem_shared>> -> memref<10240x128xf32, #tpu.memory_space<vmem_shared>>
      tpu.wait_indirect_dma semaphore(%arg9 : memref<!tpu.dma_semaphore, #tpu.memory_space<semaphore_mem>>) src(%arg7 : memref<128x128xf32, #tpu.memory_space<vmem>>) dst(%dma_wait3A_47 : memref<10240x128xf32, #tpu.memory_space<vmem_shared>>)
      %add3A_48 = arith.constant 2 : i32
      %add3A_49 = arith.addi %mul3A_41, %add3A_48 : i32
      %dma_start3A_50 = arith.constant 0 : i32
      %dma_start3A_51 = tpu.memref_slice %arg6[%add3A_49, %dma_start3A_50] : memref<80x128xi32, #tpu.memory_space<vmem>> -> memref<1x128xi32, #tpu.memory_space<vmem>>
      %dma_start3A_52 = tpu.memref_squeeze %dma_start3A_51 : memref<1x128xi32, #tpu.memory_space<vmem>> -> memref<128xi32, #tpu.memory_space<vmem>>
      %dma_start3A_53 = arith.constant 0 : i32
      %dma_start3A_54 = arith.constant 0 : i32
      %dma_start3A_55 = tpu.memref_slice %arg8[%dma_start3A_53, %dma_start3A_54] : memref<10240x128xf32, #tpu.memory_space<vmem_shared>> -> memref<10240x128xf32, #tpu.memory_space<vmem_shared>>
      tpu.enqueue_indirect_dma source(%arg7 : memref<128x128xf32, #tpu.memory_space<vmem>>) target(%dma_start3A_55 : memref<10240x128xf32, #tpu.memory_space<vmem_shared>>) offsets(%dma_start3A_52 : memref<128xi32, #tpu.memory_space<vmem>>) semaphore(%arg9 : memref<!tpu.dma_semaphore, #tpu.memory_space<semaphore_mem>>) {add = true}
      %dma_wait3A_56 = arith.constant 0 : i32
      %dma_wait3A_57 = tpu.memref_slice %arg6[%mul3A_41, %dma_wait3A_56] : memref<80x128xi32, #tpu.memory_space<vmem>> -> memref<1x128xi32, #tpu.memory_space<vmem>>
      %dma_wait3A_58 = tpu.memref_squeeze %dma_wait3A_57 : memref<1x128xi32, #tpu.memory_space<vmem>> -> memref<128xi32, #tpu.memory_space<vmem>>
      %dma_wait3A_59 = arith.constant 0 : i32
      %dma_wait3A_60 = arith.constant 0 : i32
      %dma_wait3A_61 = tpu.memref_slice %arg8[%dma_wait3A_59, %dma_wait3A_60] : memref<10240x128xf32, #tpu.memory_space<vmem_shared>> -> memref<10240x128xf32, #tpu.memory_space<vmem_shared>>
      tpu.wait_indirect_dma semaphore(%arg10 : memref<!tpu.dma_semaphore, #tpu.memory_space<semaphore_mem>>) src(%arg7 : memref<128x128xf32, #tpu.memory_space<vmem>>) dst(%dma_wait3A_61 : memref<10240x128xf32, #tpu.memory_space<vmem_shared>>)
      %add3A_62 = arith.constant 3 : i32
      %add3A_63 = arith.addi %mul3A_41, %add3A_62 : i32
      %dma_start3A_64 = arith.constant 0 : i32
      %dma_start3A_65 = tpu.memref_slice %arg6[%add3A_63, %dma_start3A_64] : memref<80x128xi32, #tpu.memory_space<vmem>> -> memref<1x128xi32, #tpu.memory_space<vmem>>
      %dma_start3A_66 = tpu.memref_squeeze %dma_start3A_65 : memref<1x128xi32, #tpu.memory_space<vmem>> -> memref<128xi32, #tpu.memory_space<vmem>>
      %dma_start3A_67 = arith.constant 0 : i32
      %dma_start3A_68 = arith.constant 0 : i32
      %dma_start3A_69 = tpu.memref_slice %arg8[%dma_start3A_67, %dma_start3A_68] : memref<10240x128xf32, #tpu.memory_space<vmem_shared>> -> memref<10240x128xf32, #tpu.memory_space<vmem_shared>>
      tpu.enqueue_indirect_dma source(%arg7 : memref<128x128xf32, #tpu.memory_space<vmem>>) target(%dma_start3A_69 : memref<10240x128xf32, #tpu.memory_space<vmem_shared>>) offsets(%dma_start3A_66 : memref<128xi32, #tpu.memory_space<vmem>>) semaphore(%arg10 : memref<!tpu.dma_semaphore, #tpu.memory_space<semaphore_mem>>) {add = true}
    }
    %scan3A_20 = arith.constant 39 : i32
    %dma_wait3A = arith.constant 0 : i32
    %dma_wait3A_21 = arith.constant 0 : i32
    %dma_wait3A_22 = tpu.memref_slice %arg6[%dma_wait3A, %dma_wait3A_21] : memref<80x128xi32, #tpu.memory_space<vmem>> -> memref<1x128xi32, #tpu.memory_space<vmem>>
    %dma_wait3A_23 = tpu.memref_squeeze %dma_wait3A_22 : memref<1x128xi32, #tpu.memory_space<vmem>> -> memref<128xi32, #tpu.memory_space<vmem>>
    %dma_wait3A_24 = arith.constant 0 : i32
    %dma_wait3A_25 = arith.constant 0 : i32
    %dma_wait3A_26 = tpu.memref_slice %arg8[%dma_wait3A_24, %dma_wait3A_25] : memref<10240x128xf32, #tpu.memory_space<vmem_shared>> -> memref<10240x128xf32, #tpu.memory_space<vmem_shared>>
    tpu.wait_indirect_dma semaphore(%arg9 : memref<!tpu.dma_semaphore, #tpu.memory_space<semaphore_mem>>) src(%arg7 : memref<128x128xf32, #tpu.memory_space<vmem>>) dst(%dma_wait3A_26 : memref<10240x128xf32, #tpu.memory_space<vmem_shared>>)
    %dma_wait3A_27 = arith.constant 0 : i32
    %dma_wait3A_28 = arith.constant 0 : i32
    %dma_wait3A_29 = tpu.memref_slice %arg6[%dma_wait3A_27, %dma_wait3A_28] : memref<80x128xi32, #tpu.memory_space<vmem>> -> memref<1x128xi32, #tpu.memory_space<vmem>>
    %dma_wait3A_30 = tpu.memref_squeeze %dma_wait3A_29 : memref<1x128xi32, #tpu.memory_space<vmem>> -> memref<128xi32, #tpu.memory_space<vmem>>
    %dma_wait3A_31 = arith.constant 0 : i32
    %dma_wait3A_32 = arith.constant 0 : i32
    %dma_wait3A_33 = tpu.memref_slice %arg8[%dma_wait3A_31, %dma_wait3A_32] : memref<10240x128xf32, #tpu.memory_space<vmem_shared>> -> memref<10240x128xf32, #tpu.memory_space<vmem_shared>>
    tpu.wait_indirect_dma semaphore(%arg10 : memref<!tpu.dma_semaphore, #tpu.memory_space<semaphore_mem>>) src(%arg7 : memref<128x128xf32, #tpu.memory_space<vmem>>) dst(%dma_wait3A_33 : memref<10240x128xf32, #tpu.memory_space<vmem_shared>>)
    %barrier3A_34 = arith.constant 0 : index
    tpu.barrier barrier_id(%barrier3A_34)
    %mul3A_35 = arith.constant 640 : i32
    %mul3A_36 = arith.muli %arg1, %mul3A_35 : i32
    %mul3A_37 = arith.constant 640 : i32
    %mul3A_38 = arith.muli %arg1, %mul3A_37 : i32
    "tpu.region"() ({
      %run_scoped3A = tpu.sem_alloc : memref<!tpu.dma_semaphore, #tpu.memory_space<semaphore_mem>>
      %dma_start3A_39 = arith.constant 0 : i32
      %dma_start3A_40 = tpu.memref_slice %arg5[%arg0, %mul3A_38, %dma_start3A_39] : memref<2x10240x128xf32, #tpu.memory_space<hbm>> -> memref<1x640x128xf32, #tpu.memory_space<hbm>>
      %dma_start3A_41 = tpu.memref_squeeze %dma_start3A_40 : memref<1x640x128xf32, #tpu.memory_space<hbm>> -> memref<640x128xf32, #tpu.memory_space<hbm>>
      %dma_start3A_42 = arith.constant 0 : i32
      %dma_start3A_43 = tpu.memref_slice %arg8[%mul3A_36, %dma_start3A_42] : memref<10240x128xf32, #tpu.memory_space<vmem_shared>> -> memref<640x128xf32, #tpu.memory_space<vmem_shared>>
      tpu.enqueue_dma source(%dma_start3A_43 : memref<640x128xf32, #tpu.memory_space<vmem_shared>>) target(%dma_start3A_41 : memref<640x128xf32, #tpu.memory_space<hbm>>) target_semaphore(%run_scoped3A : memref<!tpu.dma_semaphore, #tpu.memory_space<semaphore_mem>>)
      %dma_wait3A_44 = arith.constant 0 : i32
      %dma_wait3A_45 = tpu.memref_slice %arg5[%arg0, %mul3A_38, %dma_wait3A_44] : memref<2x10240x128xf32, #tpu.memory_space<hbm>> -> memref<1x640x128xf32, #tpu.memory_space<hbm>>
      %dma_wait3A_46 = tpu.memref_squeeze %dma_wait3A_45 : memref<1x640x128xf32, #tpu.memory_space<hbm>> -> memref<640x128xf32, #tpu.memory_space<hbm>>
      %dma_wait3A_47 = arith.constant 0 : i32
      %dma_wait3A_48 = tpu.memref_slice %arg8[%mul3A_36, %dma_wait3A_47] : memref<10240x128xf32, #tpu.memory_space<vmem_shared>> -> memref<640x128xf32, #tpu.memory_space<vmem_shared>>
      tpu.wait_dma2 semaphore(%run_scoped3A : memref<!tpu.dma_semaphore, #tpu.memory_space<semaphore_mem>>) src(%dma_wait3A_48 : memref<640x128xf32, #tpu.memory_space<vmem_shared>>) dst(%dma_wait3A_46 : memref<640x128xf32, #tpu.memory_space<hbm>>)
      tpu.yield
    }) : () -> ()
    return
  }
}

#map = affine_map<(d0, d1) -> (0, 0)>
#map1 = affine_map<(d0, d1) -> (0)>
#map2 = affine_map<(d0, d1) -> (0, 0, 0)>
module attributes {stable_mosaic.version = 14 : i64} {
  func.func @_sc_agg_body(%arg0: i32, %arg1: i32, %arg2: memref<10000x128xf32, #tpu.memory_space<hbm>>, %arg3: memref<320000xi32, #tpu.memory_space<hbm>>, %arg4: memref<320000xi32, #tpu.memory_space<hbm>>, %arg5: memref<640x128xf32, #tpu.memory_space<hbm>>, %arg6: memref<2x10240x128xf32, #tpu.memory_space<hbm>>, %arg7: memref<80xi32, #tpu.memory_space<vmem>>, %arg8: memref<80xi32, #tpu.memory_space<vmem>>, %arg9: memref<80xi32, #tpu.memory_space<vmem>>, %arg10: memref<80xi32, #tpu.memory_space<vmem>>, %arg11: memref<80x128xf32, #tpu.memory_space<vmem>>, %arg12: memref<80x128xf32, #tpu.memory_space<vmem>>, %arg13: memref<10240x128xf32, #tpu.memory_space<vmem_shared>>, %arg14: memref<!tpu.dma_semaphore, #tpu.memory_space<semaphore_mem>>, %arg15: memref<!tpu.dma_semaphore, #tpu.memory_space<semaphore_mem>>, %arg16: memref<!tpu.dma_semaphore, #tpu.memory_space<semaphore_mem>>, %arg17: memref<!tpu.dma_semaphore, #tpu.memory_space<semaphore_mem>>) attributes {dimension_semantics = [#tpu.dimension_semantics<core_parallel>, #tpu.dimension_semantics<subcore_parallel>], iteration_bounds = array<i64: 2, 16>, scalar_prefetch = 0 : i64, scratch_operands = 11 : i64, tpu.core_type = #tpu.core_type<sc_vector_subcore>, window_params = [{transform_indices = #map}, {transform_indices = #map1}, {transform_indices = #map1}, {transform_indices = #map}, {transform_indices = #map2}]} {
    %eq3A = arith.constant 0 : i32
    %eq3A_0 = arith.cmpi eq, %arg0, %eq3A : i32
    %jit3A = arith.constant 126 : i32
    %jit3A_1 = arith.constant 124 : i32
    %select_n3A = arith.select %eq3A_0, %jit3A, %jit3A_1 : i32
    %mul3A = arith.constant 16 : i32
    %mul3A_2 = arith.muli %arg0, %mul3A : i32
    %mul3A_3 = arith.constant 126 : i32
    %mul3A_4 = arith.muli %mul3A_2, %mul3A_3 : i32
    %mul3A_5 = arith.constant 80 : i32
    %mul3A_6 = arith.muli %mul3A_4, %mul3A_5 : i32
    %mul3A_7 = arith.muli %arg1, %select_n3A : i32
    %mul3A_8 = arith.constant 80 : i32
    %mul3A_9 = arith.muli %mul3A_7, %mul3A_8 : i32
    %add3A = arith.addi %mul3A_6, %mul3A_9 : i32
    %mul3A_10 = arith.constant 640 : i32
    %mul3A_11 = arith.muli %arg1, %mul3A_10 : i32
    "tpu.region"() ({
      %run_scoped3A = tpu.sem_alloc : memref<!tpu.dma_semaphore, #tpu.memory_space<semaphore_mem>>
      %dma_start3A_60 = arith.constant 0 : i32
      %dma_start3A_61 = tpu.memref_slice %arg13[%mul3A_11, %dma_start3A_60] : memref<10240x128xf32, #tpu.memory_space<vmem_shared>> -> memref<640x128xf32, #tpu.memory_space<vmem_shared>>
      tpu.enqueue_dma source(%arg5 : memref<640x128xf32, #tpu.memory_space<hbm>>) target(%dma_start3A_61 : memref<640x128xf32, #tpu.memory_space<vmem_shared>>) target_semaphore(%run_scoped3A : memref<!tpu.dma_semaphore, #tpu.memory_space<semaphore_mem>>)
      %dma_wait3A_62 = arith.constant 0 : i32
      %dma_wait3A_63 = tpu.memref_slice %arg13[%mul3A_11, %dma_wait3A_62] : memref<10240x128xf32, #tpu.memory_space<vmem_shared>> -> memref<640x128xf32, #tpu.memory_space<vmem_shared>>
      tpu.wait_dma2 semaphore(%run_scoped3A : memref<!tpu.dma_semaphore, #tpu.memory_space<semaphore_mem>>) src(%arg5 : memref<640x128xf32, #tpu.memory_space<hbm>>) dst(%dma_wait3A_63 : memref<640x128xf32, #tpu.memory_space<vmem_shared>>)
      tpu.yield
    }) : () -> ()
    "tpu.region"() ({
      %run_scoped3A = tpu.sem_alloc : memref<!tpu.dma_semaphore, #tpu.memory_space<semaphore_mem>>
      %dma_start3A_60 = tpu.memref_slice %arg3[%add3A] : memref<320000xi32, #tpu.memory_space<hbm>> -> memref<80xi32, #tpu.memory_space<hbm>>
      %dma_start3A_61 = tpu.memref_slice %arg3[%add3A] : memref<320000xi32, #tpu.memory_space<hbm>> -> memref<80xi32, #tpu.memory_space<hbm>>
      tpu.enqueue_dma source(%dma_start3A_61 : memref<80xi32, #tpu.memory_space<hbm>>) target(%arg7 : memref<80xi32, #tpu.memory_space<vmem>>) target_semaphore(%run_scoped3A : memref<!tpu.dma_semaphore, #tpu.memory_space<semaphore_mem>>)
      %dma_wait3A_62 = tpu.memref_slice %arg3[%add3A] : memref<320000xi32, #tpu.memory_space<hbm>> -> memref<80xi32, #tpu.memory_space<hbm>>
      %dma_wait3A_63 = tpu.memref_slice %arg3[%add3A] : memref<320000xi32, #tpu.memory_space<hbm>> -> memref<80xi32, #tpu.memory_space<hbm>>
      tpu.wait_dma2 semaphore(%run_scoped3A : memref<!tpu.dma_semaphore, #tpu.memory_space<semaphore_mem>>) src(%dma_wait3A_63 : memref<80xi32, #tpu.memory_space<hbm>>) dst(%arg7 : memref<80xi32, #tpu.memory_space<vmem>>)
      tpu.yield
    }) : () -> ()
    "tpu.region"() ({
      %run_scoped3A = tpu.sem_alloc : memref<!tpu.dma_semaphore, #tpu.memory_space<semaphore_mem>>
      %dma_start3A_60 = tpu.memref_slice %arg4[%add3A] : memref<320000xi32, #tpu.memory_space<hbm>> -> memref<80xi32, #tpu.memory_space<hbm>>
      %dma_start3A_61 = tpu.memref_slice %arg4[%add3A] : memref<320000xi32, #tpu.memory_space<hbm>> -> memref<80xi32, #tpu.memory_space<hbm>>
      tpu.enqueue_dma source(%dma_start3A_61 : memref<80xi32, #tpu.memory_space<hbm>>) target(%arg9 : memref<80xi32, #tpu.memory_space<vmem>>) target_semaphore(%run_scoped3A : memref<!tpu.dma_semaphore, #tpu.memory_space<semaphore_mem>>)
      %dma_wait3A_62 = tpu.memref_slice %arg4[%add3A] : memref<320000xi32, #tpu.memory_space<hbm>> -> memref<80xi32, #tpu.memory_space<hbm>>
      %dma_wait3A_63 = tpu.memref_slice %arg4[%add3A] : memref<320000xi32, #tpu.memory_space<hbm>> -> memref<80xi32, #tpu.memory_space<hbm>>
      tpu.wait_dma2 semaphore(%run_scoped3A : memref<!tpu.dma_semaphore, #tpu.memory_space<semaphore_mem>>) src(%dma_wait3A_63 : memref<80xi32, #tpu.memory_space<hbm>>) dst(%arg9 : memref<80xi32, #tpu.memory_space<vmem>>)
      tpu.yield
    }) : () -> ()
    %add3A_12 = arith.constant 80 : i32
    %add3A_13 = arith.addi %add3A, %add3A_12 : i32
    "tpu.region"() ({
      %run_scoped3A = tpu.sem_alloc : memref<!tpu.dma_semaphore, #tpu.memory_space<semaphore_mem>>
      %dma_start3A_60 = tpu.memref_slice %arg3[%add3A_13] : memref<320000xi32, #tpu.memory_space<hbm>> -> memref<80xi32, #tpu.memory_space<hbm>>
      %dma_start3A_61 = tpu.memref_slice %arg3[%add3A_13] : memref<320000xi32, #tpu.memory_space<hbm>> -> memref<80xi32, #tpu.memory_space<hbm>>
      tpu.enqueue_dma source(%dma_start3A_61 : memref<80xi32, #tpu.memory_space<hbm>>) target(%arg8 : memref<80xi32, #tpu.memory_space<vmem>>) target_semaphore(%run_scoped3A : memref<!tpu.dma_semaphore, #tpu.memory_space<semaphore_mem>>)
      %dma_wait3A_62 = tpu.memref_slice %arg3[%add3A_13] : memref<320000xi32, #tpu.memory_space<hbm>> -> memref<80xi32, #tpu.memory_space<hbm>>
      %dma_wait3A_63 = tpu.memref_slice %arg3[%add3A_13] : memref<320000xi32, #tpu.memory_space<hbm>> -> memref<80xi32, #tpu.memory_space<hbm>>
      tpu.wait_dma2 semaphore(%run_scoped3A : memref<!tpu.dma_semaphore, #tpu.memory_space<semaphore_mem>>) src(%dma_wait3A_63 : memref<80xi32, #tpu.memory_space<hbm>>) dst(%arg8 : memref<80xi32, #tpu.memory_space<vmem>>)
      tpu.yield
    }) : () -> ()
    %add3A_14 = arith.constant 80 : i32
    %add3A_15 = arith.addi %add3A, %add3A_14 : i32
    "tpu.region"() ({
      %run_scoped3A = tpu.sem_alloc : memref<!tpu.dma_semaphore, #tpu.memory_space<semaphore_mem>>
      %dma_start3A_60 = tpu.memref_slice %arg4[%add3A_15] : memref<320000xi32, #tpu.memory_space<hbm>> -> memref<80xi32, #tpu.memory_space<hbm>>
      %dma_start3A_61 = tpu.memref_slice %arg4[%add3A_15] : memref<320000xi32, #tpu.memory_space<hbm>> -> memref<80xi32, #tpu.memory_space<hbm>>
      tpu.enqueue_dma source(%dma_start3A_61 : memref<80xi32, #tpu.memory_space<hbm>>) target(%arg10 : memref<80xi32, #tpu.memory_space<vmem>>) target_semaphore(%run_scoped3A : memref<!tpu.dma_semaphore, #tpu.memory_space<semaphore_mem>>)
      %dma_wait3A_62 = tpu.memref_slice %arg4[%add3A_15] : memref<320000xi32, #tpu.memory_space<hbm>> -> memref<80xi32, #tpu.memory_space<hbm>>
      %dma_wait3A_63 = tpu.memref_slice %arg4[%add3A_15] : memref<320000xi32, #tpu.memory_space<hbm>> -> memref<80xi32, #tpu.memory_space<hbm>>
      tpu.wait_dma2 semaphore(%run_scoped3A : memref<!tpu.dma_semaphore, #tpu.memory_space<semaphore_mem>>) src(%dma_wait3A_63 : memref<80xi32, #tpu.memory_space<hbm>>) dst(%arg10 : memref<80xi32, #tpu.memory_space<vmem>>)
      tpu.yield
    }) : () -> ()
    %barrier3A = arith.constant 0 : index
    tpu.barrier barrier_id(%barrier3A)
    %dma_start3A = arith.constant 0 : i32
    %dma_start3A_16 = arith.constant 0 : i32
    %dma_start3A_17 = tpu.memref_slice %arg2[%dma_start3A, %dma_start3A_16] : memref<10000x128xf32, #tpu.memory_space<hbm>> -> memref<10000x128xf32, #tpu.memory_space<hbm>>
    tpu.enqueue_indirect_dma source(%dma_start3A_17 : memref<10000x128xf32, #tpu.memory_space<hbm>>) target(%arg11 : memref<80x128xf32, #tpu.memory_space<vmem>>) offsets(%arg7 : memref<80xi32, #tpu.memory_space<vmem>>) semaphore(%arg14 : memref<!tpu.dma_semaphore, #tpu.memory_space<semaphore_mem>>)
    %dma_start3A_18 = arith.constant 0 : i32
    %dma_start3A_19 = arith.constant 0 : i32
    %dma_start3A_20 = tpu.memref_slice %arg2[%dma_start3A_18, %dma_start3A_19] : memref<10000x128xf32, #tpu.memory_space<hbm>> -> memref<10000x128xf32, #tpu.memory_space<hbm>>
    tpu.enqueue_indirect_dma source(%dma_start3A_20 : memref<10000x128xf32, #tpu.memory_space<hbm>>) target(%arg12 : memref<80x128xf32, #tpu.memory_space<vmem>>) offsets(%arg8 : memref<80xi32, #tpu.memory_space<vmem>>) semaphore(%arg15 : memref<!tpu.dma_semaphore, #tpu.memory_space<semaphore_mem>>)
    %jit3A_21 = arith.constant 2 : i32
    %div3A = arith.divsi %select_n3A, %jit3A_21 : i32
    %sign3A = arith.constant 0 : i32
    %sign3A_22 = arith.cmpi sgt, %select_n3A, %sign3A : i32
    %sign3A_23 = arith.extui %sign3A_22 : i1 to i32
    %sign3A_24 = arith.constant 0 : i32
    %sign3A_25 = arith.cmpi slt, %select_n3A, %sign3A_24 : i32
    %sign3A_26 = arith.extui %sign3A_25 : i1 to i32
    %sign3A_27 = arith.subi %sign3A_23, %sign3A_26 : i32
    %sign3A_28 = arith.constant 0 : i32
    %sign3A_29 = arith.cmpi sgt, %jit3A_21, %sign3A_28 : i32
    %sign3A_30 = arith.extui %sign3A_29 : i1 to i32
    %sign3A_31 = arith.constant 0 : i32
    %sign3A_32 = arith.cmpi slt, %jit3A_21, %sign3A_31 : i32
    %sign3A_33 = arith.extui %sign3A_32 : i1 to i32
    %sign3A_34 = arith.subi %sign3A_30, %sign3A_33 : i32
    %ne3A = arith.cmpi ne, %sign3A_27, %sign3A_34 : i32
    %rem3A = arith.remsi %select_n3A, %jit3A_21 : i32
    %ne3A_35 = arith.constant 0 : i32
    %ne3A_36 = arith.cmpi ne, %rem3A, %ne3A_35 : i32
    %and3A = arith.andi %ne3A, %ne3A_36 : i1
    %sub3A = arith.constant 1 : i32
    %sub3A_37 = arith.subi %div3A, %sub3A : i32
    %select_n3A_38 = arith.select %and3A, %sub3A_37, %div3A : i32
    %sub3A_39 = arith.constant 1 : i32
    %sub3A_40 = arith.subi %select_n3A_38, %sub3A_39 : i32
    %while3A = arith.constant 0 : i32
    %while3A_41 = arith.constant 0 : i32
    %while3A_42 = arith.subi %sub3A_40, %while3A_41 : i32
    %while3A_43 = arith.addi %while3A_41, %while3A_42 : i32
    %while3A_44 = arith.constant 1 : i32
    %while3A_45 = arith.divsi %while3A_42, %while3A_44 : i32
    %while3A_46 = arith.muli %while3A_45, %while3A_44 : i32
    %while3A_47 = arith.addi %while3A_41, %while3A_46 : i32
    %while3A_48 = arith.constant 1 : i32
    scf.for %while3A_60 = %while3A_41 to %while3A_47 step %while3A_48  : i32 {
      %mul3A_61 = arith.constant 2 : i32
      %mul3A_62 = arith.muli %mul3A_61, %while3A_60 : i32
      %add3A_63 = arith.constant 2 : i32
      %add3A_64 = arith.addi %mul3A_62, %add3A_63 : i32
      %mul3A_65 = arith.constant 80 : i32
      %mul3A_66 = arith.muli %add3A_64, %mul3A_65 : i32
      %add3A_67 = arith.addi %add3A, %mul3A_66 : i32
      %add3A_68 = arith.constant 3 : i32
      %add3A_69 = arith.addi %mul3A_62, %add3A_68 : i32
      %mul3A_70 = arith.constant 80 : i32
      %mul3A_71 = arith.muli %add3A_69, %mul3A_70 : i32
      %add3A_72 = arith.addi %add3A, %mul3A_71 : i32
      %dma_wait3A_73 = arith.constant 0 : i32
      %dma_wait3A_74 = arith.constant 0 : i32
      %dma_wait3A_75 = tpu.memref_slice %arg2[%dma_wait3A_73, %dma_wait3A_74] : memref<10000x128xf32, #tpu.memory_space<hbm>> -> memref<10000x128xf32, #tpu.memory_space<hbm>>
      tpu.wait_indirect_dma semaphore(%arg14 : memref<!tpu.dma_semaphore, #tpu.memory_space<semaphore_mem>>) src(%dma_wait3A_75 : memref<10000x128xf32, #tpu.memory_space<hbm>>) dst(%arg11 : memref<80x128xf32, #tpu.memory_space<vmem>>)
      "tpu.region"() ({
        %run_scoped3A = tpu.sem_alloc : memref<!tpu.dma_semaphore, #tpu.memory_space<semaphore_mem>>
        %dma_start3A_101 = arith.constant 0 : i32
        %dma_start3A_102 = arith.constant 0 : i32
        %dma_start3A_103 = tpu.memref_slice %arg13[%dma_start3A_101, %dma_start3A_102] : memref<10240x128xf32, #tpu.memory_space<vmem_shared>> -> memref<10240x128xf32, #tpu.memory_space<vmem_shared>>
        tpu.enqueue_indirect_dma source(%arg11 : memref<80x128xf32, #tpu.memory_space<vmem>>) target(%dma_start3A_103 : memref<10240x128xf32, #tpu.memory_space<vmem_shared>>) offsets(%arg9 : memref<80xi32, #tpu.memory_space<vmem>>) semaphore(%run_scoped3A : memref<!tpu.dma_semaphore, #tpu.memory_space<semaphore_mem>>) {add = true}
        %dma_wait3A_104 = arith.constant 0 : i32
        %dma_wait3A_105 = arith.constant 0 : i32
        %dma_wait3A_106 = tpu.memref_slice %arg13[%dma_wait3A_104, %dma_wait3A_105] : memref<10240x128xf32, #tpu.memory_space<vmem_shared>> -> memref<10240x128xf32, #tpu.memory_space<vmem_shared>>
        tpu.wait_indirect_dma semaphore(%run_scoped3A : memref<!tpu.dma_semaphore, #tpu.memory_space<semaphore_mem>>) src(%arg11 : memref<80x128xf32, #tpu.memory_space<vmem>>) dst(%dma_wait3A_106 : memref<10240x128xf32, #tpu.memory_space<vmem_shared>>)
        tpu.yield
      }) : () -> ()
      %dma_start3A_76 = tpu.memref_slice %arg3[%add3A_67] : memref<320000xi32, #tpu.memory_space<hbm>> -> memref<80xi32, #tpu.memory_space<hbm>>
      %dma_start3A_77 = tpu.memref_slice %arg3[%add3A_67] : memref<320000xi32, #tpu.memory_space<hbm>> -> memref<80xi32, #tpu.memory_space<hbm>>
      tpu.enqueue_dma source(%dma_start3A_77 : memref<80xi32, #tpu.memory_space<hbm>>) target(%arg7 : memref<80xi32, #tpu.memory_space<vmem>>) target_semaphore(%arg16 : memref<!tpu.dma_semaphore, #tpu.memory_space<semaphore_mem>>)
      %dma_start3A_78 = tpu.memref_slice %arg4[%add3A_67] : memref<320000xi32, #tpu.memory_space<hbm>> -> memref<80xi32, #tpu.memory_space<hbm>>
      %dma_start3A_79 = tpu.memref_slice %arg4[%add3A_67] : memref<320000xi32, #tpu.memory_space<hbm>> -> memref<80xi32, #tpu.memory_space<hbm>>
      tpu.enqueue_dma source(%dma_start3A_79 : memref<80xi32, #tpu.memory_space<hbm>>) target(%arg9 : memref<80xi32, #tpu.memory_space<vmem>>) target_semaphore(%arg16 : memref<!tpu.dma_semaphore, #tpu.memory_space<semaphore_mem>>)
      %dma_wait3A_80 = arith.constant 0 : i32
      %dma_wait3A_81 = arith.constant 0 : i32
      %dma_wait3A_82 = tpu.memref_slice %arg2[%dma_wait3A_80, %dma_wait3A_81] : memref<10000x128xf32, #tpu.memory_space<hbm>> -> memref<10000x128xf32, #tpu.memory_space<hbm>>
      tpu.wait_indirect_dma semaphore(%arg15 : memref<!tpu.dma_semaphore, #tpu.memory_space<semaphore_mem>>) src(%dma_wait3A_82 : memref<10000x128xf32, #tpu.memory_space<hbm>>) dst(%arg12 : memref<80x128xf32, #tpu.memory_space<vmem>>)
      "tpu.region"() ({
        %run_scoped3A = tpu.sem_alloc : memref<!tpu.dma_semaphore, #tpu.memory_space<semaphore_mem>>
        %dma_start3A_101 = arith.constant 0 : i32
        %dma_start3A_102 = arith.constant 0 : i32
        %dma_start3A_103 = tpu.memref_slice %arg13[%dma_start3A_101, %dma_start3A_102] : memref<10240x128xf32, #tpu.memory_space<vmem_shared>> -> memref<10240x128xf32, #tpu.memory_space<vmem_shared>>
        tpu.enqueue_indirect_dma source(%arg12 : memref<80x128xf32, #tpu.memory_space<vmem>>) target(%dma_start3A_103 : memref<10240x128xf32, #tpu.memory_space<vmem_shared>>) offsets(%arg10 : memref<80xi32, #tpu.memory_space<vmem>>) semaphore(%run_scoped3A : memref<!tpu.dma_semaphore, #tpu.memory_space<semaphore_mem>>) {add = true}
        %dma_wait3A_104 = arith.constant 0 : i32
        %dma_wait3A_105 = arith.constant 0 : i32
        %dma_wait3A_106 = tpu.memref_slice %arg13[%dma_wait3A_104, %dma_wait3A_105] : memref<10240x128xf32, #tpu.memory_space<vmem_shared>> -> memref<10240x128xf32, #tpu.memory_space<vmem_shared>>
        tpu.wait_indirect_dma semaphore(%run_scoped3A : memref<!tpu.dma_semaphore, #tpu.memory_space<semaphore_mem>>) src(%arg12 : memref<80x128xf32, #tpu.memory_space<vmem>>) dst(%dma_wait3A_106 : memref<10240x128xf32, #tpu.memory_space<vmem_shared>>)
        tpu.yield
      }) : () -> ()
      %dma_start3A_83 = tpu.memref_slice %arg3[%add3A_72] : memref<320000xi32, #tpu.memory_space<hbm>> -> memref<80xi32, #tpu.memory_space<hbm>>
      %dma_start3A_84 = tpu.memref_slice %arg3[%add3A_72] : memref<320000xi32, #tpu.memory_space<hbm>> -> memref<80xi32, #tpu.memory_space<hbm>>
      tpu.enqueue_dma source(%dma_start3A_84 : memref<80xi32, #tpu.memory_space<hbm>>) target(%arg8 : memref<80xi32, #tpu.memory_space<vmem>>) target_semaphore(%arg17 : memref<!tpu.dma_semaphore, #tpu.memory_space<semaphore_mem>>)
      %dma_start3A_85 = tpu.memref_slice %arg4[%add3A_72] : memref<320000xi32, #tpu.memory_space<hbm>> -> memref<80xi32, #tpu.memory_space<hbm>>
      %dma_start3A_86 = tpu.memref_slice %arg4[%add3A_72] : memref<320000xi32, #tpu.memory_space<hbm>> -> memref<80xi32, #tpu.memory_space<hbm>>
      tpu.enqueue_dma source(%dma_start3A_86 : memref<80xi32, #tpu.memory_space<hbm>>) target(%arg10 : memref<80xi32, #tpu.memory_space<vmem>>) target_semaphore(%arg17 : memref<!tpu.dma_semaphore, #tpu.memory_space<semaphore_mem>>)
      %dma_wait3A_87 = tpu.memref_slice %arg3[%add3A_67] : memref<320000xi32, #tpu.memory_space<hbm>> -> memref<80xi32, #tpu.memory_space<hbm>>
      %dma_wait3A_88 = tpu.memref_slice %arg3[%add3A_67] : memref<320000xi32, #tpu.memory_space<hbm>> -> memref<80xi32, #tpu.memory_space<hbm>>
      tpu.wait_dma2 semaphore(%arg16 : memref<!tpu.dma_semaphore, #tpu.memory_space<semaphore_mem>>) src(%dma_wait3A_88 : memref<80xi32, #tpu.memory_space<hbm>>) dst(%arg7 : memref<80xi32, #tpu.memory_space<vmem>>)
      %dma_wait3A_89 = tpu.memref_slice %arg4[%add3A_67] : memref<320000xi32, #tpu.memory_space<hbm>> -> memref<80xi32, #tpu.memory_space<hbm>>
      %dma_wait3A_90 = tpu.memref_slice %arg4[%add3A_67] : memref<320000xi32, #tpu.memory_space<hbm>> -> memref<80xi32, #tpu.memory_space<hbm>>
      tpu.wait_dma2 semaphore(%arg16 : memref<!tpu.dma_semaphore, #tpu.memory_space<semaphore_mem>>) src(%dma_wait3A_90 : memref<80xi32, #tpu.memory_space<hbm>>) dst(%arg9 : memref<80xi32, #tpu.memory_space<vmem>>)
      %dma_start3A_91 = arith.constant 0 : i32
      %dma_start3A_92 = arith.constant 0 : i32
      %dma_start3A_93 = tpu.memref_slice %arg2[%dma_start3A_91, %dma_start3A_92] : memref<10000x128xf32, #tpu.memory_space<hbm>> -> memref<10000x128xf32, #tpu.memory_space<hbm>>
      tpu.enqueue_indirect_dma source(%dma_start3A_93 : memref<10000x128xf32, #tpu.memory_space<hbm>>) target(%arg11 : memref<80x128xf32, #tpu.memory_space<vmem>>) offsets(%arg7 : memref<80xi32, #tpu.memory_space<vmem>>) semaphore(%arg14 : memref<!tpu.dma_semaphore, #tpu.memory_space<semaphore_mem>>)
      %dma_wait3A_94 = tpu.memref_slice %arg3[%add3A_72] : memref<320000xi32, #tpu.memory_space<hbm>> -> memref<80xi32, #tpu.memory_space<hbm>>
      %dma_wait3A_95 = tpu.memref_slice %arg3[%add3A_72] : memref<320000xi32, #tpu.memory_space<hbm>> -> memref<80xi32, #tpu.memory_space<hbm>>
      tpu.wait_dma2 semaphore(%arg17 : memref<!tpu.dma_semaphore, #tpu.memory_space<semaphore_mem>>) src(%dma_wait3A_95 : memref<80xi32, #tpu.memory_space<hbm>>) dst(%arg8 : memref<80xi32, #tpu.memory_space<vmem>>)
      %dma_wait3A_96 = tpu.memref_slice %arg4[%add3A_72] : memref<320000xi32, #tpu.memory_space<hbm>> -> memref<80xi32, #tpu.memory_space<hbm>>
      %dma_wait3A_97 = tpu.memref_slice %arg4[%add3A_72] : memref<320000xi32, #tpu.memory_space<hbm>> -> memref<80xi32, #tpu.memory_space<hbm>>
      tpu.wait_dma2 semaphore(%arg17 : memref<!tpu.dma_semaphore, #tpu.memory_space<semaphore_mem>>) src(%dma_wait3A_97 : memref<80xi32, #tpu.memory_space<hbm>>) dst(%arg10 : memref<80xi32, #tpu.memory_space<vmem>>)
      %dma_start3A_98 = arith.constant 0 : i32
      %dma_start3A_99 = arith.constant 0 : i32
      %dma_start3A_100 = tpu.memref_slice %arg2[%dma_start3A_98, %dma_start3A_99] : memref<10000x128xf32, #tpu.memory_space<hbm>> -> memref<10000x128xf32, #tpu.memory_space<hbm>>
      tpu.enqueue_indirect_dma source(%dma_start3A_100 : memref<10000x128xf32, #tpu.memory_space<hbm>>) target(%arg12 : memref<80x128xf32, #tpu.memory_space<vmem>>) offsets(%arg8 : memref<80xi32, #tpu.memory_space<vmem>>) semaphore(%arg15 : memref<!tpu.dma_semaphore, #tpu.memory_space<semaphore_mem>>)
    }
    %while3A_49 = arith.constant 1 : i32
    scf.for %while3A_60 = %while3A_47 to %while3A_43 step %while3A_49  : i32 {
      %mul3A_61 = arith.constant 2 : i32
      %mul3A_62 = arith.muli %mul3A_61, %while3A_60 : i32
      %add3A_63 = arith.constant 2 : i32
      %add3A_64 = arith.addi %mul3A_62, %add3A_63 : i32
      %mul3A_65 = arith.constant 80 : i32
      %mul3A_66 = arith.muli %add3A_64, %mul3A_65 : i32
      %add3A_67 = arith.addi %add3A, %mul3A_66 : i32
      %add3A_68 = arith.constant 3 : i32
      %add3A_69 = arith.addi %mul3A_62, %add3A_68 : i32
      %mul3A_70 = arith.constant 80 : i32
      %mul3A_71 = arith.muli %add3A_69, %mul3A_70 : i32
      %add3A_72 = arith.addi %add3A, %mul3A_71 : i32
      %dma_wait3A_73 = arith.constant 0 : i32
      %dma_wait3A_74 = arith.constant 0 : i32
      %dma_wait3A_75 = tpu.memref_slice %arg2[%dma_wait3A_73, %dma_wait3A_74] : memref<10000x128xf32, #tpu.memory_space<hbm>> -> memref<10000x128xf32, #tpu.memory_space<hbm>>
      tpu.wait_indirect_dma semaphore(%arg14 : memref<!tpu.dma_semaphore, #tpu.memory_space<semaphore_mem>>) src(%dma_wait3A_75 : memref<10000x128xf32, #tpu.memory_space<hbm>>) dst(%arg11 : memref<80x128xf32, #tpu.memory_space<vmem>>)
      "tpu.region"() ({
        %run_scoped3A = tpu.sem_alloc : memref<!tpu.dma_semaphore, #tpu.memory_space<semaphore_mem>>
        %dma_start3A_101 = arith.constant 0 : i32
        %dma_start3A_102 = arith.constant 0 : i32
        %dma_start3A_103 = tpu.memref_slice %arg13[%dma_start3A_101, %dma_start3A_102] : memref<10240x128xf32, #tpu.memory_space<vmem_shared>> -> memref<10240x128xf32, #tpu.memory_space<vmem_shared>>
        tpu.enqueue_indirect_dma source(%arg11 : memref<80x128xf32, #tpu.memory_space<vmem>>) target(%dma_start3A_103 : memref<10240x128xf32, #tpu.memory_space<vmem_shared>>) offsets(%arg9 : memref<80xi32, #tpu.memory_space<vmem>>) semaphore(%run_scoped3A : memref<!tpu.dma_semaphore, #tpu.memory_space<semaphore_mem>>) {add = true}
        %dma_wait3A_104 = arith.constant 0 : i32
        %dma_wait3A_105 = arith.constant 0 : i32
        %dma_wait3A_106 = tpu.memref_slice %arg13[%dma_wait3A_104, %dma_wait3A_105] : memref<10240x128xf32, #tpu.memory_space<vmem_shared>> -> memref<10240x128xf32, #tpu.memory_space<vmem_shared>>
        tpu.wait_indirect_dma semaphore(%run_scoped3A : memref<!tpu.dma_semaphore, #tpu.memory_space<semaphore_mem>>) src(%arg11 : memref<80x128xf32, #tpu.memory_space<vmem>>) dst(%dma_wait3A_106 : memref<10240x128xf32, #tpu.memory_space<vmem_shared>>)
        tpu.yield
      }) : () -> ()
      %dma_start3A_76 = tpu.memref_slice %arg3[%add3A_67] : memref<320000xi32, #tpu.memory_space<hbm>> -> memref<80xi32, #tpu.memory_space<hbm>>
      %dma_start3A_77 = tpu.memref_slice %arg3[%add3A_67] : memref<320000xi32, #tpu.memory_space<hbm>> -> memref<80xi32, #tpu.memory_space<hbm>>
      tpu.enqueue_dma source(%dma_start3A_77 : memref<80xi32, #tpu.memory_space<hbm>>) target(%arg7 : memref<80xi32, #tpu.memory_space<vmem>>) target_semaphore(%arg16 : memref<!tpu.dma_semaphore, #tpu.memory_space<semaphore_mem>>)
      %dma_start3A_78 = tpu.memref_slice %arg4[%add3A_67] : memref<320000xi32, #tpu.memory_space<hbm>> -> memref<80xi32, #tpu.memory_space<hbm>>
      %dma_start3A_79 = tpu.memref_slice %arg4[%add3A_67] : memref<320000xi32, #tpu.memory_space<hbm>> -> memref<80xi32, #tpu.memory_space<hbm>>
      tpu.enqueue_dma source(%dma_start3A_79 : memref<80xi32, #tpu.memory_space<hbm>>) target(%arg9 : memref<80xi32, #tpu.memory_space<vmem>>) target_semaphore(%arg16 : memref<!tpu.dma_semaphore, #tpu.memory_space<semaphore_mem>>)
      %dma_wait3A_80 = arith.constant 0 : i32
      %dma_wait3A_81 = arith.constant 0 : i32
      %dma_wait3A_82 = tpu.memref_slice %arg2[%dma_wait3A_80, %dma_wait3A_81] : memref<10000x128xf32, #tpu.memory_space<hbm>> -> memref<10000x128xf32, #tpu.memory_space<hbm>>
      tpu.wait_indirect_dma semaphore(%arg15 : memref<!tpu.dma_semaphore, #tpu.memory_space<semaphore_mem>>) src(%dma_wait3A_82 : memref<10000x128xf32, #tpu.memory_space<hbm>>) dst(%arg12 : memref<80x128xf32, #tpu.memory_space<vmem>>)
      "tpu.region"() ({
        %run_scoped3A = tpu.sem_alloc : memref<!tpu.dma_semaphore, #tpu.memory_space<semaphore_mem>>
        %dma_start3A_101 = arith.constant 0 : i32
        %dma_start3A_102 = arith.constant 0 : i32
        %dma_start3A_103 = tpu.memref_slice %arg13[%dma_start3A_101, %dma_start3A_102] : memref<10240x128xf32, #tpu.memory_space<vmem_shared>> -> memref<10240x128xf32, #tpu.memory_space<vmem_shared>>
        tpu.enqueue_indirect_dma source(%arg12 : memref<80x128xf32, #tpu.memory_space<vmem>>) target(%dma_start3A_103 : memref<10240x128xf32, #tpu.memory_space<vmem_shared>>) offsets(%arg10 : memref<80xi32, #tpu.memory_space<vmem>>) semaphore(%run_scoped3A : memref<!tpu.dma_semaphore, #tpu.memory_space<semaphore_mem>>) {add = true}
        %dma_wait3A_104 = arith.constant 0 : i32
        %dma_wait3A_105 = arith.constant 0 : i32
        %dma_wait3A_106 = tpu.memref_slice %arg13[%dma_wait3A_104, %dma_wait3A_105] : memref<10240x128xf32, #tpu.memory_space<vmem_shared>> -> memref<10240x128xf32, #tpu.memory_space<vmem_shared>>
        tpu.wait_indirect_dma semaphore(%run_scoped3A : memref<!tpu.dma_semaphore, #tpu.memory_space<semaphore_mem>>) src(%arg12 : memref<80x128xf32, #tpu.memory_space<vmem>>) dst(%dma_wait3A_106 : memref<10240x128xf32, #tpu.memory_space<vmem_shared>>)
        tpu.yield
      }) : () -> ()
      %dma_start3A_83 = tpu.memref_slice %arg3[%add3A_72] : memref<320000xi32, #tpu.memory_space<hbm>> -> memref<80xi32, #tpu.memory_space<hbm>>
      %dma_start3A_84 = tpu.memref_slice %arg3[%add3A_72] : memref<320000xi32, #tpu.memory_space<hbm>> -> memref<80xi32, #tpu.memory_space<hbm>>
      tpu.enqueue_dma source(%dma_start3A_84 : memref<80xi32, #tpu.memory_space<hbm>>) target(%arg8 : memref<80xi32, #tpu.memory_space<vmem>>) target_semaphore(%arg17 : memref<!tpu.dma_semaphore, #tpu.memory_space<semaphore_mem>>)
      %dma_start3A_85 = tpu.memref_slice %arg4[%add3A_72] : memref<320000xi32, #tpu.memory_space<hbm>> -> memref<80xi32, #tpu.memory_space<hbm>>
      %dma_start3A_86 = tpu.memref_slice %arg4[%add3A_72] : memref<320000xi32, #tpu.memory_space<hbm>> -> memref<80xi32, #tpu.memory_space<hbm>>
      tpu.enqueue_dma source(%dma_start3A_86 : memref<80xi32, #tpu.memory_space<hbm>>) target(%arg10 : memref<80xi32, #tpu.memory_space<vmem>>) target_semaphore(%arg17 : memref<!tpu.dma_semaphore, #tpu.memory_space<semaphore_mem>>)
      %dma_wait3A_87 = tpu.memref_slice %arg3[%add3A_67] : memref<320000xi32, #tpu.memory_space<hbm>> -> memref<80xi32, #tpu.memory_space<hbm>>
      %dma_wait3A_88 = tpu.memref_slice %arg3[%add3A_67] : memref<320000xi32, #tpu.memory_space<hbm>> -> memref<80xi32, #tpu.memory_space<hbm>>
      tpu.wait_dma2 semaphore(%arg16 : memref<!tpu.dma_semaphore, #tpu.memory_space<semaphore_mem>>) src(%dma_wait3A_88 : memref<80xi32, #tpu.memory_space<hbm>>) dst(%arg7 : memref<80xi32, #tpu.memory_space<vmem>>)
      %dma_wait3A_89 = tpu.memref_slice %arg4[%add3A_67] : memref<320000xi32, #tpu.memory_space<hbm>> -> memref<80xi32, #tpu.memory_space<hbm>>
      %dma_wait3A_90 = tpu.memref_slice %arg4[%add3A_67] : memref<320000xi32, #tpu.memory_space<hbm>> -> memref<80xi32, #tpu.memory_space<hbm>>
      tpu.wait_dma2 semaphore(%arg16 : memref<!tpu.dma_semaphore, #tpu.memory_space<semaphore_mem>>) src(%dma_wait3A_90 : memref<80xi32, #tpu.memory_space<hbm>>) dst(%arg9 : memref<80xi32, #tpu.memory_space<vmem>>)
      %dma_start3A_91 = arith.constant 0 : i32
      %dma_start3A_92 = arith.constant 0 : i32
      %dma_start3A_93 = tpu.memref_slice %arg2[%dma_start3A_91, %dma_start3A_92] : memref<10000x128xf32, #tpu.memory_space<hbm>> -> memref<10000x128xf32, #tpu.memory_space<hbm>>
      tpu.enqueue_indirect_dma source(%dma_start3A_93 : memref<10000x128xf32, #tpu.memory_space<hbm>>) target(%arg11 : memref<80x128xf32, #tpu.memory_space<vmem>>) offsets(%arg7 : memref<80xi32, #tpu.memory_space<vmem>>) semaphore(%arg14 : memref<!tpu.dma_semaphore, #tpu.memory_space<semaphore_mem>>)
      %dma_wait3A_94 = tpu.memref_slice %arg3[%add3A_72] : memref<320000xi32, #tpu.memory_space<hbm>> -> memref<80xi32, #tpu.memory_space<hbm>>
      %dma_wait3A_95 = tpu.memref_slice %arg3[%add3A_72] : memref<320000xi32, #tpu.memory_space<hbm>> -> memref<80xi32, #tpu.memory_space<hbm>>
      tpu.wait_dma2 semaphore(%arg17 : memref<!tpu.dma_semaphore, #tpu.memory_space<semaphore_mem>>) src(%dma_wait3A_95 : memref<80xi32, #tpu.memory_space<hbm>>) dst(%arg8 : memref<80xi32, #tpu.memory_space<vmem>>)
      %dma_wait3A_96 = tpu.memref_slice %arg4[%add3A_72] : memref<320000xi32, #tpu.memory_space<hbm>> -> memref<80xi32, #tpu.memory_space<hbm>>
      %dma_wait3A_97 = tpu.memref_slice %arg4[%add3A_72] : memref<320000xi32, #tpu.memory_space<hbm>> -> memref<80xi32, #tpu.memory_space<hbm>>
      tpu.wait_dma2 semaphore(%arg17 : memref<!tpu.dma_semaphore, #tpu.memory_space<semaphore_mem>>) src(%dma_wait3A_97 : memref<80xi32, #tpu.memory_space<hbm>>) dst(%arg10 : memref<80xi32, #tpu.memory_space<vmem>>)
      %dma_start3A_98 = arith.constant 0 : i32
      %dma_start3A_99 = arith.constant 0 : i32
      %dma_start3A_100 = tpu.memref_slice %arg2[%dma_start3A_98, %dma_start3A_99] : memref<10000x128xf32, #tpu.memory_space<hbm>> -> memref<10000x128xf32, #tpu.memory_space<hbm>>
      tpu.enqueue_indirect_dma source(%dma_start3A_100 : memref<10000x128xf32, #tpu.memory_space<hbm>>) target(%arg12 : memref<80x128xf32, #tpu.memory_space<vmem>>) offsets(%arg8 : memref<80xi32, #tpu.memory_space<vmem>>) semaphore(%arg15 : memref<!tpu.dma_semaphore, #tpu.memory_space<semaphore_mem>>)
    }
    %dma_wait3A = arith.constant 0 : i32
    %dma_wait3A_50 = arith.constant 0 : i32
    %dma_wait3A_51 = tpu.memref_slice %arg2[%dma_wait3A, %dma_wait3A_50] : memref<10000x128xf32, #tpu.memory_space<hbm>> -> memref<10000x128xf32, #tpu.memory_space<hbm>>
    tpu.wait_indirect_dma semaphore(%arg14 : memref<!tpu.dma_semaphore, #tpu.memory_space<semaphore_mem>>) src(%dma_wait3A_51 : memref<10000x128xf32, #tpu.memory_space<hbm>>) dst(%arg11 : memref<80x128xf32, #tpu.memory_space<vmem>>)
    "tpu.region"() ({
      %run_scoped3A = tpu.sem_alloc : memref<!tpu.dma_semaphore, #tpu.memory_space<semaphore_mem>>
      %dma_start3A_60 = arith.constant 0 : i32
      %dma_start3A_61 = arith.constant 0 : i32
      %dma_start3A_62 = tpu.memref_slice %arg13[%dma_start3A_60, %dma_start3A_61] : memref<10240x128xf32, #tpu.memory_space<vmem_shared>> -> memref<10240x128xf32, #tpu.memory_space<vmem_shared>>
      tpu.enqueue_indirect_dma source(%arg11 : memref<80x128xf32, #tpu.memory_space<vmem>>) target(%dma_start3A_62 : memref<10240x128xf32, #tpu.memory_space<vmem_shared>>) offsets(%arg9 : memref<80xi32, #tpu.memory_space<vmem>>) semaphore(%run_scoped3A : memref<!tpu.dma_semaphore, #tpu.memory_space<semaphore_mem>>) {add = true}
      %dma_wait3A_63 = arith.constant 0 : i32
      %dma_wait3A_64 = arith.constant 0 : i32
      %dma_wait3A_65 = tpu.memref_slice %arg13[%dma_wait3A_63, %dma_wait3A_64] : memref<10240x128xf32, #tpu.memory_space<vmem_shared>> -> memref<10240x128xf32, #tpu.memory_space<vmem_shared>>
      tpu.wait_indirect_dma semaphore(%run_scoped3A : memref<!tpu.dma_semaphore, #tpu.memory_space<semaphore_mem>>) src(%arg11 : memref<80x128xf32, #tpu.memory_space<vmem>>) dst(%dma_wait3A_65 : memref<10240x128xf32, #tpu.memory_space<vmem_shared>>)
      tpu.yield
    }) : () -> ()
    %dma_wait3A_52 = arith.constant 0 : i32
    %dma_wait3A_53 = arith.constant 0 : i32
    %dma_wait3A_54 = tpu.memref_slice %arg2[%dma_wait3A_52, %dma_wait3A_53] : memref<10000x128xf32, #tpu.memory_space<hbm>> -> memref<10000x128xf32, #tpu.memory_space<hbm>>
    tpu.wait_indirect_dma semaphore(%arg15 : memref<!tpu.dma_semaphore, #tpu.memory_space<semaphore_mem>>) src(%dma_wait3A_54 : memref<10000x128xf32, #tpu.memory_space<hbm>>) dst(%arg12 : memref<80x128xf32, #tpu.memory_space<vmem>>)
    "tpu.region"() ({
      %run_scoped3A = tpu.sem_alloc : memref<!tpu.dma_semaphore, #tpu.memory_space<semaphore_mem>>
      %dma_start3A_60 = arith.constant 0 : i32
      %dma_start3A_61 = arith.constant 0 : i32
      %dma_start3A_62 = tpu.memref_slice %arg13[%dma_start3A_60, %dma_start3A_61] : memref<10240x128xf32, #tpu.memory_space<vmem_shared>> -> memref<10240x128xf32, #tpu.memory_space<vmem_shared>>
      tpu.enqueue_indirect_dma source(%arg12 : memref<80x128xf32, #tpu.memory_space<vmem>>) target(%dma_start3A_62 : memref<10240x128xf32, #tpu.memory_space<vmem_shared>>) offsets(%arg10 : memref<80xi32, #tpu.memory_space<vmem>>) semaphore(%run_scoped3A : memref<!tpu.dma_semaphore, #tpu.memory_space<semaphore_mem>>) {add = true}
      %dma_wait3A_63 = arith.constant 0 : i32
      %dma_wait3A_64 = arith.constant 0 : i32
      %dma_wait3A_65 = tpu.memref_slice %arg13[%dma_wait3A_63, %dma_wait3A_64] : memref<10240x128xf32, #tpu.memory_space<vmem_shared>> -> memref<10240x128xf32, #tpu.memory_space<vmem_shared>>
      tpu.wait_indirect_dma semaphore(%run_scoped3A : memref<!tpu.dma_semaphore, #tpu.memory_space<semaphore_mem>>) src(%arg12 : memref<80x128xf32, #tpu.memory_space<vmem>>) dst(%dma_wait3A_65 : memref<10240x128xf32, #tpu.memory_space<vmem_shared>>)
      tpu.yield
    }) : () -> ()
    %barrier3A_55 = arith.constant 0 : index
    tpu.barrier barrier_id(%barrier3A_55)
    %mul3A_56 = arith.constant 640 : i32
    %mul3A_57 = arith.muli %arg1, %mul3A_56 : i32
    %mul3A_58 = arith.constant 640 : i32
    %mul3A_59 = arith.muli %arg1, %mul3A_58 : i32
    "tpu.region"() ({
      %run_scoped3A = tpu.sem_alloc : memref<!tpu.dma_semaphore, #tpu.memory_space<semaphore_mem>>
      %dma_start3A_60 = arith.constant 0 : i32
      %dma_start3A_61 = tpu.memref_slice %arg6[%arg0, %mul3A_59, %dma_start3A_60] : memref<2x10240x128xf32, #tpu.memory_space<hbm>> -> memref<1x640x128xf32, #tpu.memory_space<hbm>>
      %dma_start3A_62 = tpu.memref_squeeze %dma_start3A_61 : memref<1x640x128xf32, #tpu.memory_space<hbm>> -> memref<640x128xf32, #tpu.memory_space<hbm>>
      %dma_start3A_63 = arith.constant 0 : i32
      %dma_start3A_64 = tpu.memref_slice %arg13[%mul3A_57, %dma_start3A_63] : memref<10240x128xf32, #tpu.memory_space<vmem_shared>> -> memref<640x128xf32, #tpu.memory_space<vmem_shared>>
      tpu.enqueue_dma source(%dma_start3A_64 : memref<640x128xf32, #tpu.memory_space<vmem_shared>>) target(%dma_start3A_62 : memref<640x128xf32, #tpu.memory_space<hbm>>) target_semaphore(%run_scoped3A : memref<!tpu.dma_semaphore, #tpu.memory_space<semaphore_mem>>)
      %dma_wait3A_65 = arith.constant 0 : i32
      %dma_wait3A_66 = tpu.memref_slice %arg6[%arg0, %mul3A_59, %dma_wait3A_65] : memref<2x10240x128xf32, #tpu.memory_space<hbm>> -> memref<1x640x128xf32, #tpu.memory_space<hbm>>
      %dma_wait3A_67 = tpu.memref_squeeze %dma_wait3A_66 : memref<1x640x128xf32, #tpu.memory_space<hbm>> -> memref<640x128xf32, #tpu.memory_space<hbm>>
      %dma_wait3A_68 = arith.constant 0 : i32
      %dma_wait3A_69 = tpu.memref_slice %arg13[%mul3A_57, %dma_wait3A_68] : memref<10240x128xf32, #tpu.memory_space<vmem_shared>> -> memref<640x128xf32, #tpu.memory_space<vmem_shared>>
      tpu.wait_dma2 semaphore(%run_scoped3A : memref<!tpu.dma_semaphore, #tpu.memory_space<semaphore_mem>>) src(%dma_wait3A_69 : memref<640x128xf32, #tpu.memory_space<vmem_shared>>) dst(%dma_wait3A_67 : memref<640x128xf32, #tpu.memory_space<hbm>>)
      tpu.yield
    }) : () -> ()
    return
  }
}

#map = affine_map<(d0, d1) -> (0, 0)>
#map1 = affine_map<(d0, d1) -> (0)>
#map2 = affine_map<(d0, d1) -> (0, 0, 0)>
module attributes {stable_mosaic.version = 14 : i64} {
  func.func @_sc_agg_body(%arg0: i32, %arg1: i32, %arg2: memref<10000x128xf32, #tpu.memory_space<hbm>>, %arg3: memref<320000xi32, #tpu.memory_space<hbm>>, %arg4: memref<320000xi32, #tpu.memory_space<hbm>>, %arg5: memref<640x128xf32, #tpu.memory_space<hbm>>, %arg6: memref<2x10240x128xf32, #tpu.memory_space<hbm>>, %arg7: memref<80xi32, #tpu.memory_space<vmem>>, %arg8: memref<80xi32, #tpu.memory_space<vmem>>, %arg9: memref<80xi32, #tpu.memory_space<vmem>>, %arg10: memref<80xi32, #tpu.memory_space<vmem>>, %arg11: memref<80x128xf32, #tpu.memory_space<vmem>>, %arg12: memref<80x128xf32, #tpu.memory_space<vmem>>, %arg13: memref<10240x128xf32, #tpu.memory_space<vmem_shared>>, %arg14: memref<!tpu.dma_semaphore, #tpu.memory_space<semaphore_mem>>, %arg15: memref<!tpu.dma_semaphore, #tpu.memory_space<semaphore_mem>>, %arg16: memref<!tpu.dma_semaphore, #tpu.memory_space<semaphore_mem>>, %arg17: memref<!tpu.dma_semaphore, #tpu.memory_space<semaphore_mem>>) attributes {dimension_semantics = [#tpu.dimension_semantics<core_parallel>, #tpu.dimension_semantics<subcore_parallel>], iteration_bounds = array<i64: 2, 16>, scalar_prefetch = 0 : i64, scratch_operands = 11 : i64, tpu.core_type = #tpu.core_type<sc_vector_subcore>, window_params = [{transform_indices = #map}, {transform_indices = #map1}, {transform_indices = #map1}, {transform_indices = #map}, {transform_indices = #map2}]} {
    %eq3A = arith.constant 0 : i32
    %eq3A_0 = arith.cmpi eq, %arg0, %eq3A : i32
    %jit3A = arith.constant 126 : i32
    %jit3A_1 = arith.constant 124 : i32
    %select_n3A = arith.select %eq3A_0, %jit3A, %jit3A_1 : i32
    %mul3A = arith.constant 16 : i32
    %mul3A_2 = arith.muli %arg0, %mul3A : i32
    %mul3A_3 = arith.constant 126 : i32
    %mul3A_4 = arith.muli %mul3A_2, %mul3A_3 : i32
    %mul3A_5 = arith.constant 80 : i32
    %mul3A_6 = arith.muli %mul3A_4, %mul3A_5 : i32
    %mul3A_7 = arith.muli %arg1, %select_n3A : i32
    %mul3A_8 = arith.constant 80 : i32
    %mul3A_9 = arith.muli %mul3A_7, %mul3A_8 : i32
    %add3A = arith.addi %mul3A_6, %mul3A_9 : i32
    %mul3A_10 = arith.constant 640 : i32
    %mul3A_11 = arith.muli %arg1, %mul3A_10 : i32
    "tpu.region"() ({
      %run_scoped3A = tpu.sem_alloc : memref<!tpu.dma_semaphore, #tpu.memory_space<semaphore_mem>>
      %dma_start3A_60 = arith.constant 0 : i32
      %dma_start3A_61 = tpu.memref_slice %arg13[%mul3A_11, %dma_start3A_60] : memref<10240x128xf32, #tpu.memory_space<vmem_shared>> -> memref<640x128xf32, #tpu.memory_space<vmem_shared>>
      tpu.enqueue_dma source(%arg5 : memref<640x128xf32, #tpu.memory_space<hbm>>) target(%dma_start3A_61 : memref<640x128xf32, #tpu.memory_space<vmem_shared>>) target_semaphore(%run_scoped3A : memref<!tpu.dma_semaphore, #tpu.memory_space<semaphore_mem>>)
      %dma_wait3A_62 = arith.constant 0 : i32
      %dma_wait3A_63 = tpu.memref_slice %arg13[%mul3A_11, %dma_wait3A_62] : memref<10240x128xf32, #tpu.memory_space<vmem_shared>> -> memref<640x128xf32, #tpu.memory_space<vmem_shared>>
      tpu.wait_dma2 semaphore(%run_scoped3A : memref<!tpu.dma_semaphore, #tpu.memory_space<semaphore_mem>>) src(%arg5 : memref<640x128xf32, #tpu.memory_space<hbm>>) dst(%dma_wait3A_63 : memref<640x128xf32, #tpu.memory_space<vmem_shared>>)
      tpu.yield
    }) : () -> ()
    "tpu.region"() ({
      %run_scoped3A = tpu.sem_alloc : memref<!tpu.dma_semaphore, #tpu.memory_space<semaphore_mem>>
      %dma_start3A_60 = tpu.memref_slice %arg3[%add3A] : memref<320000xi32, #tpu.memory_space<hbm>> -> memref<80xi32, #tpu.memory_space<hbm>>
      %dma_start3A_61 = tpu.memref_slice %arg3[%add3A] : memref<320000xi32, #tpu.memory_space<hbm>> -> memref<80xi32, #tpu.memory_space<hbm>>
      tpu.enqueue_dma source(%dma_start3A_61 : memref<80xi32, #tpu.memory_space<hbm>>) target(%arg7 : memref<80xi32, #tpu.memory_space<vmem>>) target_semaphore(%run_scoped3A : memref<!tpu.dma_semaphore, #tpu.memory_space<semaphore_mem>>)
      %dma_wait3A_62 = tpu.memref_slice %arg3[%add3A] : memref<320000xi32, #tpu.memory_space<hbm>> -> memref<80xi32, #tpu.memory_space<hbm>>
      %dma_wait3A_63 = tpu.memref_slice %arg3[%add3A] : memref<320000xi32, #tpu.memory_space<hbm>> -> memref<80xi32, #tpu.memory_space<hbm>>
      tpu.wait_dma2 semaphore(%run_scoped3A : memref<!tpu.dma_semaphore, #tpu.memory_space<semaphore_mem>>) src(%dma_wait3A_63 : memref<80xi32, #tpu.memory_space<hbm>>) dst(%arg7 : memref<80xi32, #tpu.memory_space<vmem>>)
      tpu.yield
    }) : () -> ()
    "tpu.region"() ({
      %run_scoped3A = tpu.sem_alloc : memref<!tpu.dma_semaphore, #tpu.memory_space<semaphore_mem>>
      %dma_start3A_60 = tpu.memref_slice %arg4[%add3A] : memref<320000xi32, #tpu.memory_space<hbm>> -> memref<80xi32, #tpu.memory_space<hbm>>
      %dma_start3A_61 = tpu.memref_slice %arg4[%add3A] : memref<320000xi32, #tpu.memory_space<hbm>> -> memref<80xi32, #tpu.memory_space<hbm>>
      tpu.enqueue_dma source(%dma_start3A_61 : memref<80xi32, #tpu.memory_space<hbm>>) target(%arg9 : memref<80xi32, #tpu.memory_space<vmem>>) target_semaphore(%run_scoped3A : memref<!tpu.dma_semaphore, #tpu.memory_space<semaphore_mem>>)
      %dma_wait3A_62 = tpu.memref_slice %arg4[%add3A] : memref<320000xi32, #tpu.memory_space<hbm>> -> memref<80xi32, #tpu.memory_space<hbm>>
      %dma_wait3A_63 = tpu.memref_slice %arg4[%add3A] : memref<320000xi32, #tpu.memory_space<hbm>> -> memref<80xi32, #tpu.memory_space<hbm>>
      tpu.wait_dma2 semaphore(%run_scoped3A : memref<!tpu.dma_semaphore, #tpu.memory_space<semaphore_mem>>) src(%dma_wait3A_63 : memref<80xi32, #tpu.memory_space<hbm>>) dst(%arg9 : memref<80xi32, #tpu.memory_space<vmem>>)
      tpu.yield
    }) : () -> ()
    %add3A_12 = arith.constant 80 : i32
    %add3A_13 = arith.addi %add3A, %add3A_12 : i32
    "tpu.region"() ({
      %run_scoped3A = tpu.sem_alloc : memref<!tpu.dma_semaphore, #tpu.memory_space<semaphore_mem>>
      %dma_start3A_60 = tpu.memref_slice %arg3[%add3A_13] : memref<320000xi32, #tpu.memory_space<hbm>> -> memref<80xi32, #tpu.memory_space<hbm>>
      %dma_start3A_61 = tpu.memref_slice %arg3[%add3A_13] : memref<320000xi32, #tpu.memory_space<hbm>> -> memref<80xi32, #tpu.memory_space<hbm>>
      tpu.enqueue_dma source(%dma_start3A_61 : memref<80xi32, #tpu.memory_space<hbm>>) target(%arg8 : memref<80xi32, #tpu.memory_space<vmem>>) target_semaphore(%run_scoped3A : memref<!tpu.dma_semaphore, #tpu.memory_space<semaphore_mem>>)
      %dma_wait3A_62 = tpu.memref_slice %arg3[%add3A_13] : memref<320000xi32, #tpu.memory_space<hbm>> -> memref<80xi32, #tpu.memory_space<hbm>>
      %dma_wait3A_63 = tpu.memref_slice %arg3[%add3A_13] : memref<320000xi32, #tpu.memory_space<hbm>> -> memref<80xi32, #tpu.memory_space<hbm>>
      tpu.wait_dma2 semaphore(%run_scoped3A : memref<!tpu.dma_semaphore, #tpu.memory_space<semaphore_mem>>) src(%dma_wait3A_63 : memref<80xi32, #tpu.memory_space<hbm>>) dst(%arg8 : memref<80xi32, #tpu.memory_space<vmem>>)
      tpu.yield
    }) : () -> ()
    %add3A_14 = arith.constant 80 : i32
    %add3A_15 = arith.addi %add3A, %add3A_14 : i32
    "tpu.region"() ({
      %run_scoped3A = tpu.sem_alloc : memref<!tpu.dma_semaphore, #tpu.memory_space<semaphore_mem>>
      %dma_start3A_60 = tpu.memref_slice %arg4[%add3A_15] : memref<320000xi32, #tpu.memory_space<hbm>> -> memref<80xi32, #tpu.memory_space<hbm>>
      %dma_start3A_61 = tpu.memref_slice %arg4[%add3A_15] : memref<320000xi32, #tpu.memory_space<hbm>> -> memref<80xi32, #tpu.memory_space<hbm>>
      tpu.enqueue_dma source(%dma_start3A_61 : memref<80xi32, #tpu.memory_space<hbm>>) target(%arg10 : memref<80xi32, #tpu.memory_space<vmem>>) target_semaphore(%run_scoped3A : memref<!tpu.dma_semaphore, #tpu.memory_space<semaphore_mem>>)
      %dma_wait3A_62 = tpu.memref_slice %arg4[%add3A_15] : memref<320000xi32, #tpu.memory_space<hbm>> -> memref<80xi32, #tpu.memory_space<hbm>>
      %dma_wait3A_63 = tpu.memref_slice %arg4[%add3A_15] : memref<320000xi32, #tpu.memory_space<hbm>> -> memref<80xi32, #tpu.memory_space<hbm>>
      tpu.wait_dma2 semaphore(%run_scoped3A : memref<!tpu.dma_semaphore, #tpu.memory_space<semaphore_mem>>) src(%dma_wait3A_63 : memref<80xi32, #tpu.memory_space<hbm>>) dst(%arg10 : memref<80xi32, #tpu.memory_space<vmem>>)
      tpu.yield
    }) : () -> ()
    %barrier3A = arith.constant 0 : index
    tpu.barrier barrier_id(%barrier3A)
    %dma_start3A = arith.constant 0 : i32
    %dma_start3A_16 = arith.constant 0 : i32
    %dma_start3A_17 = tpu.memref_slice %arg2[%dma_start3A, %dma_start3A_16] : memref<10000x128xf32, #tpu.memory_space<hbm>> -> memref<10000x128xf32, #tpu.memory_space<hbm>>
    tpu.enqueue_indirect_dma source(%dma_start3A_17 : memref<10000x128xf32, #tpu.memory_space<hbm>>) target(%arg11 : memref<80x128xf32, #tpu.memory_space<vmem>>) offsets(%arg7 : memref<80xi32, #tpu.memory_space<vmem>>) semaphore(%arg14 : memref<!tpu.dma_semaphore, #tpu.memory_space<semaphore_mem>>)
    %dma_start3A_18 = arith.constant 0 : i32
    %dma_start3A_19 = arith.constant 0 : i32
    %dma_start3A_20 = tpu.memref_slice %arg2[%dma_start3A_18, %dma_start3A_19] : memref<10000x128xf32, #tpu.memory_space<hbm>> -> memref<10000x128xf32, #tpu.memory_space<hbm>>
    tpu.enqueue_indirect_dma source(%dma_start3A_20 : memref<10000x128xf32, #tpu.memory_space<hbm>>) target(%arg12 : memref<80x128xf32, #tpu.memory_space<vmem>>) offsets(%arg8 : memref<80xi32, #tpu.memory_space<vmem>>) semaphore(%arg15 : memref<!tpu.dma_semaphore, #tpu.memory_space<semaphore_mem>>)
    %jit3A_21 = arith.constant 2 : i32
    %div3A = arith.divsi %select_n3A, %jit3A_21 : i32
    %sign3A = arith.constant 0 : i32
    %sign3A_22 = arith.cmpi sgt, %select_n3A, %sign3A : i32
    %sign3A_23 = arith.extui %sign3A_22 : i1 to i32
    %sign3A_24 = arith.constant 0 : i32
    %sign3A_25 = arith.cmpi slt, %select_n3A, %sign3A_24 : i32
    %sign3A_26 = arith.extui %sign3A_25 : i1 to i32
    %sign3A_27 = arith.subi %sign3A_23, %sign3A_26 : i32
    %sign3A_28 = arith.constant 0 : i32
    %sign3A_29 = arith.cmpi sgt, %jit3A_21, %sign3A_28 : i32
    %sign3A_30 = arith.extui %sign3A_29 : i1 to i32
    %sign3A_31 = arith.constant 0 : i32
    %sign3A_32 = arith.cmpi slt, %jit3A_21, %sign3A_31 : i32
    %sign3A_33 = arith.extui %sign3A_32 : i1 to i32
    %sign3A_34 = arith.subi %sign3A_30, %sign3A_33 : i32
    %ne3A = arith.cmpi ne, %sign3A_27, %sign3A_34 : i32
    %rem3A = arith.remsi %select_n3A, %jit3A_21 : i32
    %ne3A_35 = arith.constant 0 : i32
    %ne3A_36 = arith.cmpi ne, %rem3A, %ne3A_35 : i32
    %and3A = arith.andi %ne3A, %ne3A_36 : i1
    %sub3A = arith.constant 1 : i32
    %sub3A_37 = arith.subi %div3A, %sub3A : i32
    %select_n3A_38 = arith.select %and3A, %sub3A_37, %div3A : i32
    %sub3A_39 = arith.constant 1 : i32
    %sub3A_40 = arith.subi %select_n3A_38, %sub3A_39 : i32
    %while3A = arith.constant 0 : i32
    %while3A_41 = arith.constant 0 : i32
    %while3A_42 = arith.subi %sub3A_40, %while3A_41 : i32
    %while3A_43 = arith.addi %while3A_41, %while3A_42 : i32
    %while3A_44 = arith.constant 1 : i32
    %while3A_45 = arith.divsi %while3A_42, %while3A_44 : i32
    %while3A_46 = arith.muli %while3A_45, %while3A_44 : i32
    %while3A_47 = arith.addi %while3A_41, %while3A_46 : i32
    %while3A_48 = arith.constant 1 : i32
    scf.for %while3A_60 = %while3A_41 to %while3A_47 step %while3A_48  : i32 {
      %mul3A_61 = arith.constant 2 : i32
      %mul3A_62 = arith.muli %mul3A_61, %while3A_60 : i32
      %add3A_63 = arith.constant 2 : i32
      %add3A_64 = arith.addi %mul3A_62, %add3A_63 : i32
      %mul3A_65 = arith.constant 80 : i32
      %mul3A_66 = arith.muli %add3A_64, %mul3A_65 : i32
      %add3A_67 = arith.addi %add3A, %mul3A_66 : i32
      %add3A_68 = arith.constant 3 : i32
      %add3A_69 = arith.addi %mul3A_62, %add3A_68 : i32
      %mul3A_70 = arith.constant 80 : i32
      %mul3A_71 = arith.muli %add3A_69, %mul3A_70 : i32
      %add3A_72 = arith.addi %add3A, %mul3A_71 : i32
      %dma_wait3A_73 = arith.constant 0 : i32
      %dma_wait3A_74 = arith.constant 0 : i32
      %dma_wait3A_75 = tpu.memref_slice %arg2[%dma_wait3A_73, %dma_wait3A_74] : memref<10000x128xf32, #tpu.memory_space<hbm>> -> memref<10000x128xf32, #tpu.memory_space<hbm>>
      tpu.wait_indirect_dma semaphore(%arg14 : memref<!tpu.dma_semaphore, #tpu.memory_space<semaphore_mem>>) src(%dma_wait3A_75 : memref<10000x128xf32, #tpu.memory_space<hbm>>) dst(%arg11 : memref<80x128xf32, #tpu.memory_space<vmem>>)
      "tpu.region"() ({
        %run_scoped3A = tpu.sem_alloc : memref<!tpu.dma_semaphore, #tpu.memory_space<semaphore_mem>>
        %dma_start3A_101 = arith.constant 0 : i32
        %dma_start3A_102 = arith.constant 0 : i32
        %dma_start3A_103 = tpu.memref_slice %arg13[%dma_start3A_101, %dma_start3A_102] : memref<10240x128xf32, #tpu.memory_space<vmem_shared>> -> memref<10240x128xf32, #tpu.memory_space<vmem_shared>>
        tpu.enqueue_indirect_dma source(%arg11 : memref<80x128xf32, #tpu.memory_space<vmem>>) target(%dma_start3A_103 : memref<10240x128xf32, #tpu.memory_space<vmem_shared>>) offsets(%arg9 : memref<80xi32, #tpu.memory_space<vmem>>) semaphore(%run_scoped3A : memref<!tpu.dma_semaphore, #tpu.memory_space<semaphore_mem>>) {add = true}
        %dma_wait3A_104 = arith.constant 0 : i32
        %dma_wait3A_105 = arith.constant 0 : i32
        %dma_wait3A_106 = tpu.memref_slice %arg13[%dma_wait3A_104, %dma_wait3A_105] : memref<10240x128xf32, #tpu.memory_space<vmem_shared>> -> memref<10240x128xf32, #tpu.memory_space<vmem_shared>>
        tpu.wait_indirect_dma semaphore(%run_scoped3A : memref<!tpu.dma_semaphore, #tpu.memory_space<semaphore_mem>>) src(%arg11 : memref<80x128xf32, #tpu.memory_space<vmem>>) dst(%dma_wait3A_106 : memref<10240x128xf32, #tpu.memory_space<vmem_shared>>)
        tpu.yield
      }) : () -> ()
      %dma_start3A_76 = tpu.memref_slice %arg3[%add3A_67] : memref<320000xi32, #tpu.memory_space<hbm>> -> memref<80xi32, #tpu.memory_space<hbm>>
      %dma_start3A_77 = tpu.memref_slice %arg3[%add3A_67] : memref<320000xi32, #tpu.memory_space<hbm>> -> memref<80xi32, #tpu.memory_space<hbm>>
      tpu.enqueue_dma source(%dma_start3A_77 : memref<80xi32, #tpu.memory_space<hbm>>) target(%arg7 : memref<80xi32, #tpu.memory_space<vmem>>) target_semaphore(%arg16 : memref<!tpu.dma_semaphore, #tpu.memory_space<semaphore_mem>>)
      %dma_start3A_78 = tpu.memref_slice %arg4[%add3A_67] : memref<320000xi32, #tpu.memory_space<hbm>> -> memref<80xi32, #tpu.memory_space<hbm>>
      %dma_start3A_79 = tpu.memref_slice %arg4[%add3A_67] : memref<320000xi32, #tpu.memory_space<hbm>> -> memref<80xi32, #tpu.memory_space<hbm>>
      tpu.enqueue_dma source(%dma_start3A_79 : memref<80xi32, #tpu.memory_space<hbm>>) target(%arg9 : memref<80xi32, #tpu.memory_space<vmem>>) target_semaphore(%arg16 : memref<!tpu.dma_semaphore, #tpu.memory_space<semaphore_mem>>)
      %dma_wait3A_80 = arith.constant 0 : i32
      %dma_wait3A_81 = arith.constant 0 : i32
      %dma_wait3A_82 = tpu.memref_slice %arg2[%dma_wait3A_80, %dma_wait3A_81] : memref<10000x128xf32, #tpu.memory_space<hbm>> -> memref<10000x128xf32, #tpu.memory_space<hbm>>
      tpu.wait_indirect_dma semaphore(%arg15 : memref<!tpu.dma_semaphore, #tpu.memory_space<semaphore_mem>>) src(%dma_wait3A_82 : memref<10000x128xf32, #tpu.memory_space<hbm>>) dst(%arg12 : memref<80x128xf32, #tpu.memory_space<vmem>>)
      "tpu.region"() ({
        %run_scoped3A = tpu.sem_alloc : memref<!tpu.dma_semaphore, #tpu.memory_space<semaphore_mem>>
        %dma_start3A_101 = arith.constant 0 : i32
        %dma_start3A_102 = arith.constant 0 : i32
        %dma_start3A_103 = tpu.memref_slice %arg13[%dma_start3A_101, %dma_start3A_102] : memref<10240x128xf32, #tpu.memory_space<vmem_shared>> -> memref<10240x128xf32, #tpu.memory_space<vmem_shared>>
        tpu.enqueue_indirect_dma source(%arg12 : memref<80x128xf32, #tpu.memory_space<vmem>>) target(%dma_start3A_103 : memref<10240x128xf32, #tpu.memory_space<vmem_shared>>) offsets(%arg10 : memref<80xi32, #tpu.memory_space<vmem>>) semaphore(%run_scoped3A : memref<!tpu.dma_semaphore, #tpu.memory_space<semaphore_mem>>) {add = true}
        %dma_wait3A_104 = arith.constant 0 : i32
        %dma_wait3A_105 = arith.constant 0 : i32
        %dma_wait3A_106 = tpu.memref_slice %arg13[%dma_wait3A_104, %dma_wait3A_105] : memref<10240x128xf32, #tpu.memory_space<vmem_shared>> -> memref<10240x128xf32, #tpu.memory_space<vmem_shared>>
        tpu.wait_indirect_dma semaphore(%run_scoped3A : memref<!tpu.dma_semaphore, #tpu.memory_space<semaphore_mem>>) src(%arg12 : memref<80x128xf32, #tpu.memory_space<vmem>>) dst(%dma_wait3A_106 : memref<10240x128xf32, #tpu.memory_space<vmem_shared>>)
        tpu.yield
      }) : () -> ()
      %dma_start3A_83 = tpu.memref_slice %arg3[%add3A_72] : memref<320000xi32, #tpu.memory_space<hbm>> -> memref<80xi32, #tpu.memory_space<hbm>>
      %dma_start3A_84 = tpu.memref_slice %arg3[%add3A_72] : memref<320000xi32, #tpu.memory_space<hbm>> -> memref<80xi32, #tpu.memory_space<hbm>>
      tpu.enqueue_dma source(%dma_start3A_84 : memref<80xi32, #tpu.memory_space<hbm>>) target(%arg8 : memref<80xi32, #tpu.memory_space<vmem>>) target_semaphore(%arg17 : memref<!tpu.dma_semaphore, #tpu.memory_space<semaphore_mem>>)
      %dma_start3A_85 = tpu.memref_slice %arg4[%add3A_72] : memref<320000xi32, #tpu.memory_space<hbm>> -> memref<80xi32, #tpu.memory_space<hbm>>
      %dma_start3A_86 = tpu.memref_slice %arg4[%add3A_72] : memref<320000xi32, #tpu.memory_space<hbm>> -> memref<80xi32, #tpu.memory_space<hbm>>
      tpu.enqueue_dma source(%dma_start3A_86 : memref<80xi32, #tpu.memory_space<hbm>>) target(%arg10 : memref<80xi32, #tpu.memory_space<vmem>>) target_semaphore(%arg17 : memref<!tpu.dma_semaphore, #tpu.memory_space<semaphore_mem>>)
      %dma_wait3A_87 = tpu.memref_slice %arg3[%add3A_67] : memref<320000xi32, #tpu.memory_space<hbm>> -> memref<80xi32, #tpu.memory_space<hbm>>
      %dma_wait3A_88 = tpu.memref_slice %arg3[%add3A_67] : memref<320000xi32, #tpu.memory_space<hbm>> -> memref<80xi32, #tpu.memory_space<hbm>>
      tpu.wait_dma2 semaphore(%arg16 : memref<!tpu.dma_semaphore, #tpu.memory_space<semaphore_mem>>) src(%dma_wait3A_88 : memref<80xi32, #tpu.memory_space<hbm>>) dst(%arg7 : memref<80xi32, #tpu.memory_space<vmem>>)
      %dma_wait3A_89 = tpu.memref_slice %arg4[%add3A_67] : memref<320000xi32, #tpu.memory_space<hbm>> -> memref<80xi32, #tpu.memory_space<hbm>>
      %dma_wait3A_90 = tpu.memref_slice %arg4[%add3A_67] : memref<320000xi32, #tpu.memory_space<hbm>> -> memref<80xi32, #tpu.memory_space<hbm>>
      tpu.wait_dma2 semaphore(%arg16 : memref<!tpu.dma_semaphore, #tpu.memory_space<semaphore_mem>>) src(%dma_wait3A_90 : memref<80xi32, #tpu.memory_space<hbm>>) dst(%arg9 : memref<80xi32, #tpu.memory_space<vmem>>)
      %dma_start3A_91 = arith.constant 0 : i32
      %dma_start3A_92 = arith.constant 0 : i32
      %dma_start3A_93 = tpu.memref_slice %arg2[%dma_start3A_91, %dma_start3A_92] : memref<10000x128xf32, #tpu.memory_space<hbm>> -> memref<10000x128xf32, #tpu.memory_space<hbm>>
      tpu.enqueue_indirect_dma source(%dma_start3A_93 : memref<10000x128xf32, #tpu.memory_space<hbm>>) target(%arg11 : memref<80x128xf32, #tpu.memory_space<vmem>>) offsets(%arg7 : memref<80xi32, #tpu.memory_space<vmem>>) semaphore(%arg14 : memref<!tpu.dma_semaphore, #tpu.memory_space<semaphore_mem>>)
      %dma_wait3A_94 = tpu.memref_slice %arg3[%add3A_72] : memref<320000xi32, #tpu.memory_space<hbm>> -> memref<80xi32, #tpu.memory_space<hbm>>
      %dma_wait3A_95 = tpu.memref_slice %arg3[%add3A_72] : memref<320000xi32, #tpu.memory_space<hbm>> -> memref<80xi32, #tpu.memory_space<hbm>>
      tpu.wait_dma2 semaphore(%arg17 : memref<!tpu.dma_semaphore, #tpu.memory_space<semaphore_mem>>) src(%dma_wait3A_95 : memref<80xi32, #tpu.memory_space<hbm>>) dst(%arg8 : memref<80xi32, #tpu.memory_space<vmem>>)
      %dma_wait3A_96 = tpu.memref_slice %arg4[%add3A_72] : memref<320000xi32, #tpu.memory_space<hbm>> -> memref<80xi32, #tpu.memory_space<hbm>>
      %dma_wait3A_97 = tpu.memref_slice %arg4[%add3A_72] : memref<320000xi32, #tpu.memory_space<hbm>> -> memref<80xi32, #tpu.memory_space<hbm>>
      tpu.wait_dma2 semaphore(%arg17 : memref<!tpu.dma_semaphore, #tpu.memory_space<semaphore_mem>>) src(%dma_wait3A_97 : memref<80xi32, #tpu.memory_space<hbm>>) dst(%arg10 : memref<80xi32, #tpu.memory_space<vmem>>)
      %dma_start3A_98 = arith.constant 0 : i32
      %dma_start3A_99 = arith.constant 0 : i32
      %dma_start3A_100 = tpu.memref_slice %arg2[%dma_start3A_98, %dma_start3A_99] : memref<10000x128xf32, #tpu.memory_space<hbm>> -> memref<10000x128xf32, #tpu.memory_space<hbm>>
      tpu.enqueue_indirect_dma source(%dma_start3A_100 : memref<10000x128xf32, #tpu.memory_space<hbm>>) target(%arg12 : memref<80x128xf32, #tpu.memory_space<vmem>>) offsets(%arg8 : memref<80xi32, #tpu.memory_space<vmem>>) semaphore(%arg15 : memref<!tpu.dma_semaphore, #tpu.memory_space<semaphore_mem>>)
    }
    %while3A_49 = arith.constant 1 : i32
    scf.for %while3A_60 = %while3A_47 to %while3A_43 step %while3A_49  : i32 {
      %mul3A_61 = arith.constant 2 : i32
      %mul3A_62 = arith.muli %mul3A_61, %while3A_60 : i32
      %add3A_63 = arith.constant 2 : i32
      %add3A_64 = arith.addi %mul3A_62, %add3A_63 : i32
      %mul3A_65 = arith.constant 80 : i32
      %mul3A_66 = arith.muli %add3A_64, %mul3A_65 : i32
      %add3A_67 = arith.addi %add3A, %mul3A_66 : i32
      %add3A_68 = arith.constant 3 : i32
      %add3A_69 = arith.addi %mul3A_62, %add3A_68 : i32
      %mul3A_70 = arith.constant 80 : i32
      %mul3A_71 = arith.muli %add3A_69, %mul3A_70 : i32
      %add3A_72 = arith.addi %add3A, %mul3A_71 : i32
      %dma_wait3A_73 = arith.constant 0 : i32
      %dma_wait3A_74 = arith.constant 0 : i32
      %dma_wait3A_75 = tpu.memref_slice %arg2[%dma_wait3A_73, %dma_wait3A_74] : memref<10000x128xf32, #tpu.memory_space<hbm>> -> memref<10000x128xf32, #tpu.memory_space<hbm>>
      tpu.wait_indirect_dma semaphore(%arg14 : memref<!tpu.dma_semaphore, #tpu.memory_space<semaphore_mem>>) src(%dma_wait3A_75 : memref<10000x128xf32, #tpu.memory_space<hbm>>) dst(%arg11 : memref<80x128xf32, #tpu.memory_space<vmem>>)
      "tpu.region"() ({
        %run_scoped3A = tpu.sem_alloc : memref<!tpu.dma_semaphore, #tpu.memory_space<semaphore_mem>>
        %dma_start3A_101 = arith.constant 0 : i32
        %dma_start3A_102 = arith.constant 0 : i32
        %dma_start3A_103 = tpu.memref_slice %arg13[%dma_start3A_101, %dma_start3A_102] : memref<10240x128xf32, #tpu.memory_space<vmem_shared>> -> memref<10240x128xf32, #tpu.memory_space<vmem_shared>>
        tpu.enqueue_indirect_dma source(%arg11 : memref<80x128xf32, #tpu.memory_space<vmem>>) target(%dma_start3A_103 : memref<10240x128xf32, #tpu.memory_space<vmem_shared>>) offsets(%arg9 : memref<80xi32, #tpu.memory_space<vmem>>) semaphore(%run_scoped3A : memref<!tpu.dma_semaphore, #tpu.memory_space<semaphore_mem>>) {add = true}
        %dma_wait3A_104 = arith.constant 0 : i32
        %dma_wait3A_105 = arith.constant 0 : i32
        %dma_wait3A_106 = tpu.memref_slice %arg13[%dma_wait3A_104, %dma_wait3A_105] : memref<10240x128xf32, #tpu.memory_space<vmem_shared>> -> memref<10240x128xf32, #tpu.memory_space<vmem_shared>>
        tpu.wait_indirect_dma semaphore(%run_scoped3A : memref<!tpu.dma_semaphore, #tpu.memory_space<semaphore_mem>>) src(%arg11 : memref<80x128xf32, #tpu.memory_space<vmem>>) dst(%dma_wait3A_106 : memref<10240x128xf32, #tpu.memory_space<vmem_shared>>)
        tpu.yield
      }) : () -> ()
      %dma_start3A_76 = tpu.memref_slice %arg3[%add3A_67] : memref<320000xi32, #tpu.memory_space<hbm>> -> memref<80xi32, #tpu.memory_space<hbm>>
      %dma_start3A_77 = tpu.memref_slice %arg3[%add3A_67] : memref<320000xi32, #tpu.memory_space<hbm>> -> memref<80xi32, #tpu.memory_space<hbm>>
      tpu.enqueue_dma source(%dma_start3A_77 : memref<80xi32, #tpu.memory_space<hbm>>) target(%arg7 : memref<80xi32, #tpu.memory_space<vmem>>) target_semaphore(%arg16 : memref<!tpu.dma_semaphore, #tpu.memory_space<semaphore_mem>>)
      %dma_start3A_78 = tpu.memref_slice %arg4[%add3A_67] : memref<320000xi32, #tpu.memory_space<hbm>> -> memref<80xi32, #tpu.memory_space<hbm>>
      %dma_start3A_79 = tpu.memref_slice %arg4[%add3A_67] : memref<320000xi32, #tpu.memory_space<hbm>> -> memref<80xi32, #tpu.memory_space<hbm>>
      tpu.enqueue_dma source(%dma_start3A_79 : memref<80xi32, #tpu.memory_space<hbm>>) target(%arg9 : memref<80xi32, #tpu.memory_space<vmem>>) target_semaphore(%arg16 : memref<!tpu.dma_semaphore, #tpu.memory_space<semaphore_mem>>)
      %dma_wait3A_80 = arith.constant 0 : i32
      %dma_wait3A_81 = arith.constant 0 : i32
      %dma_wait3A_82 = tpu.memref_slice %arg2[%dma_wait3A_80, %dma_wait3A_81] : memref<10000x128xf32, #tpu.memory_space<hbm>> -> memref<10000x128xf32, #tpu.memory_space<hbm>>
      tpu.wait_indirect_dma semaphore(%arg15 : memref<!tpu.dma_semaphore, #tpu.memory_space<semaphore_mem>>) src(%dma_wait3A_82 : memref<10000x128xf32, #tpu.memory_space<hbm>>) dst(%arg12 : memref<80x128xf32, #tpu.memory_space<vmem>>)
      "tpu.region"() ({
        %run_scoped3A = tpu.sem_alloc : memref<!tpu.dma_semaphore, #tpu.memory_space<semaphore_mem>>
        %dma_start3A_101 = arith.constant 0 : i32
        %dma_start3A_102 = arith.constant 0 : i32
        %dma_start3A_103 = tpu.memref_slice %arg13[%dma_start3A_101, %dma_start3A_102] : memref<10240x128xf32, #tpu.memory_space<vmem_shared>> -> memref<10240x128xf32, #tpu.memory_space<vmem_shared>>
        tpu.enqueue_indirect_dma source(%arg12 : memref<80x128xf32, #tpu.memory_space<vmem>>) target(%dma_start3A_103 : memref<10240x128xf32, #tpu.memory_space<vmem_shared>>) offsets(%arg10 : memref<80xi32, #tpu.memory_space<vmem>>) semaphore(%run_scoped3A : memref<!tpu.dma_semaphore, #tpu.memory_space<semaphore_mem>>) {add = true}
        %dma_wait3A_104 = arith.constant 0 : i32
        %dma_wait3A_105 = arith.constant 0 : i32
        %dma_wait3A_106 = tpu.memref_slice %arg13[%dma_wait3A_104, %dma_wait3A_105] : memref<10240x128xf32, #tpu.memory_space<vmem_shared>> -> memref<10240x128xf32, #tpu.memory_space<vmem_shared>>
        tpu.wait_indirect_dma semaphore(%run_scoped3A : memref<!tpu.dma_semaphore, #tpu.memory_space<semaphore_mem>>) src(%arg12 : memref<80x128xf32, #tpu.memory_space<vmem>>) dst(%dma_wait3A_106 : memref<10240x128xf32, #tpu.memory_space<vmem_shared>>)
        tpu.yield
      }) : () -> ()
      %dma_start3A_83 = tpu.memref_slice %arg3[%add3A_72] : memref<320000xi32, #tpu.memory_space<hbm>> -> memref<80xi32, #tpu.memory_space<hbm>>
      %dma_start3A_84 = tpu.memref_slice %arg3[%add3A_72] : memref<320000xi32, #tpu.memory_space<hbm>> -> memref<80xi32, #tpu.memory_space<hbm>>
      tpu.enqueue_dma source(%dma_start3A_84 : memref<80xi32, #tpu.memory_space<hbm>>) target(%arg8 : memref<80xi32, #tpu.memory_space<vmem>>) target_semaphore(%arg17 : memref<!tpu.dma_semaphore, #tpu.memory_space<semaphore_mem>>)
      %dma_start3A_85 = tpu.memref_slice %arg4[%add3A_72] : memref<320000xi32, #tpu.memory_space<hbm>> -> memref<80xi32, #tpu.memory_space<hbm>>
      %dma_start3A_86 = tpu.memref_slice %arg4[%add3A_72] : memref<320000xi32, #tpu.memory_space<hbm>> -> memref<80xi32, #tpu.memory_space<hbm>>
      tpu.enqueue_dma source(%dma_start3A_86 : memref<80xi32, #tpu.memory_space<hbm>>) target(%arg10 : memref<80xi32, #tpu.memory_space<vmem>>) target_semaphore(%arg17 : memref<!tpu.dma_semaphore, #tpu.memory_space<semaphore_mem>>)
      %dma_wait3A_87 = tpu.memref_slice %arg3[%add3A_67] : memref<320000xi32, #tpu.memory_space<hbm>> -> memref<80xi32, #tpu.memory_space<hbm>>
      %dma_wait3A_88 = tpu.memref_slice %arg3[%add3A_67] : memref<320000xi32, #tpu.memory_space<hbm>> -> memref<80xi32, #tpu.memory_space<hbm>>
      tpu.wait_dma2 semaphore(%arg16 : memref<!tpu.dma_semaphore, #tpu.memory_space<semaphore_mem>>) src(%dma_wait3A_88 : memref<80xi32, #tpu.memory_space<hbm>>) dst(%arg7 : memref<80xi32, #tpu.memory_space<vmem>>)
      %dma_wait3A_89 = tpu.memref_slice %arg4[%add3A_67] : memref<320000xi32, #tpu.memory_space<hbm>> -> memref<80xi32, #tpu.memory_space<hbm>>
      %dma_wait3A_90 = tpu.memref_slice %arg4[%add3A_67] : memref<320000xi32, #tpu.memory_space<hbm>> -> memref<80xi32, #tpu.memory_space<hbm>>
      tpu.wait_dma2 semaphore(%arg16 : memref<!tpu.dma_semaphore, #tpu.memory_space<semaphore_mem>>) src(%dma_wait3A_90 : memref<80xi32, #tpu.memory_space<hbm>>) dst(%arg9 : memref<80xi32, #tpu.memory_space<vmem>>)
      %dma_start3A_91 = arith.constant 0 : i32
      %dma_start3A_92 = arith.constant 0 : i32
      %dma_start3A_93 = tpu.memref_slice %arg2[%dma_start3A_91, %dma_start3A_92] : memref<10000x128xf32, #tpu.memory_space<hbm>> -> memref<10000x128xf32, #tpu.memory_space<hbm>>
      tpu.enqueue_indirect_dma source(%dma_start3A_93 : memref<10000x128xf32, #tpu.memory_space<hbm>>) target(%arg11 : memref<80x128xf32, #tpu.memory_space<vmem>>) offsets(%arg7 : memref<80xi32, #tpu.memory_space<vmem>>) semaphore(%arg14 : memref<!tpu.dma_semaphore, #tpu.memory_space<semaphore_mem>>)
      %dma_wait3A_94 = tpu.memref_slice %arg3[%add3A_72] : memref<320000xi32, #tpu.memory_space<hbm>> -> memref<80xi32, #tpu.memory_space<hbm>>
      %dma_wait3A_95 = tpu.memref_slice %arg3[%add3A_72] : memref<320000xi32, #tpu.memory_space<hbm>> -> memref<80xi32, #tpu.memory_space<hbm>>
      tpu.wait_dma2 semaphore(%arg17 : memref<!tpu.dma_semaphore, #tpu.memory_space<semaphore_mem>>) src(%dma_wait3A_95 : memref<80xi32, #tpu.memory_space<hbm>>) dst(%arg8 : memref<80xi32, #tpu.memory_space<vmem>>)
      %dma_wait3A_96 = tpu.memref_slice %arg4[%add3A_72] : memref<320000xi32, #tpu.memory_space<hbm>> -> memref<80xi32, #tpu.memory_space<hbm>>
      %dma_wait3A_97 = tpu.memref_slice %arg4[%add3A_72] : memref<320000xi32, #tpu.memory_space<hbm>> -> memref<80xi32, #tpu.memory_space<hbm>>
      tpu.wait_dma2 semaphore(%arg17 : memref<!tpu.dma_semaphore, #tpu.memory_space<semaphore_mem>>) src(%dma_wait3A_97 : memref<80xi32, #tpu.memory_space<hbm>>) dst(%arg10 : memref<80xi32, #tpu.memory_space<vmem>>)
      %dma_start3A_98 = arith.constant 0 : i32
      %dma_start3A_99 = arith.constant 0 : i32
      %dma_start3A_100 = tpu.memref_slice %arg2[%dma_start3A_98, %dma_start3A_99] : memref<10000x128xf32, #tpu.memory_space<hbm>> -> memref<10000x128xf32, #tpu.memory_space<hbm>>
      tpu.enqueue_indirect_dma source(%dma_start3A_100 : memref<10000x128xf32, #tpu.memory_space<hbm>>) target(%arg12 : memref<80x128xf32, #tpu.memory_space<vmem>>) offsets(%arg8 : memref<80xi32, #tpu.memory_space<vmem>>) semaphore(%arg15 : memref<!tpu.dma_semaphore, #tpu.memory_space<semaphore_mem>>)
    }
    %dma_wait3A = arith.constant 0 : i32
    %dma_wait3A_50 = arith.constant 0 : i32
    %dma_wait3A_51 = tpu.memref_slice %arg2[%dma_wait3A, %dma_wait3A_50] : memref<10000x128xf32, #tpu.memory_space<hbm>> -> memref<10000x128xf32, #tpu.memory_space<hbm>>
    tpu.wait_indirect_dma semaphore(%arg14 : memref<!tpu.dma_semaphore, #tpu.memory_space<semaphore_mem>>) src(%dma_wait3A_51 : memref<10000x128xf32, #tpu.memory_space<hbm>>) dst(%arg11 : memref<80x128xf32, #tpu.memory_space<vmem>>)
    "tpu.region"() ({
      %run_scoped3A = tpu.sem_alloc : memref<!tpu.dma_semaphore, #tpu.memory_space<semaphore_mem>>
      %dma_start3A_60 = arith.constant 0 : i32
      %dma_start3A_61 = arith.constant 0 : i32
      %dma_start3A_62 = tpu.memref_slice %arg13[%dma_start3A_60, %dma_start3A_61] : memref<10240x128xf32, #tpu.memory_space<vmem_shared>> -> memref<10240x128xf32, #tpu.memory_space<vmem_shared>>
      tpu.enqueue_indirect_dma source(%arg11 : memref<80x128xf32, #tpu.memory_space<vmem>>) target(%dma_start3A_62 : memref<10240x128xf32, #tpu.memory_space<vmem_shared>>) offsets(%arg9 : memref<80xi32, #tpu.memory_space<vmem>>) semaphore(%run_scoped3A : memref<!tpu.dma_semaphore, #tpu.memory_space<semaphore_mem>>) {add = true}
      %dma_wait3A_63 = arith.constant 0 : i32
      %dma_wait3A_64 = arith.constant 0 : i32
      %dma_wait3A_65 = tpu.memref_slice %arg13[%dma_wait3A_63, %dma_wait3A_64] : memref<10240x128xf32, #tpu.memory_space<vmem_shared>> -> memref<10240x128xf32, #tpu.memory_space<vmem_shared>>
      tpu.wait_indirect_dma semaphore(%run_scoped3A : memref<!tpu.dma_semaphore, #tpu.memory_space<semaphore_mem>>) src(%arg11 : memref<80x128xf32, #tpu.memory_space<vmem>>) dst(%dma_wait3A_65 : memref<10240x128xf32, #tpu.memory_space<vmem_shared>>)
      tpu.yield
    }) : () -> ()
    %dma_wait3A_52 = arith.constant 0 : i32
    %dma_wait3A_53 = arith.constant 0 : i32
    %dma_wait3A_54 = tpu.memref_slice %arg2[%dma_wait3A_52, %dma_wait3A_53] : memref<10000x128xf32, #tpu.memory_space<hbm>> -> memref<10000x128xf32, #tpu.memory_space<hbm>>
    tpu.wait_indirect_dma semaphore(%arg15 : memref<!tpu.dma_semaphore, #tpu.memory_space<semaphore_mem>>) src(%dma_wait3A_54 : memref<10000x128xf32, #tpu.memory_space<hbm>>) dst(%arg12 : memref<80x128xf32, #tpu.memory_space<vmem>>)
    "tpu.region"() ({
      %run_scoped3A = tpu.sem_alloc : memref<!tpu.dma_semaphore, #tpu.memory_space<semaphore_mem>>
      %dma_start3A_60 = arith.constant 0 : i32
      %dma_start3A_61 = arith.constant 0 : i32
      %dma_start3A_62 = tpu.memref_slice %arg13[%dma_start3A_60, %dma_start3A_61] : memref<10240x128xf32, #tpu.memory_space<vmem_shared>> -> memref<10240x128xf32, #tpu.memory_space<vmem_shared>>
      tpu.enqueue_indirect_dma source(%arg12 : memref<80x128xf32, #tpu.memory_space<vmem>>) target(%dma_start3A_62 : memref<10240x128xf32, #tpu.memory_space<vmem_shared>>) offsets(%arg10 : memref<80xi32, #tpu.memory_space<vmem>>) semaphore(%run_scoped3A : memref<!tpu.dma_semaphore, #tpu.memory_space<semaphore_mem>>) {add = true}
      %dma_wait3A_63 = arith.constant 0 : i32
      %dma_wait3A_64 = arith.constant 0 : i32
      %dma_wait3A_65 = tpu.memref_slice %arg13[%dma_wait3A_63, %dma_wait3A_64] : memref<10240x128xf32, #tpu.memory_space<vmem_shared>> -> memref<10240x128xf32, #tpu.memory_space<vmem_shared>>
      tpu.wait_indirect_dma semaphore(%run_scoped3A : memref<!tpu.dma_semaphore, #tpu.memory_space<semaphore_mem>>) src(%arg12 : memref<80x128xf32, #tpu.memory_space<vmem>>) dst(%dma_wait3A_65 : memref<10240x128xf32, #tpu.memory_space<vmem_shared>>)
      tpu.yield
    }) : () -> ()
    %barrier3A_55 = arith.constant 0 : index
    tpu.barrier barrier_id(%barrier3A_55)
    %mul3A_56 = arith.constant 640 : i32
    %mul3A_57 = arith.muli %arg1, %mul3A_56 : i32
    %mul3A_58 = arith.constant 640 : i32
    %mul3A_59 = arith.muli %arg1, %mul3A_58 : i32
    "tpu.region"() ({
      %run_scoped3A = tpu.sem_alloc : memref<!tpu.dma_semaphore, #tpu.memory_space<semaphore_mem>>
      %dma_start3A_60 = arith.constant 0 : i32
      %dma_start3A_61 = tpu.memref_slice %arg6[%arg0, %mul3A_59, %dma_start3A_60] : memref<2x10240x128xf32, #tpu.memory_space<hbm>> -> memref<1x640x128xf32, #tpu.memory_space<hbm>>
      %dma_start3A_62 = tpu.memref_squeeze %dma_start3A_61 : memref<1x640x128xf32, #tpu.memory_space<hbm>> -> memref<640x128xf32, #tpu.memory_space<hbm>>
      %dma_start3A_63 = arith.constant 0 : i32
      %dma_start3A_64 = tpu.memref_slice %arg13[%mul3A_57, %dma_start3A_63] : memref<10240x128xf32, #tpu.memory_space<vmem_shared>> -> memref<640x128xf32, #tpu.memory_space<vmem_shared>>
      tpu.enqueue_dma source(%dma_start3A_64 : memref<640x128xf32, #tpu.memory_space<vmem_shared>>) target(%dma_start3A_62 : memref<640x128xf32, #tpu.memory_space<hbm>>) target_semaphore(%run_scoped3A : memref<!tpu.dma_semaphore, #tpu.memory_space<semaphore_mem>>)
      %dma_wait3A_65 = arith.constant 0 : i32
      %dma_wait3A_66 = tpu.memref_slice %arg6[%arg0, %mul3A_59, %dma_wait3A_65] : memref<2x10240x128xf32, #tpu.memory_space<hbm>> -> memref<1x640x128xf32, #tpu.memory_space<hbm>>
      %dma_wait3A_67 = tpu.memref_squeeze %dma_wait3A_66 : memref<1x640x128xf32, #tpu.memory_space<hbm>> -> memref<640x128xf32, #tpu.memory_space<hbm>>
      %dma_wait3A_68 = arith.constant 0 : i32
      %dma_wait3A_69 = tpu.memref_slice %arg13[%mul3A_57, %dma_wait3A_68] : memref<10240x128xf32, #tpu.memory_space<vmem_shared>> -> memref<640x128xf32, #tpu.memory_space<vmem_shared>>
      tpu.wait_dma2 semaphore(%run_scoped3A : memref<!tpu.dma_semaphore, #tpu.memory_space<semaphore_mem>>) src(%dma_wait3A_69 : memref<640x128xf32, #tpu.memory_space<vmem_shared>>) dst(%dma_wait3A_67 : memref<640x128xf32, #tpu.memory_space<hbm>>)
      tpu.yield
    }) : () -> ()
    return
  }
}

#map = affine_map<(d0, d1) -> (0, 0)>
#map1 = affine_map<(d0, d1) -> (0)>
#map2 = affine_map<(d0, d1) -> (0, 0, 0)>
module attributes {stable_mosaic.version = 14 : i64} {
  func.func @_sc_agg_body(%arg0: i32, %arg1: i32, %arg2: memref<10000x128xf32, #tpu.memory_space<hbm>>, %arg3: memref<320000xi32, #tpu.memory_space<hbm>>, %arg4: memref<320000xi32, #tpu.memory_space<hbm>>, %arg5: memref<640x128xf32, #tpu.memory_space<hbm>>, %arg6: memref<2x10240x128xf32, #tpu.memory_space<hbm>>, %arg7: memref<80xi32, #tpu.memory_space<vmem>>, %arg8: memref<80xi32, #tpu.memory_space<vmem>>, %arg9: memref<80xi32, #tpu.memory_space<vmem>>, %arg10: memref<80xi32, #tpu.memory_space<vmem>>, %arg11: memref<80x128xf32, #tpu.memory_space<vmem>>, %arg12: memref<80x128xf32, #tpu.memory_space<vmem>>, %arg13: memref<10240x128xf32, #tpu.memory_space<vmem_shared>>, %arg14: memref<!tpu.dma_semaphore, #tpu.memory_space<semaphore_mem>>, %arg15: memref<!tpu.dma_semaphore, #tpu.memory_space<semaphore_mem>>, %arg16: memref<!tpu.dma_semaphore, #tpu.memory_space<semaphore_mem>>, %arg17: memref<!tpu.dma_semaphore, #tpu.memory_space<semaphore_mem>>) attributes {dimension_semantics = [#tpu.dimension_semantics<core_parallel>, #tpu.dimension_semantics<subcore_parallel>], iteration_bounds = array<i64: 2, 16>, scalar_prefetch = 0 : i64, scratch_operands = 11 : i64, tpu.core_type = #tpu.core_type<sc_vector_subcore>, window_params = [{transform_indices = #map}, {transform_indices = #map1}, {transform_indices = #map1}, {transform_indices = #map}, {transform_indices = #map2}]} {
    %eq3A = arith.constant 0 : i32
    %eq3A_0 = arith.cmpi eq, %arg0, %eq3A : i32
    %jit3A = arith.constant 126 : i32
    %jit3A_1 = arith.constant 124 : i32
    %select_n3A = arith.select %eq3A_0, %jit3A, %jit3A_1 : i32
    %mul3A = arith.constant 16 : i32
    %mul3A_2 = arith.muli %arg0, %mul3A : i32
    %mul3A_3 = arith.constant 126 : i32
    %mul3A_4 = arith.muli %mul3A_2, %mul3A_3 : i32
    %mul3A_5 = arith.constant 80 : i32
    %mul3A_6 = arith.muli %mul3A_4, %mul3A_5 : i32
    %mul3A_7 = arith.muli %arg1, %select_n3A : i32
    %mul3A_8 = arith.constant 80 : i32
    %mul3A_9 = arith.muli %mul3A_7, %mul3A_8 : i32
    %add3A = arith.addi %mul3A_6, %mul3A_9 : i32
    %mul3A_10 = arith.constant 640 : i32
    %mul3A_11 = arith.muli %arg1, %mul3A_10 : i32
    "tpu.region"() ({
      %run_scoped3A = tpu.sem_alloc : memref<!tpu.dma_semaphore, #tpu.memory_space<semaphore_mem>>
      %dma_start3A_60 = arith.constant 0 : i32
      %dma_start3A_61 = tpu.memref_slice %arg13[%mul3A_11, %dma_start3A_60] : memref<10240x128xf32, #tpu.memory_space<vmem_shared>> -> memref<640x128xf32, #tpu.memory_space<vmem_shared>>
      tpu.enqueue_dma source(%arg5 : memref<640x128xf32, #tpu.memory_space<hbm>>) target(%dma_start3A_61 : memref<640x128xf32, #tpu.memory_space<vmem_shared>>) target_semaphore(%run_scoped3A : memref<!tpu.dma_semaphore, #tpu.memory_space<semaphore_mem>>)
      %dma_wait3A_62 = arith.constant 0 : i32
      %dma_wait3A_63 = tpu.memref_slice %arg13[%mul3A_11, %dma_wait3A_62] : memref<10240x128xf32, #tpu.memory_space<vmem_shared>> -> memref<640x128xf32, #tpu.memory_space<vmem_shared>>
      tpu.wait_dma2 semaphore(%run_scoped3A : memref<!tpu.dma_semaphore, #tpu.memory_space<semaphore_mem>>) src(%arg5 : memref<640x128xf32, #tpu.memory_space<hbm>>) dst(%dma_wait3A_63 : memref<640x128xf32, #tpu.memory_space<vmem_shared>>)
      tpu.yield
    }) : () -> ()
    "tpu.region"() ({
      %run_scoped3A = tpu.sem_alloc : memref<!tpu.dma_semaphore, #tpu.memory_space<semaphore_mem>>
      %dma_start3A_60 = tpu.memref_slice %arg3[%add3A] : memref<320000xi32, #tpu.memory_space<hbm>> -> memref<80xi32, #tpu.memory_space<hbm>>
      %dma_start3A_61 = tpu.memref_slice %arg3[%add3A] : memref<320000xi32, #tpu.memory_space<hbm>> -> memref<80xi32, #tpu.memory_space<hbm>>
      tpu.enqueue_dma source(%dma_start3A_61 : memref<80xi32, #tpu.memory_space<hbm>>) target(%arg7 : memref<80xi32, #tpu.memory_space<vmem>>) target_semaphore(%run_scoped3A : memref<!tpu.dma_semaphore, #tpu.memory_space<semaphore_mem>>)
      %dma_wait3A_62 = tpu.memref_slice %arg3[%add3A] : memref<320000xi32, #tpu.memory_space<hbm>> -> memref<80xi32, #tpu.memory_space<hbm>>
      %dma_wait3A_63 = tpu.memref_slice %arg3[%add3A] : memref<320000xi32, #tpu.memory_space<hbm>> -> memref<80xi32, #tpu.memory_space<hbm>>
      tpu.wait_dma2 semaphore(%run_scoped3A : memref<!tpu.dma_semaphore, #tpu.memory_space<semaphore_mem>>) src(%dma_wait3A_63 : memref<80xi32, #tpu.memory_space<hbm>>) dst(%arg7 : memref<80xi32, #tpu.memory_space<vmem>>)
      tpu.yield
    }) : () -> ()
    "tpu.region"() ({
      %run_scoped3A = tpu.sem_alloc : memref<!tpu.dma_semaphore, #tpu.memory_space<semaphore_mem>>
      %dma_start3A_60 = tpu.memref_slice %arg4[%add3A] : memref<320000xi32, #tpu.memory_space<hbm>> -> memref<80xi32, #tpu.memory_space<hbm>>
      %dma_start3A_61 = tpu.memref_slice %arg4[%add3A] : memref<320000xi32, #tpu.memory_space<hbm>> -> memref<80xi32, #tpu.memory_space<hbm>>
      tpu.enqueue_dma source(%dma_start3A_61 : memref<80xi32, #tpu.memory_space<hbm>>) target(%arg9 : memref<80xi32, #tpu.memory_space<vmem>>) target_semaphore(%run_scoped3A : memref<!tpu.dma_semaphore, #tpu.memory_space<semaphore_mem>>)
      %dma_wait3A_62 = tpu.memref_slice %arg4[%add3A] : memref<320000xi32, #tpu.memory_space<hbm>> -> memref<80xi32, #tpu.memory_space<hbm>>
      %dma_wait3A_63 = tpu.memref_slice %arg4[%add3A] : memref<320000xi32, #tpu.memory_space<hbm>> -> memref<80xi32, #tpu.memory_space<hbm>>
      tpu.wait_dma2 semaphore(%run_scoped3A : memref<!tpu.dma_semaphore, #tpu.memory_space<semaphore_mem>>) src(%dma_wait3A_63 : memref<80xi32, #tpu.memory_space<hbm>>) dst(%arg9 : memref<80xi32, #tpu.memory_space<vmem>>)
      tpu.yield
    }) : () -> ()
    %add3A_12 = arith.constant 80 : i32
    %add3A_13 = arith.addi %add3A, %add3A_12 : i32
    "tpu.region"() ({
      %run_scoped3A = tpu.sem_alloc : memref<!tpu.dma_semaphore, #tpu.memory_space<semaphore_mem>>
      %dma_start3A_60 = tpu.memref_slice %arg3[%add3A_13] : memref<320000xi32, #tpu.memory_space<hbm>> -> memref<80xi32, #tpu.memory_space<hbm>>
      %dma_start3A_61 = tpu.memref_slice %arg3[%add3A_13] : memref<320000xi32, #tpu.memory_space<hbm>> -> memref<80xi32, #tpu.memory_space<hbm>>
      tpu.enqueue_dma source(%dma_start3A_61 : memref<80xi32, #tpu.memory_space<hbm>>) target(%arg8 : memref<80xi32, #tpu.memory_space<vmem>>) target_semaphore(%run_scoped3A : memref<!tpu.dma_semaphore, #tpu.memory_space<semaphore_mem>>)
      %dma_wait3A_62 = tpu.memref_slice %arg3[%add3A_13] : memref<320000xi32, #tpu.memory_space<hbm>> -> memref<80xi32, #tpu.memory_space<hbm>>
      %dma_wait3A_63 = tpu.memref_slice %arg3[%add3A_13] : memref<320000xi32, #tpu.memory_space<hbm>> -> memref<80xi32, #tpu.memory_space<hbm>>
      tpu.wait_dma2 semaphore(%run_scoped3A : memref<!tpu.dma_semaphore, #tpu.memory_space<semaphore_mem>>) src(%dma_wait3A_63 : memref<80xi32, #tpu.memory_space<hbm>>) dst(%arg8 : memref<80xi32, #tpu.memory_space<vmem>>)
      tpu.yield
    }) : () -> ()
    %add3A_14 = arith.constant 80 : i32
    %add3A_15 = arith.addi %add3A, %add3A_14 : i32
    "tpu.region"() ({
      %run_scoped3A = tpu.sem_alloc : memref<!tpu.dma_semaphore, #tpu.memory_space<semaphore_mem>>
      %dma_start3A_60 = tpu.memref_slice %arg4[%add3A_15] : memref<320000xi32, #tpu.memory_space<hbm>> -> memref<80xi32, #tpu.memory_space<hbm>>
      %dma_start3A_61 = tpu.memref_slice %arg4[%add3A_15] : memref<320000xi32, #tpu.memory_space<hbm>> -> memref<80xi32, #tpu.memory_space<hbm>>
      tpu.enqueue_dma source(%dma_start3A_61 : memref<80xi32, #tpu.memory_space<hbm>>) target(%arg10 : memref<80xi32, #tpu.memory_space<vmem>>) target_semaphore(%run_scoped3A : memref<!tpu.dma_semaphore, #tpu.memory_space<semaphore_mem>>)
      %dma_wait3A_62 = tpu.memref_slice %arg4[%add3A_15] : memref<320000xi32, #tpu.memory_space<hbm>> -> memref<80xi32, #tpu.memory_space<hbm>>
      %dma_wait3A_63 = tpu.memref_slice %arg4[%add3A_15] : memref<320000xi32, #tpu.memory_space<hbm>> -> memref<80xi32, #tpu.memory_space<hbm>>
      tpu.wait_dma2 semaphore(%run_scoped3A : memref<!tpu.dma_semaphore, #tpu.memory_space<semaphore_mem>>) src(%dma_wait3A_63 : memref<80xi32, #tpu.memory_space<hbm>>) dst(%arg10 : memref<80xi32, #tpu.memory_space<vmem>>)
      tpu.yield
    }) : () -> ()
    %barrier3A = arith.constant 0 : index
    tpu.barrier barrier_id(%barrier3A)
    %dma_start3A = arith.constant 0 : i32
    %dma_start3A_16 = arith.constant 0 : i32
    %dma_start3A_17 = tpu.memref_slice %arg2[%dma_start3A, %dma_start3A_16] : memref<10000x128xf32, #tpu.memory_space<hbm>> -> memref<10000x128xf32, #tpu.memory_space<hbm>>
    tpu.enqueue_indirect_dma source(%dma_start3A_17 : memref<10000x128xf32, #tpu.memory_space<hbm>>) target(%arg11 : memref<80x128xf32, #tpu.memory_space<vmem>>) offsets(%arg7 : memref<80xi32, #tpu.memory_space<vmem>>) semaphore(%arg14 : memref<!tpu.dma_semaphore, #tpu.memory_space<semaphore_mem>>)
    %dma_start3A_18 = arith.constant 0 : i32
    %dma_start3A_19 = arith.constant 0 : i32
    %dma_start3A_20 = tpu.memref_slice %arg2[%dma_start3A_18, %dma_start3A_19] : memref<10000x128xf32, #tpu.memory_space<hbm>> -> memref<10000x128xf32, #tpu.memory_space<hbm>>
    tpu.enqueue_indirect_dma source(%dma_start3A_20 : memref<10000x128xf32, #tpu.memory_space<hbm>>) target(%arg12 : memref<80x128xf32, #tpu.memory_space<vmem>>) offsets(%arg8 : memref<80xi32, #tpu.memory_space<vmem>>) semaphore(%arg15 : memref<!tpu.dma_semaphore, #tpu.memory_space<semaphore_mem>>)
    %jit3A_21 = arith.constant 2 : i32
    %div3A = arith.divsi %select_n3A, %jit3A_21 : i32
    %sign3A = arith.constant 0 : i32
    %sign3A_22 = arith.cmpi sgt, %select_n3A, %sign3A : i32
    %sign3A_23 = arith.extui %sign3A_22 : i1 to i32
    %sign3A_24 = arith.constant 0 : i32
    %sign3A_25 = arith.cmpi slt, %select_n3A, %sign3A_24 : i32
    %sign3A_26 = arith.extui %sign3A_25 : i1 to i32
    %sign3A_27 = arith.subi %sign3A_23, %sign3A_26 : i32
    %sign3A_28 = arith.constant 0 : i32
    %sign3A_29 = arith.cmpi sgt, %jit3A_21, %sign3A_28 : i32
    %sign3A_30 = arith.extui %sign3A_29 : i1 to i32
    %sign3A_31 = arith.constant 0 : i32
    %sign3A_32 = arith.cmpi slt, %jit3A_21, %sign3A_31 : i32
    %sign3A_33 = arith.extui %sign3A_32 : i1 to i32
    %sign3A_34 = arith.subi %sign3A_30, %sign3A_33 : i32
    %ne3A = arith.cmpi ne, %sign3A_27, %sign3A_34 : i32
    %rem3A = arith.remsi %select_n3A, %jit3A_21 : i32
    %ne3A_35 = arith.constant 0 : i32
    %ne3A_36 = arith.cmpi ne, %rem3A, %ne3A_35 : i32
    %and3A = arith.andi %ne3A, %ne3A_36 : i1
    %sub3A = arith.constant 1 : i32
    %sub3A_37 = arith.subi %div3A, %sub3A : i32
    %select_n3A_38 = arith.select %and3A, %sub3A_37, %div3A : i32
    %sub3A_39 = arith.constant 1 : i32
    %sub3A_40 = arith.subi %select_n3A_38, %sub3A_39 : i32
    %while3A = arith.constant 0 : i32
    %while3A_41 = arith.constant 0 : i32
    %while3A_42 = arith.subi %sub3A_40, %while3A_41 : i32
    %while3A_43 = arith.addi %while3A_41, %while3A_42 : i32
    %while3A_44 = arith.constant 1 : i32
    %while3A_45 = arith.divsi %while3A_42, %while3A_44 : i32
    %while3A_46 = arith.muli %while3A_45, %while3A_44 : i32
    %while3A_47 = arith.addi %while3A_41, %while3A_46 : i32
    %while3A_48 = arith.constant 1 : i32
    scf.for %while3A_60 = %while3A_41 to %while3A_47 step %while3A_48  : i32 {
      %mul3A_61 = arith.constant 2 : i32
      %mul3A_62 = arith.muli %mul3A_61, %while3A_60 : i32
      %add3A_63 = arith.constant 2 : i32
      %add3A_64 = arith.addi %mul3A_62, %add3A_63 : i32
      %mul3A_65 = arith.constant 80 : i32
      %mul3A_66 = arith.muli %add3A_64, %mul3A_65 : i32
      %add3A_67 = arith.addi %add3A, %mul3A_66 : i32
      %add3A_68 = arith.constant 3 : i32
      %add3A_69 = arith.addi %mul3A_62, %add3A_68 : i32
      %mul3A_70 = arith.constant 80 : i32
      %mul3A_71 = arith.muli %add3A_69, %mul3A_70 : i32
      %add3A_72 = arith.addi %add3A, %mul3A_71 : i32
      %dma_wait3A_73 = arith.constant 0 : i32
      %dma_wait3A_74 = arith.constant 0 : i32
      %dma_wait3A_75 = tpu.memref_slice %arg2[%dma_wait3A_73, %dma_wait3A_74] : memref<10000x128xf32, #tpu.memory_space<hbm>> -> memref<10000x128xf32, #tpu.memory_space<hbm>>
      tpu.wait_indirect_dma semaphore(%arg14 : memref<!tpu.dma_semaphore, #tpu.memory_space<semaphore_mem>>) src(%dma_wait3A_75 : memref<10000x128xf32, #tpu.memory_space<hbm>>) dst(%arg11 : memref<80x128xf32, #tpu.memory_space<vmem>>)
      "tpu.region"() ({
        %run_scoped3A = tpu.sem_alloc : memref<!tpu.dma_semaphore, #tpu.memory_space<semaphore_mem>>
        %dma_start3A_101 = arith.constant 0 : i32
        %dma_start3A_102 = arith.constant 0 : i32
        %dma_start3A_103 = tpu.memref_slice %arg13[%dma_start3A_101, %dma_start3A_102] : memref<10240x128xf32, #tpu.memory_space<vmem_shared>> -> memref<10240x128xf32, #tpu.memory_space<vmem_shared>>
        tpu.enqueue_indirect_dma source(%arg11 : memref<80x128xf32, #tpu.memory_space<vmem>>) target(%dma_start3A_103 : memref<10240x128xf32, #tpu.memory_space<vmem_shared>>) offsets(%arg9 : memref<80xi32, #tpu.memory_space<vmem>>) semaphore(%run_scoped3A : memref<!tpu.dma_semaphore, #tpu.memory_space<semaphore_mem>>) {add = true}
        %dma_wait3A_104 = arith.constant 0 : i32
        %dma_wait3A_105 = arith.constant 0 : i32
        %dma_wait3A_106 = tpu.memref_slice %arg13[%dma_wait3A_104, %dma_wait3A_105] : memref<10240x128xf32, #tpu.memory_space<vmem_shared>> -> memref<10240x128xf32, #tpu.memory_space<vmem_shared>>
        tpu.wait_indirect_dma semaphore(%run_scoped3A : memref<!tpu.dma_semaphore, #tpu.memory_space<semaphore_mem>>) src(%arg11 : memref<80x128xf32, #tpu.memory_space<vmem>>) dst(%dma_wait3A_106 : memref<10240x128xf32, #tpu.memory_space<vmem_shared>>)
        tpu.yield
      }) : () -> ()
      %dma_start3A_76 = tpu.memref_slice %arg3[%add3A_67] : memref<320000xi32, #tpu.memory_space<hbm>> -> memref<80xi32, #tpu.memory_space<hbm>>
      %dma_start3A_77 = tpu.memref_slice %arg3[%add3A_67] : memref<320000xi32, #tpu.memory_space<hbm>> -> memref<80xi32, #tpu.memory_space<hbm>>
      tpu.enqueue_dma source(%dma_start3A_77 : memref<80xi32, #tpu.memory_space<hbm>>) target(%arg7 : memref<80xi32, #tpu.memory_space<vmem>>) target_semaphore(%arg16 : memref<!tpu.dma_semaphore, #tpu.memory_space<semaphore_mem>>)
      %dma_start3A_78 = tpu.memref_slice %arg4[%add3A_67] : memref<320000xi32, #tpu.memory_space<hbm>> -> memref<80xi32, #tpu.memory_space<hbm>>
      %dma_start3A_79 = tpu.memref_slice %arg4[%add3A_67] : memref<320000xi32, #tpu.memory_space<hbm>> -> memref<80xi32, #tpu.memory_space<hbm>>
      tpu.enqueue_dma source(%dma_start3A_79 : memref<80xi32, #tpu.memory_space<hbm>>) target(%arg9 : memref<80xi32, #tpu.memory_space<vmem>>) target_semaphore(%arg16 : memref<!tpu.dma_semaphore, #tpu.memory_space<semaphore_mem>>)
      %dma_wait3A_80 = arith.constant 0 : i32
      %dma_wait3A_81 = arith.constant 0 : i32
      %dma_wait3A_82 = tpu.memref_slice %arg2[%dma_wait3A_80, %dma_wait3A_81] : memref<10000x128xf32, #tpu.memory_space<hbm>> -> memref<10000x128xf32, #tpu.memory_space<hbm>>
      tpu.wait_indirect_dma semaphore(%arg15 : memref<!tpu.dma_semaphore, #tpu.memory_space<semaphore_mem>>) src(%dma_wait3A_82 : memref<10000x128xf32, #tpu.memory_space<hbm>>) dst(%arg12 : memref<80x128xf32, #tpu.memory_space<vmem>>)
      "tpu.region"() ({
        %run_scoped3A = tpu.sem_alloc : memref<!tpu.dma_semaphore, #tpu.memory_space<semaphore_mem>>
        %dma_start3A_101 = arith.constant 0 : i32
        %dma_start3A_102 = arith.constant 0 : i32
        %dma_start3A_103 = tpu.memref_slice %arg13[%dma_start3A_101, %dma_start3A_102] : memref<10240x128xf32, #tpu.memory_space<vmem_shared>> -> memref<10240x128xf32, #tpu.memory_space<vmem_shared>>
        tpu.enqueue_indirect_dma source(%arg12 : memref<80x128xf32, #tpu.memory_space<vmem>>) target(%dma_start3A_103 : memref<10240x128xf32, #tpu.memory_space<vmem_shared>>) offsets(%arg10 : memref<80xi32, #tpu.memory_space<vmem>>) semaphore(%run_scoped3A : memref<!tpu.dma_semaphore, #tpu.memory_space<semaphore_mem>>) {add = true}
        %dma_wait3A_104 = arith.constant 0 : i32
        %dma_wait3A_105 = arith.constant 0 : i32
        %dma_wait3A_106 = tpu.memref_slice %arg13[%dma_wait3A_104, %dma_wait3A_105] : memref<10240x128xf32, #tpu.memory_space<vmem_shared>> -> memref<10240x128xf32, #tpu.memory_space<vmem_shared>>
        tpu.wait_indirect_dma semaphore(%run_scoped3A : memref<!tpu.dma_semaphore, #tpu.memory_space<semaphore_mem>>) src(%arg12 : memref<80x128xf32, #tpu.memory_space<vmem>>) dst(%dma_wait3A_106 : memref<10240x128xf32, #tpu.memory_space<vmem_shared>>)
        tpu.yield
      }) : () -> ()
      %dma_start3A_83 = tpu.memref_slice %arg3[%add3A_72] : memref<320000xi32, #tpu.memory_space<hbm>> -> memref<80xi32, #tpu.memory_space<hbm>>
      %dma_start3A_84 = tpu.memref_slice %arg3[%add3A_72] : memref<320000xi32, #tpu.memory_space<hbm>> -> memref<80xi32, #tpu.memory_space<hbm>>
      tpu.enqueue_dma source(%dma_start3A_84 : memref<80xi32, #tpu.memory_space<hbm>>) target(%arg8 : memref<80xi32, #tpu.memory_space<vmem>>) target_semaphore(%arg17 : memref<!tpu.dma_semaphore, #tpu.memory_space<semaphore_mem>>)
      %dma_start3A_85 = tpu.memref_slice %arg4[%add3A_72] : memref<320000xi32, #tpu.memory_space<hbm>> -> memref<80xi32, #tpu.memory_space<hbm>>
      %dma_start3A_86 = tpu.memref_slice %arg4[%add3A_72] : memref<320000xi32, #tpu.memory_space<hbm>> -> memref<80xi32, #tpu.memory_space<hbm>>
      tpu.enqueue_dma source(%dma_start3A_86 : memref<80xi32, #tpu.memory_space<hbm>>) target(%arg10 : memref<80xi32, #tpu.memory_space<vmem>>) target_semaphore(%arg17 : memref<!tpu.dma_semaphore, #tpu.memory_space<semaphore_mem>>)
      %dma_wait3A_87 = tpu.memref_slice %arg3[%add3A_67] : memref<320000xi32, #tpu.memory_space<hbm>> -> memref<80xi32, #tpu.memory_space<hbm>>
      %dma_wait3A_88 = tpu.memref_slice %arg3[%add3A_67] : memref<320000xi32, #tpu.memory_space<hbm>> -> memref<80xi32, #tpu.memory_space<hbm>>
      tpu.wait_dma2 semaphore(%arg16 : memref<!tpu.dma_semaphore, #tpu.memory_space<semaphore_mem>>) src(%dma_wait3A_88 : memref<80xi32, #tpu.memory_space<hbm>>) dst(%arg7 : memref<80xi32, #tpu.memory_space<vmem>>)
      %dma_wait3A_89 = tpu.memref_slice %arg4[%add3A_67] : memref<320000xi32, #tpu.memory_space<hbm>> -> memref<80xi32, #tpu.memory_space<hbm>>
      %dma_wait3A_90 = tpu.memref_slice %arg4[%add3A_67] : memref<320000xi32, #tpu.memory_space<hbm>> -> memref<80xi32, #tpu.memory_space<hbm>>
      tpu.wait_dma2 semaphore(%arg16 : memref<!tpu.dma_semaphore, #tpu.memory_space<semaphore_mem>>) src(%dma_wait3A_90 : memref<80xi32, #tpu.memory_space<hbm>>) dst(%arg9 : memref<80xi32, #tpu.memory_space<vmem>>)
      %dma_start3A_91 = arith.constant 0 : i32
      %dma_start3A_92 = arith.constant 0 : i32
      %dma_start3A_93 = tpu.memref_slice %arg2[%dma_start3A_91, %dma_start3A_92] : memref<10000x128xf32, #tpu.memory_space<hbm>> -> memref<10000x128xf32, #tpu.memory_space<hbm>>
      tpu.enqueue_indirect_dma source(%dma_start3A_93 : memref<10000x128xf32, #tpu.memory_space<hbm>>) target(%arg11 : memref<80x128xf32, #tpu.memory_space<vmem>>) offsets(%arg7 : memref<80xi32, #tpu.memory_space<vmem>>) semaphore(%arg14 : memref<!tpu.dma_semaphore, #tpu.memory_space<semaphore_mem>>)
      %dma_wait3A_94 = tpu.memref_slice %arg3[%add3A_72] : memref<320000xi32, #tpu.memory_space<hbm>> -> memref<80xi32, #tpu.memory_space<hbm>>
      %dma_wait3A_95 = tpu.memref_slice %arg3[%add3A_72] : memref<320000xi32, #tpu.memory_space<hbm>> -> memref<80xi32, #tpu.memory_space<hbm>>
      tpu.wait_dma2 semaphore(%arg17 : memref<!tpu.dma_semaphore, #tpu.memory_space<semaphore_mem>>) src(%dma_wait3A_95 : memref<80xi32, #tpu.memory_space<hbm>>) dst(%arg8 : memref<80xi32, #tpu.memory_space<vmem>>)
      %dma_wait3A_96 = tpu.memref_slice %arg4[%add3A_72] : memref<320000xi32, #tpu.memory_space<hbm>> -> memref<80xi32, #tpu.memory_space<hbm>>
      %dma_wait3A_97 = tpu.memref_slice %arg4[%add3A_72] : memref<320000xi32, #tpu.memory_space<hbm>> -> memref<80xi32, #tpu.memory_space<hbm>>
      tpu.wait_dma2 semaphore(%arg17 : memref<!tpu.dma_semaphore, #tpu.memory_space<semaphore_mem>>) src(%dma_wait3A_97 : memref<80xi32, #tpu.memory_space<hbm>>) dst(%arg10 : memref<80xi32, #tpu.memory_space<vmem>>)
      %dma_start3A_98 = arith.constant 0 : i32
      %dma_start3A_99 = arith.constant 0 : i32
      %dma_start3A_100 = tpu.memref_slice %arg2[%dma_start3A_98, %dma_start3A_99] : memref<10000x128xf32, #tpu.memory_space<hbm>> -> memref<10000x128xf32, #tpu.memory_space<hbm>>
      tpu.enqueue_indirect_dma source(%dma_start3A_100 : memref<10000x128xf32, #tpu.memory_space<hbm>>) target(%arg12 : memref<80x128xf32, #tpu.memory_space<vmem>>) offsets(%arg8 : memref<80xi32, #tpu.memory_space<vmem>>) semaphore(%arg15 : memref<!tpu.dma_semaphore, #tpu.memory_space<semaphore_mem>>)
    }
    %while3A_49 = arith.constant 1 : i32
    scf.for %while3A_60 = %while3A_47 to %while3A_43 step %while3A_49  : i32 {
      %mul3A_61 = arith.constant 2 : i32
      %mul3A_62 = arith.muli %mul3A_61, %while3A_60 : i32
      %add3A_63 = arith.constant 2 : i32
      %add3A_64 = arith.addi %mul3A_62, %add3A_63 : i32
      %mul3A_65 = arith.constant 80 : i32
      %mul3A_66 = arith.muli %add3A_64, %mul3A_65 : i32
      %add3A_67 = arith.addi %add3A, %mul3A_66 : i32
      %add3A_68 = arith.constant 3 : i32
      %add3A_69 = arith.addi %mul3A_62, %add3A_68 : i32
      %mul3A_70 = arith.constant 80 : i32
      %mul3A_71 = arith.muli %add3A_69, %mul3A_70 : i32
      %add3A_72 = arith.addi %add3A, %mul3A_71 : i32
      %dma_wait3A_73 = arith.constant 0 : i32
      %dma_wait3A_74 = arith.constant 0 : i32
      %dma_wait3A_75 = tpu.memref_slice %arg2[%dma_wait3A_73, %dma_wait3A_74] : memref<10000x128xf32, #tpu.memory_space<hbm>> -> memref<10000x128xf32, #tpu.memory_space<hbm>>
      tpu.wait_indirect_dma semaphore(%arg14 : memref<!tpu.dma_semaphore, #tpu.memory_space<semaphore_mem>>) src(%dma_wait3A_75 : memref<10000x128xf32, #tpu.memory_space<hbm>>) dst(%arg11 : memref<80x128xf32, #tpu.memory_space<vmem>>)
      "tpu.region"() ({
        %run_scoped3A = tpu.sem_alloc : memref<!tpu.dma_semaphore, #tpu.memory_space<semaphore_mem>>
        %dma_start3A_101 = arith.constant 0 : i32
        %dma_start3A_102 = arith.constant 0 : i32
        %dma_start3A_103 = tpu.memref_slice %arg13[%dma_start3A_101, %dma_start3A_102] : memref<10240x128xf32, #tpu.memory_space<vmem_shared>> -> memref<10240x128xf32, #tpu.memory_space<vmem_shared>>
        tpu.enqueue_indirect_dma source(%arg11 : memref<80x128xf32, #tpu.memory_space<vmem>>) target(%dma_start3A_103 : memref<10240x128xf32, #tpu.memory_space<vmem_shared>>) offsets(%arg9 : memref<80xi32, #tpu.memory_space<vmem>>) semaphore(%run_scoped3A : memref<!tpu.dma_semaphore, #tpu.memory_space<semaphore_mem>>) {add = true}
        %dma_wait3A_104 = arith.constant 0 : i32
        %dma_wait3A_105 = arith.constant 0 : i32
        %dma_wait3A_106 = tpu.memref_slice %arg13[%dma_wait3A_104, %dma_wait3A_105] : memref<10240x128xf32, #tpu.memory_space<vmem_shared>> -> memref<10240x128xf32, #tpu.memory_space<vmem_shared>>
        tpu.wait_indirect_dma semaphore(%run_scoped3A : memref<!tpu.dma_semaphore, #tpu.memory_space<semaphore_mem>>) src(%arg11 : memref<80x128xf32, #tpu.memory_space<vmem>>) dst(%dma_wait3A_106 : memref<10240x128xf32, #tpu.memory_space<vmem_shared>>)
        tpu.yield
      }) : () -> ()
      %dma_start3A_76 = tpu.memref_slice %arg3[%add3A_67] : memref<320000xi32, #tpu.memory_space<hbm>> -> memref<80xi32, #tpu.memory_space<hbm>>
      %dma_start3A_77 = tpu.memref_slice %arg3[%add3A_67] : memref<320000xi32, #tpu.memory_space<hbm>> -> memref<80xi32, #tpu.memory_space<hbm>>
      tpu.enqueue_dma source(%dma_start3A_77 : memref<80xi32, #tpu.memory_space<hbm>>) target(%arg7 : memref<80xi32, #tpu.memory_space<vmem>>) target_semaphore(%arg16 : memref<!tpu.dma_semaphore, #tpu.memory_space<semaphore_mem>>)
      %dma_start3A_78 = tpu.memref_slice %arg4[%add3A_67] : memref<320000xi32, #tpu.memory_space<hbm>> -> memref<80xi32, #tpu.memory_space<hbm>>
      %dma_start3A_79 = tpu.memref_slice %arg4[%add3A_67] : memref<320000xi32, #tpu.memory_space<hbm>> -> memref<80xi32, #tpu.memory_space<hbm>>
      tpu.enqueue_dma source(%dma_start3A_79 : memref<80xi32, #tpu.memory_space<hbm>>) target(%arg9 : memref<80xi32, #tpu.memory_space<vmem>>) target_semaphore(%arg16 : memref<!tpu.dma_semaphore, #tpu.memory_space<semaphore_mem>>)
      %dma_wait3A_80 = arith.constant 0 : i32
      %dma_wait3A_81 = arith.constant 0 : i32
      %dma_wait3A_82 = tpu.memref_slice %arg2[%dma_wait3A_80, %dma_wait3A_81] : memref<10000x128xf32, #tpu.memory_space<hbm>> -> memref<10000x128xf32, #tpu.memory_space<hbm>>
      tpu.wait_indirect_dma semaphore(%arg15 : memref<!tpu.dma_semaphore, #tpu.memory_space<semaphore_mem>>) src(%dma_wait3A_82 : memref<10000x128xf32, #tpu.memory_space<hbm>>) dst(%arg12 : memref<80x128xf32, #tpu.memory_space<vmem>>)
      "tpu.region"() ({
        %run_scoped3A = tpu.sem_alloc : memref<!tpu.dma_semaphore, #tpu.memory_space<semaphore_mem>>
        %dma_start3A_101 = arith.constant 0 : i32
        %dma_start3A_102 = arith.constant 0 : i32
        %dma_start3A_103 = tpu.memref_slice %arg13[%dma_start3A_101, %dma_start3A_102] : memref<10240x128xf32, #tpu.memory_space<vmem_shared>> -> memref<10240x128xf32, #tpu.memory_space<vmem_shared>>
        tpu.enqueue_indirect_dma source(%arg12 : memref<80x128xf32, #tpu.memory_space<vmem>>) target(%dma_start3A_103 : memref<10240x128xf32, #tpu.memory_space<vmem_shared>>) offsets(%arg10 : memref<80xi32, #tpu.memory_space<vmem>>) semaphore(%run_scoped3A : memref<!tpu.dma_semaphore, #tpu.memory_space<semaphore_mem>>) {add = true}
        %dma_wait3A_104 = arith.constant 0 : i32
        %dma_wait3A_105 = arith.constant 0 : i32
        %dma_wait3A_106 = tpu.memref_slice %arg13[%dma_wait3A_104, %dma_wait3A_105] : memref<10240x128xf32, #tpu.memory_space<vmem_shared>> -> memref<10240x128xf32, #tpu.memory_space<vmem_shared>>
        tpu.wait_indirect_dma semaphore(%run_scoped3A : memref<!tpu.dma_semaphore, #tpu.memory_space<semaphore_mem>>) src(%arg12 : memref<80x128xf32, #tpu.memory_space<vmem>>) dst(%dma_wait3A_106 : memref<10240x128xf32, #tpu.memory_space<vmem_shared>>)
        tpu.yield
      }) : () -> ()
      %dma_start3A_83 = tpu.memref_slice %arg3[%add3A_72] : memref<320000xi32, #tpu.memory_space<hbm>> -> memref<80xi32, #tpu.memory_space<hbm>>
      %dma_start3A_84 = tpu.memref_slice %arg3[%add3A_72] : memref<320000xi32, #tpu.memory_space<hbm>> -> memref<80xi32, #tpu.memory_space<hbm>>
      tpu.enqueue_dma source(%dma_start3A_84 : memref<80xi32, #tpu.memory_space<hbm>>) target(%arg8 : memref<80xi32, #tpu.memory_space<vmem>>) target_semaphore(%arg17 : memref<!tpu.dma_semaphore, #tpu.memory_space<semaphore_mem>>)
      %dma_start3A_85 = tpu.memref_slice %arg4[%add3A_72] : memref<320000xi32, #tpu.memory_space<hbm>> -> memref<80xi32, #tpu.memory_space<hbm>>
      %dma_start3A_86 = tpu.memref_slice %arg4[%add3A_72] : memref<320000xi32, #tpu.memory_space<hbm>> -> memref<80xi32, #tpu.memory_space<hbm>>
      tpu.enqueue_dma source(%dma_start3A_86 : memref<80xi32, #tpu.memory_space<hbm>>) target(%arg10 : memref<80xi32, #tpu.memory_space<vmem>>) target_semaphore(%arg17 : memref<!tpu.dma_semaphore, #tpu.memory_space<semaphore_mem>>)
      %dma_wait3A_87 = tpu.memref_slice %arg3[%add3A_67] : memref<320000xi32, #tpu.memory_space<hbm>> -> memref<80xi32, #tpu.memory_space<hbm>>
      %dma_wait3A_88 = tpu.memref_slice %arg3[%add3A_67] : memref<320000xi32, #tpu.memory_space<hbm>> -> memref<80xi32, #tpu.memory_space<hbm>>
      tpu.wait_dma2 semaphore(%arg16 : memref<!tpu.dma_semaphore, #tpu.memory_space<semaphore_mem>>) src(%dma_wait3A_88 : memref<80xi32, #tpu.memory_space<hbm>>) dst(%arg7 : memref<80xi32, #tpu.memory_space<vmem>>)
      %dma_wait3A_89 = tpu.memref_slice %arg4[%add3A_67] : memref<320000xi32, #tpu.memory_space<hbm>> -> memref<80xi32, #tpu.memory_space<hbm>>
      %dma_wait3A_90 = tpu.memref_slice %arg4[%add3A_67] : memref<320000xi32, #tpu.memory_space<hbm>> -> memref<80xi32, #tpu.memory_space<hbm>>
      tpu.wait_dma2 semaphore(%arg16 : memref<!tpu.dma_semaphore, #tpu.memory_space<semaphore_mem>>) src(%dma_wait3A_90 : memref<80xi32, #tpu.memory_space<hbm>>) dst(%arg9 : memref<80xi32, #tpu.memory_space<vmem>>)
      %dma_start3A_91 = arith.constant 0 : i32
      %dma_start3A_92 = arith.constant 0 : i32
      %dma_start3A_93 = tpu.memref_slice %arg2[%dma_start3A_91, %dma_start3A_92] : memref<10000x128xf32, #tpu.memory_space<hbm>> -> memref<10000x128xf32, #tpu.memory_space<hbm>>
      tpu.enqueue_indirect_dma source(%dma_start3A_93 : memref<10000x128xf32, #tpu.memory_space<hbm>>) target(%arg11 : memref<80x128xf32, #tpu.memory_space<vmem>>) offsets(%arg7 : memref<80xi32, #tpu.memory_space<vmem>>) semaphore(%arg14 : memref<!tpu.dma_semaphore, #tpu.memory_space<semaphore_mem>>)
      %dma_wait3A_94 = tpu.memref_slice %arg3[%add3A_72] : memref<320000xi32, #tpu.memory_space<hbm>> -> memref<80xi32, #tpu.memory_space<hbm>>
      %dma_wait3A_95 = tpu.memref_slice %arg3[%add3A_72] : memref<320000xi32, #tpu.memory_space<hbm>> -> memref<80xi32, #tpu.memory_space<hbm>>
      tpu.wait_dma2 semaphore(%arg17 : memref<!tpu.dma_semaphore, #tpu.memory_space<semaphore_mem>>) src(%dma_wait3A_95 : memref<80xi32, #tpu.memory_space<hbm>>) dst(%arg8 : memref<80xi32, #tpu.memory_space<vmem>>)
      %dma_wait3A_96 = tpu.memref_slice %arg4[%add3A_72] : memref<320000xi32, #tpu.memory_space<hbm>> -> memref<80xi32, #tpu.memory_space<hbm>>
      %dma_wait3A_97 = tpu.memref_slice %arg4[%add3A_72] : memref<320000xi32, #tpu.memory_space<hbm>> -> memref<80xi32, #tpu.memory_space<hbm>>
      tpu.wait_dma2 semaphore(%arg17 : memref<!tpu.dma_semaphore, #tpu.memory_space<semaphore_mem>>) src(%dma_wait3A_97 : memref<80xi32, #tpu.memory_space<hbm>>) dst(%arg10 : memref<80xi32, #tpu.memory_space<vmem>>)
      %dma_start3A_98 = arith.constant 0 : i32
      %dma_start3A_99 = arith.constant 0 : i32
      %dma_start3A_100 = tpu.memref_slice %arg2[%dma_start3A_98, %dma_start3A_99] : memref<10000x128xf32, #tpu.memory_space<hbm>> -> memref<10000x128xf32, #tpu.memory_space<hbm>>
      tpu.enqueue_indirect_dma source(%dma_start3A_100 : memref<10000x128xf32, #tpu.memory_space<hbm>>) target(%arg12 : memref<80x128xf32, #tpu.memory_space<vmem>>) offsets(%arg8 : memref<80xi32, #tpu.memory_space<vmem>>) semaphore(%arg15 : memref<!tpu.dma_semaphore, #tpu.memory_space<semaphore_mem>>)
    }
    %dma_wait3A = arith.constant 0 : i32
    %dma_wait3A_50 = arith.constant 0 : i32
    %dma_wait3A_51 = tpu.memref_slice %arg2[%dma_wait3A, %dma_wait3A_50] : memref<10000x128xf32, #tpu.memory_space<hbm>> -> memref<10000x128xf32, #tpu.memory_space<hbm>>
    tpu.wait_indirect_dma semaphore(%arg14 : memref<!tpu.dma_semaphore, #tpu.memory_space<semaphore_mem>>) src(%dma_wait3A_51 : memref<10000x128xf32, #tpu.memory_space<hbm>>) dst(%arg11 : memref<80x128xf32, #tpu.memory_space<vmem>>)
    "tpu.region"() ({
      %run_scoped3A = tpu.sem_alloc : memref<!tpu.dma_semaphore, #tpu.memory_space<semaphore_mem>>
      %dma_start3A_60 = arith.constant 0 : i32
      %dma_start3A_61 = arith.constant 0 : i32
      %dma_start3A_62 = tpu.memref_slice %arg13[%dma_start3A_60, %dma_start3A_61] : memref<10240x128xf32, #tpu.memory_space<vmem_shared>> -> memref<10240x128xf32, #tpu.memory_space<vmem_shared>>
      tpu.enqueue_indirect_dma source(%arg11 : memref<80x128xf32, #tpu.memory_space<vmem>>) target(%dma_start3A_62 : memref<10240x128xf32, #tpu.memory_space<vmem_shared>>) offsets(%arg9 : memref<80xi32, #tpu.memory_space<vmem>>) semaphore(%run_scoped3A : memref<!tpu.dma_semaphore, #tpu.memory_space<semaphore_mem>>) {add = true}
      %dma_wait3A_63 = arith.constant 0 : i32
      %dma_wait3A_64 = arith.constant 0 : i32
      %dma_wait3A_65 = tpu.memref_slice %arg13[%dma_wait3A_63, %dma_wait3A_64] : memref<10240x128xf32, #tpu.memory_space<vmem_shared>> -> memref<10240x128xf32, #tpu.memory_space<vmem_shared>>
      tpu.wait_indirect_dma semaphore(%run_scoped3A : memref<!tpu.dma_semaphore, #tpu.memory_space<semaphore_mem>>) src(%arg11 : memref<80x128xf32, #tpu.memory_space<vmem>>) dst(%dma_wait3A_65 : memref<10240x128xf32, #tpu.memory_space<vmem_shared>>)
      tpu.yield
    }) : () -> ()
    %dma_wait3A_52 = arith.constant 0 : i32
    %dma_wait3A_53 = arith.constant 0 : i32
    %dma_wait3A_54 = tpu.memref_slice %arg2[%dma_wait3A_52, %dma_wait3A_53] : memref<10000x128xf32, #tpu.memory_space<hbm>> -> memref<10000x128xf32, #tpu.memory_space<hbm>>
    tpu.wait_indirect_dma semaphore(%arg15 : memref<!tpu.dma_semaphore, #tpu.memory_space<semaphore_mem>>) src(%dma_wait3A_54 : memref<10000x128xf32, #tpu.memory_space<hbm>>) dst(%arg12 : memref<80x128xf32, #tpu.memory_space<vmem>>)
    "tpu.region"() ({
      %run_scoped3A = tpu.sem_alloc : memref<!tpu.dma_semaphore, #tpu.memory_space<semaphore_mem>>
      %dma_start3A_60 = arith.constant 0 : i32
      %dma_start3A_61 = arith.constant 0 : i32
      %dma_start3A_62 = tpu.memref_slice %arg13[%dma_start3A_60, %dma_start3A_61] : memref<10240x128xf32, #tpu.memory_space<vmem_shared>> -> memref<10240x128xf32, #tpu.memory_space<vmem_shared>>
      tpu.enqueue_indirect_dma source(%arg12 : memref<80x128xf32, #tpu.memory_space<vmem>>) target(%dma_start3A_62 : memref<10240x128xf32, #tpu.memory_space<vmem_shared>>) offsets(%arg10 : memref<80xi32, #tpu.memory_space<vmem>>) semaphore(%run_scoped3A : memref<!tpu.dma_semaphore, #tpu.memory_space<semaphore_mem>>) {add = true}
      %dma_wait3A_63 = arith.constant 0 : i32
      %dma_wait3A_64 = arith.constant 0 : i32
      %dma_wait3A_65 = tpu.memref_slice %arg13[%dma_wait3A_63, %dma_wait3A_64] : memref<10240x128xf32, #tpu.memory_space<vmem_shared>> -> memref<10240x128xf32, #tpu.memory_space<vmem_shared>>
      tpu.wait_indirect_dma semaphore(%run_scoped3A : memref<!tpu.dma_semaphore, #tpu.memory_space<semaphore_mem>>) src(%arg12 : memref<80x128xf32, #tpu.memory_space<vmem>>) dst(%dma_wait3A_65 : memref<10240x128xf32, #tpu.memory_space<vmem_shared>>)
      tpu.yield
    }) : () -> ()
    %barrier3A_55 = arith.constant 0 : index
    tpu.barrier barrier_id(%barrier3A_55)
    %mul3A_56 = arith.constant 640 : i32
    %mul3A_57 = arith.muli %arg1, %mul3A_56 : i32
    %mul3A_58 = arith.constant 640 : i32
    %mul3A_59 = arith.muli %arg1, %mul3A_58 : i32
    "tpu.region"() ({
      %run_scoped3A = tpu.sem_alloc : memref<!tpu.dma_semaphore, #tpu.memory_space<semaphore_mem>>
      %dma_start3A_60 = arith.constant 0 : i32
      %dma_start3A_61 = tpu.memref_slice %arg6[%arg0, %mul3A_59, %dma_start3A_60] : memref<2x10240x128xf32, #tpu.memory_space<hbm>> -> memref<1x640x128xf32, #tpu.memory_space<hbm>>
      %dma_start3A_62 = tpu.memref_squeeze %dma_start3A_61 : memref<1x640x128xf32, #tpu.memory_space<hbm>> -> memref<640x128xf32, #tpu.memory_space<hbm>>
      %dma_start3A_63 = arith.constant 0 : i32
      %dma_start3A_64 = tpu.memref_slice %arg13[%mul3A_57, %dma_start3A_63] : memref<10240x128xf32, #tpu.memory_space<vmem_shared>> -> memref<640x128xf32, #tpu.memory_space<vmem_shared>>
      tpu.enqueue_dma source(%dma_start3A_64 : memref<640x128xf32, #tpu.memory_space<vmem_shared>>) target(%dma_start3A_62 : memref<640x128xf32, #tpu.memory_space<hbm>>) target_semaphore(%run_scoped3A : memref<!tpu.dma_semaphore, #tpu.memory_space<semaphore_mem>>)
      %dma_wait3A_65 = arith.constant 0 : i32
      %dma_wait3A_66 = tpu.memref_slice %arg6[%arg0, %mul3A_59, %dma_wait3A_65] : memref<2x10240x128xf32, #tpu.memory_space<hbm>> -> memref<1x640x128xf32, #tpu.memory_space<hbm>>
      %dma_wait3A_67 = tpu.memref_squeeze %dma_wait3A_66 : memref<1x640x128xf32, #tpu.memory_space<hbm>> -> memref<640x128xf32, #tpu.memory_space<hbm>>
      %dma_wait3A_68 = arith.constant 0 : i32
      %dma_wait3A_69 = tpu.memref_slice %arg13[%mul3A_57, %dma_wait3A_68] : memref<10240x128xf32, #tpu.memory_space<vmem_shared>> -> memref<640x128xf32, #tpu.memory_space<vmem_shared>>
      tpu.wait_dma2 semaphore(%run_scoped3A : memref<!tpu.dma_semaphore, #tpu.memory_space<semaphore_mem>>) src(%dma_wait3A_69 : memref<640x128xf32, #tpu.memory_space<vmem_shared>>) dst(%dma_wait3A_67 : memref<640x128xf32, #tpu.memory_space<hbm>>)
      tpu.yield
    }) : () -> ()
    return
  }
}

module attributes {stable_mosaic.version = 14 : i64} {
  func.func @_proj_body(%arg0: i32, %arg1: memref<1000x128xf32, #tpu.memory_space<vmem>>, %arg2: memref<128x128xf32, #tpu.memory_space<vmem>>, %arg3: memref<1x128xf32, #tpu.memory_space<vmem>>, %arg4: memref<128x128xf32, #tpu.memory_space<vmem>>, %arg5: memref<1x128xf32, #tpu.memory_space<vmem>>, %arg6: memref<128x128xf32, #tpu.memory_space<vmem>>, %arg7: memref<1000x128xf32, #tpu.memory_space<vmem>>, %arg8: memref<1000x128xf32, #tpu.memory_space<vmem>>, %arg9: memref<1000x128xf32, #tpu.memory_space<vmem>>) attributes {dimension_semantics = [#tpu.dimension_semantics<arbitrary>], iteration_bounds = array<i64: 10>, scalar_prefetch = 0 : i64, scratch_operands = 0 : i64, tpu.core_type = #tpu.core_type<tc>, window_params = [{transform_indices = @transform_0, window_bounds = array<i64: 1000, 128>}, {pipeline_mode = #tpu.pipeline_mode<synchronous>, transform_indices = @transform_1, window_bounds = array<i64: 128, 128>}, {pipeline_mode = #tpu.pipeline_mode<synchronous>, transform_indices = @transform_2, window_bounds = array<i64: 1, 128>}, {pipeline_mode = #tpu.pipeline_mode<synchronous>, transform_indices = @transform_3, window_bounds = array<i64: 128, 128>}, {pipeline_mode = #tpu.pipeline_mode<synchronous>, transform_indices = @transform_4, window_bounds = array<i64: 1, 128>}, {pipeline_mode = #tpu.pipeline_mode<synchronous>, transform_indices = @transform_5, window_bounds = array<i64: 128, 128>}, {transform_indices = @transform_6, window_bounds = array<i64: 1000, 128>}, {transform_indices = @transform_7, window_bounds = array<i64: 1000, 128>}, {transform_indices = @transform_8, window_bounds = array<i64: 1000, 128>}]} {
    %get3A = arith.constant 0 : index
    %get3A_0 = arith.constant 0 : index
    %get3A_1 = vector.load %arg1[%get3A, %get3A_0] : memref<1000x128xf32, #tpu.memory_space<vmem>>, vector<1000x128xf32>
    %get3A_2 = arith.constant 0 : index
    %get3A_3 = arith.constant 0 : index
    %get3A_4 = vector.load %arg2[%get3A_2, %get3A_3] : memref<128x128xf32, #tpu.memory_space<vmem>>, vector<128x128xf32>
    %dot_general3A = arith.constant dense<0.000000e+00> : vector<1000x128xf32>
    %dot_general3A_5 = tpu.matmul %get3A_1, %get3A_4, %dot_general3A {dimension_numbers = #tpu.dot_dimension_numbers<[1], [0], [0], [1], [0, 0, 1, 1], [], []>, transpose_lhs_hint = false} : vector<1000x128xf32>, vector<128x128xf32>, vector<1000x128xf32> -> vector<1000x128xf32>
    %get3A_6 = arith.constant 0 : index
    %get3A_7 = arith.constant 0 : index
    %get3A_8 = vector.load %arg3[%get3A_6, %get3A_7] : memref<1x128xf32, #tpu.memory_space<vmem>>, vector<1x128xf32>
    %add3A = vector.broadcast %get3A_8 : vector<1x128xf32> to vector<1000x128xf32>
    %add3A_9 = arith.addf %dot_general3A_5, %add3A : vector<1000x128xf32>
    %max3A = arith.constant 0.000000e+00 : f32
    %max3A_10 = vector.broadcast %max3A : f32 to vector<1000x128xf32>
    %max3A_11 = arith.maximumf %add3A_9, %max3A_10 : vector<1000x128xf32>
    %swap3A = arith.constant 0 : index
    %swap3A_12 = arith.constant 0 : index
    %swap3A_13 = vector.load %arg7[%swap3A, %swap3A_12] : memref<1000x128xf32, #tpu.memory_space<vmem>>, vector<1000x128xf32>
    tpu.vector_store %arg7[%swap3A, %swap3A_12], %add3A_9 {strides = array<i32>} : memref<1000x128xf32, #tpu.memory_space<vmem>>, vector<1000x128xf32>,
    %get3A_14 = arith.constant 0 : index
    %get3A_15 = arith.constant 0 : index
    %get3A_16 = vector.load %arg4[%get3A_14, %get3A_15] : memref<128x128xf32, #tpu.memory_space<vmem>>, vector<128x128xf32>
    %dot_general3A_17 = arith.constant dense<0.000000e+00> : vector<1000x128xf32>
    %dot_general3A_18 = tpu.matmul %max3A_11, %get3A_16, %dot_general3A_17 {dimension_numbers = #tpu.dot_dimension_numbers<[1], [0], [0], [1], [0, 0, 1, 1], [], []>, transpose_lhs_hint = false} : vector<1000x128xf32>, vector<128x128xf32>, vector<1000x128xf32> -> vector<1000x128xf32>
    %swap3A_19 = arith.constant 0 : index
    %swap3A_20 = arith.constant 0 : index
    %swap3A_21 = vector.load %arg8[%swap3A_19, %swap3A_20] : memref<1000x128xf32, #tpu.memory_space<vmem>>, vector<1000x128xf32>
    tpu.vector_store %arg8[%swap3A_19, %swap3A_20], %dot_general3A_18 {strides = array<i32>} : memref<1000x128xf32, #tpu.memory_space<vmem>>, vector<1000x128xf32>,
    %get3A_22 = arith.constant 0 : index
    %get3A_23 = arith.constant 0 : index
    %get3A_24 = vector.load %arg6[%get3A_22, %get3A_23] : memref<128x128xf32, #tpu.memory_space<vmem>>, vector<128x128xf32>
    %dot_general3A_25 = arith.constant dense<0.000000e+00> : vector<1000x128xf32>
    %dot_general3A_26 = tpu.matmul %max3A_11, %get3A_24, %dot_general3A_25 {dimension_numbers = #tpu.dot_dimension_numbers<[1], [0], [0], [1], [0, 0, 1, 1], [], []>, transpose_lhs_hint = false} : vector<1000x128xf32>, vector<128x128xf32>, vector<1000x128xf32> -> vector<1000x128xf32>
    %get3A_27 = arith.constant 0 : index
    %get3A_28 = arith.constant 0 : index
    %get3A_29 = vector.load %arg5[%get3A_27, %get3A_28] : memref<1x128xf32, #tpu.memory_space<vmem>>, vector<1x128xf32>
    %add3A_30 = vector.broadcast %get3A_29 : vector<1x128xf32> to vector<1000x128xf32>
    %add3A_31 = arith.addf %dot_general3A_26, %add3A_30 : vector<1000x128xf32>
    %swap3A_32 = arith.constant 0 : index
    %swap3A_33 = arith.constant 0 : index
    %swap3A_34 = vector.load %arg9[%swap3A_32, %swap3A_33] : memref<1000x128xf32, #tpu.memory_space<vmem>>, vector<1000x128xf32>
    tpu.vector_store %arg9[%swap3A_32, %swap3A_33], %add3A_31 {strides = array<i32>} : memref<1000x128xf32, #tpu.memory_space<vmem>>, vector<1000x128xf32>,
    return
  }
  func.func @transform_0(%arg0: i32) -> (i32, i32) {
    %c0_i32 = arith.constant 0 : i32
    %c0_i32_0 = arith.constant 0 : i32
    return %arg0, %c0_i32 : i32, i32
  }
  func.func @transform_1(%arg0: i32) -> (i32, i32) {
    %c0_i32 = arith.constant 0 : i32
    %c0_i32_0 = arith.constant 0 : i32
    %c0_i32_1 = arith.constant 0 : i32
    return %c0_i32, %c0_i32_0 : i32, i32
  }
  func.func @transform_2(%arg0: i32) -> (i32, i32) {
    %c0_i32 = arith.constant 0 : i32
    %c0_i32_0 = arith.constant 0 : i32
    %c0_i32_1 = arith.constant 0 : i32
    return %c0_i32, %c0_i32_0 : i32, i32
  }
  func.func @transform_3(%arg0: i32) -> (i32, i32) {
    %c0_i32 = arith.constant 0 : i32
    %c0_i32_0 = arith.constant 0 : i32
    %c0_i32_1 = arith.constant 0 : i32
    return %c0_i32, %c0_i32_0 : i32, i32
  }
  func.func @transform_4(%arg0: i32) -> (i32, i32) {
    %c0_i32 = arith.constant 0 : i32
    %c0_i32_0 = arith.constant 0 : i32
    %c0_i32_1 = arith.constant 0 : i32
    return %c0_i32, %c0_i32_0 : i32, i32
  }
  func.func @transform_5(%arg0: i32) -> (i32, i32) {
    %c0_i32 = arith.constant 0 : i32
    %c0_i32_0 = arith.constant 0 : i32
    %c0_i32_1 = arith.constant 0 : i32
    return %c0_i32, %c0_i32_0 : i32, i32
  }
  func.func @transform_6(%arg0: i32) -> (i32, i32) {
    %c0_i32 = arith.constant 0 : i32
    %c0_i32_0 = arith.constant 0 : i32
    return %arg0, %c0_i32 : i32, i32
  }
  func.func @transform_7(%arg0: i32) -> (i32, i32) {
    %c0_i32 = arith.constant 0 : i32
    %c0_i32_0 = arith.constant 0 : i32
    return %arg0, %c0_i32 : i32, i32
  }
  func.func @transform_8(%arg0: i32) -> (i32, i32) {
    %c0_i32 = arith.constant 0 : i32
    %c0_i32_0 = arith.constant 0 : i32
    return %arg0, %c0_i32 : i32, i32
  }
}

module attributes {stable_mosaic.version = 14 : i64} {
  func.func @_combine_body(%arg0: i32, %arg1: memref<2x1000x128xf32, #tpu.memory_space<vmem>>, %arg2: memref<2x1000x128xf32, #tpu.memory_space<vmem>>, %arg3: memref<1000x128xf32, #tpu.memory_space<vmem>>, %arg4: memref<1000x128xf32, #tpu.memory_space<vmem>>, %arg5: memref<128x128xf32, #tpu.memory_space<vmem>>, %arg6: memref<1x128xf32, #tpu.memory_space<vmem>>, %arg7: memref<128x128xf32, #tpu.memory_space<vmem>>, %arg8: memref<1000x128xf32, #tpu.memory_space<vmem>>, %arg9: memref<1000x128xf32, #tpu.memory_space<vmem>>) attributes {dimension_semantics = [#tpu.dimension_semantics<arbitrary>], iteration_bounds = array<i64: 10>, scalar_prefetch = 0 : i64, scratch_operands = 0 : i64, tpu.core_type = #tpu.core_type<tc>, window_params = [{transform_indices = @transform_0, window_bounds = array<i64: 2, 1000, 128>}, {transform_indices = @transform_1, window_bounds = array<i64: 2, 1000, 128>}, {transform_indices = @transform_2, window_bounds = array<i64: 1000, 128>}, {transform_indices = @transform_3, window_bounds = array<i64: 1000, 128>}, {pipeline_mode = #tpu.pipeline_mode<synchronous>, transform_indices = @transform_4, window_bounds = array<i64: 128, 128>}, {pipeline_mode = #tpu.pipeline_mode<synchronous>, transform_indices = @transform_5, window_bounds = array<i64: 1, 128>}, {pipeline_mode = #tpu.pipeline_mode<synchronous>, transform_indices = @transform_6, window_bounds = array<i64: 128, 128>}, {transform_indices = @transform_7, window_bounds = array<i64: 1000, 128>}, {transform_indices = @transform_8, window_bounds = array<i64: 1000, 128>}]} {
    %get3A = arith.constant 0 : index
    %get3A_0 = arith.constant 0 : index
    %get3A_1 = arith.constant 0 : index
    %get3A_2 = vector.load %arg1[%get3A, %get3A_0, %get3A_1] : memref<2x1000x128xf32, #tpu.memory_space<vmem>>, vector<1x1000x128xf32>
    %get3A_3 = vector.shape_cast %get3A_2 : vector<1x1000x128xf32> to vector<1000x128xf32>
    %get3A_4 = arith.constant 1 : index
    %get3A_5 = arith.constant 0 : index
    %get3A_6 = arith.constant 0 : index
    %get3A_7 = vector.load %arg1[%get3A_4, %get3A_5, %get3A_6] : memref<2x1000x128xf32, #tpu.memory_space<vmem>>, vector<1x1000x128xf32>
    %get3A_8 = vector.shape_cast %get3A_7 : vector<1x1000x128xf32> to vector<1000x128xf32>
    %add3A = arith.addf %get3A_3, %get3A_8 : vector<1000x128xf32>
    %get3A_9 = arith.constant 0 : index
    %get3A_10 = arith.constant 0 : index
    %get3A_11 = arith.constant 0 : index
    %get3A_12 = vector.load %arg2[%get3A_9, %get3A_10, %get3A_11] : memref<2x1000x128xf32, #tpu.memory_space<vmem>>, vector<1x1000x1xf32>
    %get3A_13 = vector.shape_cast %get3A_12 : vector<1x1000x1xf32> to vector<1000x1xf32>
    %get3A_14 = arith.constant 1 : index
    %get3A_15 = arith.constant 0 : index
    %get3A_16 = arith.constant 0 : index
    %get3A_17 = vector.load %arg2[%get3A_14, %get3A_15, %get3A_16] : memref<2x1000x128xf32, #tpu.memory_space<vmem>>, vector<1x1000x1xf32>
    %get3A_18 = vector.shape_cast %get3A_17 : vector<1x1000x1xf32> to vector<1000x1xf32>
    %add3A_19 = arith.addf %get3A_13, %get3A_18 : vector<1000x1xf32>
    %max3A = arith.constant 1.000000e+00 : f32
    %max3A_20 = vector.broadcast %max3A : f32 to vector<1000x1xf32>
    %max3A_21 = arith.maximumf %add3A_19, %max3A_20 : vector<1000x1xf32>
    %div3A = arith.constant 1.000000e+00 : f32
    %div3A_22 = vector.broadcast %div3A : f32 to vector<1000x1xf32>
    %div3A_23 = arith.divf %div3A_22, %max3A_21 : vector<1000x1xf32>
    %mul3A = vector.broadcast %div3A_23 : vector<1000x1xf32> to vector<1000x128xf32>
    %mul3A_24 = arith.mulf %add3A, %mul3A : vector<1000x128xf32>
    %get3A_25 = arith.constant 0 : index
    %get3A_26 = arith.constant 0 : index
    %get3A_27 = vector.load %arg3[%get3A_25, %get3A_26] : memref<1000x128xf32, #tpu.memory_space<vmem>>, vector<1000x128xf32>
    %add3A_28 = arith.addf %mul3A_24, %get3A_27 : vector<1000x128xf32>
    %max3A_29 = arith.constant 0.000000e+00 : f32
    %max3A_30 = vector.broadcast %max3A_29 : f32 to vector<1000x128xf32>
    %max3A_31 = arith.maximumf %add3A_28, %max3A_30 : vector<1000x128xf32>
    %get3A_32 = arith.constant 0 : index
    %get3A_33 = arith.constant 0 : index
    %get3A_34 = vector.load %arg4[%get3A_32, %get3A_33] : memref<1000x128xf32, #tpu.memory_space<vmem>>, vector<1000x128xf32>
    %mul3A_35 = arith.constant 2.000000e-01 : f32
    %mul3A_36 = vector.broadcast %mul3A_35 : f32 to vector<1000x128xf32>
    %mul3A_37 = arith.mulf %mul3A_36, %get3A_34 : vector<1000x128xf32>
    %add3A_38 = arith.addf %max3A_31, %mul3A_37 : vector<1000x128xf32>
    %get3A_39 = arith.constant 0 : index
    %get3A_40 = arith.constant 0 : index
    %get3A_41 = vector.load %arg5[%get3A_39, %get3A_40] : memref<128x128xf32, #tpu.memory_space<vmem>>, vector<128x128xf32>
    %dot_general3A = arith.constant dense<0.000000e+00> : vector<1000x128xf32>
    %dot_general3A_42 = tpu.matmul %add3A_38, %get3A_41, %dot_general3A {dimension_numbers = #tpu.dot_dimension_numbers<[1], [0], [0], [1], [0, 0, 1, 1], [], []>, transpose_lhs_hint = false} : vector<1000x128xf32>, vector<128x128xf32>, vector<1000x128xf32> -> vector<1000x128xf32>
    %swap3A = arith.constant 0 : index
    %swap3A_43 = arith.constant 0 : index
    %swap3A_44 = vector.load %arg8[%swap3A, %swap3A_43] : memref<1000x128xf32, #tpu.memory_space<vmem>>, vector<1000x128xf32>
    tpu.vector_store %arg8[%swap3A, %swap3A_43], %dot_general3A_42 {strides = array<i32>} : memref<1000x128xf32, #tpu.memory_space<vmem>>, vector<1000x128xf32>,
    %get3A_45 = arith.constant 0 : index
    %get3A_46 = arith.constant 0 : index
    %get3A_47 = vector.load %arg7[%get3A_45, %get3A_46] : memref<128x128xf32, #tpu.memory_space<vmem>>, vector<128x128xf32>
    %dot_general3A_48 = arith.constant dense<0.000000e+00> : vector<1000x128xf32>
    %dot_general3A_49 = tpu.matmul %add3A_38, %get3A_47, %dot_general3A_48 {dimension_numbers = #tpu.dot_dimension_numbers<[1], [0], [0], [1], [0, 0, 1, 1], [], []>, transpose_lhs_hint = false} : vector<1000x128xf32>, vector<128x128xf32>, vector<1000x128xf32> -> vector<1000x128xf32>
    %get3A_50 = arith.constant 0 : index
    %get3A_51 = arith.constant 0 : index
    %get3A_52 = vector.load %arg6[%get3A_50, %get3A_51] : memref<1x128xf32, #tpu.memory_space<vmem>>, vector<1x128xf32>
    %add3A_53 = vector.broadcast %get3A_52 : vector<1x128xf32> to vector<1000x128xf32>
    %add3A_54 = arith.addf %dot_general3A_49, %add3A_53 : vector<1000x128xf32>
    %swap3A_55 = arith.constant 0 : index
    %swap3A_56 = arith.constant 0 : index
    %swap3A_57 = vector.load %arg9[%swap3A_55, %swap3A_56] : memref<1000x128xf32, #tpu.memory_space<vmem>>, vector<1000x128xf32>
    tpu.vector_store %arg9[%swap3A_55, %swap3A_56], %add3A_54 {strides = array<i32>} : memref<1000x128xf32, #tpu.memory_space<vmem>>, vector<1000x128xf32>,
    return
  }
  func.func @transform_0(%arg0: i32) -> (i32, i32, i32) {
    %c0_i32 = arith.constant 0 : i32
    %c0_i32_0 = arith.constant 0 : i32
    %c0_i32_1 = arith.constant 0 : i32
    return %c0_i32, %arg0, %c0_i32_0 : i32, i32, i32
  }
  func.func @transform_1(%arg0: i32) -> (i32, i32, i32) {
    %c0_i32 = arith.constant 0 : i32
    %c0_i32_0 = arith.constant 0 : i32
    %c0_i32_1 = arith.constant 0 : i32
    return %c0_i32, %arg0, %c0_i32_0 : i32, i32, i32
  }
  func.func @transform_2(%arg0: i32) -> (i32, i32) {
    %c0_i32 = arith.constant 0 : i32
    %c0_i32_0 = arith.constant 0 : i32
    return %arg0, %c0_i32 : i32, i32
  }
  func.func @transform_3(%arg0: i32) -> (i32, i32) {
    %c0_i32 = arith.constant 0 : i32
    %c0_i32_0 = arith.constant 0 : i32
    return %arg0, %c0_i32 : i32, i32
  }
  func.func @transform_4(%arg0: i32) -> (i32, i32) {
    %c0_i32 = arith.constant 0 : i32
    %c0_i32_0 = arith.constant 0 : i32
    %c0_i32_1 = arith.constant 0 : i32
    return %c0_i32, %c0_i32_0 : i32, i32
  }
  func.func @transform_5(%arg0: i32) -> (i32, i32) {
    %c0_i32 = arith.constant 0 : i32
    %c0_i32_0 = arith.constant 0 : i32
    %c0_i32_1 = arith.constant 0 : i32
    return %c0_i32, %c0_i32_0 : i32, i32
  }
  func.func @transform_6(%arg0: i32) -> (i32, i32) {
    %c0_i32 = arith.constant 0 : i32
    %c0_i32_0 = arith.constant 0 : i32
    %c0_i32_1 = arith.constant 0 : i32
    return %c0_i32, %c0_i32_0 : i32, i32
  }
  func.func @transform_7(%arg0: i32) -> (i32, i32) {
    %c0_i32 = arith.constant 0 : i32
    %c0_i32_0 = arith.constant 0 : i32
    return %arg0, %c0_i32 : i32, i32
  }
  func.func @transform_8(%arg0: i32) -> (i32, i32) {
    %c0_i32 = arith.constant 0 : i32
    %c0_i32_0 = arith.constant 0 : i32
    return %arg0, %c0_i32 : i32, i32
  }
}

module attributes {stable_mosaic.version = 14 : i64} {
  func.func @_final_body(%arg0: i32, %arg1: memref<2x1000x128xf32, #tpu.memory_space<vmem>>, %arg2: memref<2x1000x128xf32, #tpu.memory_space<vmem>>, %arg3: memref<1000x128xf32, #tpu.memory_space<vmem>>, %arg4: memref<1000x64xf32, #tpu.memory_space<vmem>>) attributes {dimension_semantics = [#tpu.dimension_semantics<arbitrary>], iteration_bounds = array<i64: 10>, scalar_prefetch = 0 : i64, scratch_operands = 0 : i64, tpu.core_type = #tpu.core_type<tc>, window_params = [{transform_indices = @transform_0, window_bounds = array<i64: 2, 1000, 128>}, {transform_indices = @transform_1, window_bounds = array<i64: 2, 1000, 128>}, {transform_indices = @transform_2, window_bounds = array<i64: 1000, 128>}, {transform_indices = @transform_3, window_bounds = array<i64: 1000, 64>}]} {
    %get3A = arith.constant 0 : index
    %get3A_0 = arith.constant 0 : index
    %get3A_1 = arith.constant 0 : index
    %get3A_2 = vector.load %arg1[%get3A, %get3A_0, %get3A_1] : memref<2x1000x128xf32, #tpu.memory_space<vmem>>, vector<1x1000x128xf32>
    %get3A_3 = vector.shape_cast %get3A_2 : vector<1x1000x128xf32> to vector<1000x128xf32>
    %get3A_4 = arith.constant 1 : index
    %get3A_5 = arith.constant 0 : index
    %get3A_6 = arith.constant 0 : index
    %get3A_7 = vector.load %arg1[%get3A_4, %get3A_5, %get3A_6] : memref<2x1000x128xf32, #tpu.memory_space<vmem>>, vector<1x1000x128xf32>
    %get3A_8 = vector.shape_cast %get3A_7 : vector<1x1000x128xf32> to vector<1000x128xf32>
    %add3A = arith.addf %get3A_3, %get3A_8 : vector<1000x128xf32>
    %get3A_9 = arith.constant 0 : index
    %get3A_10 = arith.constant 0 : index
    %get3A_11 = arith.constant 0 : index
    %get3A_12 = vector.load %arg2[%get3A_9, %get3A_10, %get3A_11] : memref<2x1000x128xf32, #tpu.memory_space<vmem>>, vector<1x1000x1xf32>
    %get3A_13 = vector.shape_cast %get3A_12 : vector<1x1000x1xf32> to vector<1000x1xf32>
    %get3A_14 = arith.constant 1 : index
    %get3A_15 = arith.constant 0 : index
    %get3A_16 = arith.constant 0 : index
    %get3A_17 = vector.load %arg2[%get3A_14, %get3A_15, %get3A_16] : memref<2x1000x128xf32, #tpu.memory_space<vmem>>, vector<1x1000x1xf32>
    %get3A_18 = vector.shape_cast %get3A_17 : vector<1x1000x1xf32> to vector<1000x1xf32>
    %add3A_19 = arith.addf %get3A_13, %get3A_18 : vector<1000x1xf32>
    %max3A = arith.constant 1.000000e+00 : f32
    %max3A_20 = vector.broadcast %max3A : f32 to vector<1000x1xf32>
    %max3A_21 = arith.maximumf %add3A_19, %max3A_20 : vector<1000x1xf32>
    %div3A = arith.constant 1.000000e+00 : f32
    %div3A_22 = vector.broadcast %div3A : f32 to vector<1000x1xf32>
    %div3A_23 = arith.divf %div3A_22, %max3A_21 : vector<1000x1xf32>
    %mul3A = vector.broadcast %div3A_23 : vector<1000x1xf32> to vector<1000x128xf32>
    %mul3A_24 = arith.mulf %add3A, %mul3A : vector<1000x128xf32>
    %get3A_25 = arith.constant 0 : index
    %get3A_26 = arith.constant 0 : index
    %get3A_27 = vector.load %arg3[%get3A_25, %get3A_26] : memref<1000x128xf32, #tpu.memory_space<vmem>>, vector<1000x128xf32>
    %add3A_28 = arith.addf %mul3A_24, %get3A_27 : vector<1000x128xf32>
    %slice3A = vector.extract_strided_slice %add3A_28 {offsets = [0, 0], sizes = [1000, 64], strides = [1, 1]} : vector<1000x128xf32> to vector<1000x64xf32>
    %reduce_max3A = arith.constant dense<0xFF800000> : vector<1000xf32>
    %reduce_max3A_29 = vector.multi_reduction <maximumf>, %slice3A, %reduce_max3A [1] : vector<1000x64xf32> to vector<1000xf32>
    %broadcast_in_dim3A = vector.shape_cast %reduce_max3A_29 : vector<1000xf32> to vector<1000x1xf32>
    %sub3A = vector.broadcast %broadcast_in_dim3A : vector<1000x1xf32> to vector<1000x64xf32>
    %sub3A_30 = arith.subf %slice3A, %sub3A : vector<1000x64xf32>
    %exp3A = math.exp %sub3A_30 : vector<1000x64xf32>
    %reduce_sum3A = arith.constant dense<0.000000e+00> : vector<1000xf32>
    %reduce_sum3A_31 = vector.multi_reduction <add>, %exp3A, %reduce_sum3A [1] : vector<1000x64xf32> to vector<1000xf32>
    %broadcast_in_dim3A_32 = vector.shape_cast %reduce_sum3A_31 : vector<1000xf32> to vector<1000x1xf32>
    %log3A = math.log %broadcast_in_dim3A_32 : vector<1000x1xf32>
    %add3A_33 = arith.addf %log3A, %broadcast_in_dim3A : vector<1000x1xf32>
    %sub3A_34 = vector.broadcast %add3A_33 : vector<1000x1xf32> to vector<1000x64xf32>
    %sub3A_35 = arith.subf %slice3A, %sub3A_34 : vector<1000x64xf32>
    %swap3A = arith.constant 0 : index
    %swap3A_36 = arith.constant 0 : index
    %swap3A_37 = vector.load %arg4[%swap3A, %swap3A_36] : memref<1000x64xf32, #tpu.memory_space<vmem>>, vector<1000x64xf32>
    tpu.vector_store %arg4[%swap3A, %swap3A_36], %sub3A_35 {strides = array<i32>} : memref<1000x64xf32, #tpu.memory_space<vmem>>, vector<1000x64xf32>,
    return
  }
  func.func @transform_0(%arg0: i32) -> (i32, i32, i32) {
    %c0_i32 = arith.constant 0 : i32
    %c0_i32_0 = arith.constant 0 : i32
    %c0_i32_1 = arith.constant 0 : i32
    return %c0_i32, %arg0, %c0_i32_0 : i32, i32, i32
  }
  func.func @transform_1(%arg0: i32) -> (i32, i32, i32) {
    %c0_i32 = arith.constant 0 : i32
    %c0_i32_0 = arith.constant 0 : i32
    %c0_i32_1 = arith.constant 0 : i32
    return %c0_i32, %arg0, %c0_i32_0 : i32, i32, i32
  }
  func.func @transform_2(%arg0: i32) -> (i32, i32) {
    %c0_i32 = arith.constant 0 : i32
    %c0_i32_0 = arith.constant 0 : i32
    return %arg0, %c0_i32 : i32, i32
  }
  func.func @transform_3(%arg0: i32) -> (i32, i32) {
    %c0_i32 = arith.constant 0 : i32
    %c0_i32_0 = arith.constant 0 : i32
    return %arg0, %c0_i32 : i32, i32
  }
}

</mosaic_0001>

<sc_bundles>
// kernel: kernel.12.cloned.1.call-start
scs
__scs_entry_jumppad:
0x0: {  	(pc) =	sbr.rel $0x88, $3  }
0x1: {  	(tag) =	ssettag $0x0;
	lr =	simm.s32 $0x1  }
0x2: {  	[smem:$0x3F91] =	sst lr;
	_ =	strace $0xD0000000  }
0x3: {  	_ = 	snop  }
0x4: {  	_ = 	snop  }
0x5: {  	_ = 	snop  }
0x6: {  	_ = 	snop  }
0x7: {  	_ = 	snop  }
__scs_overlays_trampoline_lowered:
0x8: {  	[smem:$0x3FA0] =	sst s0  }
0x9: {  	[smem:$0x3FA1] =	sst s1  }
0xa: {  	[smem:$0x3FA2] =	sst s2  }
0xb: {  	[smem:$0x3FA3] =	sst s3  }
0xc: {  	[smem:$0x3FA4] =	sst s4  }
0xd: {  	[smem:$0x3FA5] =	sst s5  }
0xe: {  	[smem:$0x3FA6] =	sst s6  }
0xf: {  	[smem:$0x3FA7] =	sst s7  }
0x10: {  	[smem:$0x3FA8] =	sst s8  }
0x11: {  	[smem:$0x3FA9] =	sst s9;
	s0 =	simm.s32 @!p0 $0x0  }
0x12: {  	s1 =	sld [smem:$0x3F8F];
	s0 =	simm.s32 @p0 $0x1  }
0x13: {  	[smem:$0x3FAA] =	sst s0;
	s0 =	simm.s32 @!p1 $0x0  }
0x14: {  	s2 =	sld [smem:$0x3F8E];
	s0 =	simm.s32 @p1 $0x1  }
0x15: {  	[smem:$0x3FAB] =	sst s0;
	s0 =	simm.s32 @!p2 $0x0  }
0x16: {  	s3 =	sld [smem:$0x3FDB];
	s0 =	simm.s32 @p2 $0x1  }
0x17: {  	s4 =	simm.s32 $0x1BF5;
	[smem:$0x3FAD] =	sst s0  }
0x18: {  	s0 =	sld [smem:$0x3F90];
	_ =	swait.ge [sflag:s4], $0x0  }
0x19: {  	s7 =	sld [smem:$0x3F91]  }
0x1a: {  	s8 =	sadd.s32 $0xFFFFE003, lr  }
0x1b: {  	s9 =	sadd.s32 $0xFFFFFEF7, lr;
	s5 =	simm.s32 $0xFFFFFFFF;
	p2 =	slt.u32 s8, $0xFFFFF086  }
0x1c: {  	p1 =	slt.u32 s9, $0xF7A;
	s5 =	simm.s32 @!p2 $0x0  }
0x1d: {  	s5 =	simm.s32 @p1 $0x1;
	p0 =	seq.s32 s7, s2  }
0x1e: {  	s7 =	smul.u32 @!p0 $0xF7A, s2;
	p2 =	seq.s32 @!p0 s5, $0x0  }
0x1f: {  	s9 =	smul.u32 $0xF7A, s1;
	s8 =	simm.s32 @!p0 $0x1BF5;
	p2 =	por !p2, p0  }
0x20: {  	[sflag:s8] =	ssyncset.s32 @!p0 $0xFFFFF086;
	s6 =	sadd.s32 @!p0 s3, s7;
	s7 =	simm.s32 @!p0 $0x108  }
0x21: {  	s3 =	sadd.s32 s3, s9;
	s6 =	sadd.s32 @!p0 $0x88, s6;
	s7 =	simm.s32 @p2 $0x1082  }
0x22: {  	[simem:s7], [sflag:s8] =	dma.local @!p0 [hbm:s6], $0xF7A  }
0x23: {  	s9 =	sor.u32 $0xD0000000, s2;
	s6 =	simm.s32 $0x108;
	_ =	swait.ge @!p0 [sflag:s8], $0x0  }
0x24: {  	s3 =	sadd.s32 $0x88, s3;
	s6 =	simm.s32 @!p1 $0x1082;
	[sflag:s4] =	ssyncset.s32 $0xFFFFF086  }
0x25: {  	[simem:s6], [sflag:s4] =	dma.local [hbm:s3], $0xF7A  }
0x26: {  	[smem:$0x3F91] =	sst s1;
	(tag) =	ssettag s2;
	_ =	strace s9  }
0x27: {  	s1 =	sld [smem:$0x3FA1]  }
0x28: {  	s2 =	sld [smem:$0x3FA2]  }
0x29: {  	s4 =	sld [smem:$0x3FA4]  }
0x2a: {  	p0 =	seq.s32 s5, $0x0;
	s5 =	sld [smem:$0x3FA5]  }
0x2b: {  	s6 =	sld [smem:$0x3FA6]  }
0x2c: {  	s7 =	sld [smem:$0x3FA7]  }
0x2d: {  	s3 =	simm.s32 $0x108;
	s8 =	sld [smem:$0x3FA8]  }
0x2e: {  	s3 =	simm.s32 @!p0 $0x1082;
	s9 =	sld [smem:$0x3FA9]  }
0x2f: {  	lr =	sadd.s32 s0, s3;
	s0 =	sld [smem:$0x3FA0]  }
0x30: {  	s3 =	sld [smem:$0x3FA3]  }
0x31: {  	[smem:$0x3FAC] =	sst s10  }
0x32: {  	s10 =	sld [smem:$0x3FAA];
	_ =	sdelay $0x3  }
0x33: {  	p0 =	seq.s32 s10, $0x1;
	s10 =	sld [smem:$0x3FAC];
	_ =	sdelay $0x3  }
0x34: {  	[smem:$0x3FAC] =	sst s10  }
0x35: {  	s10 =	sld [smem:$0x3FAB];
	_ =	sdelay $0x3  }
0x36: {  	p1 =	seq.s32 s10, $0x1;
	s10 =	sld [smem:$0x3FAC];
	_ =	sdelay $0x3  }
0x37: {  	[smem:$0x3FAC] =	sst s10  }
0x38: {  	s10 =	sld [smem:$0x3FAD]  }
0x39: {  	_ = 	snop;
	(pc) =	sbr.ind lr, $3  }
0x3a: {  	_ = 	snop  }
0x3b: {  	_ = 	snop  }
0x3c: {  	p2 =	seq.s32 s10, $0x1;
	s10 =	sld [smem:$0x3FAC]  }
0x3d: {  	_ =	shalt  }
0x3e: {  	_ =	shalt  }
0x3f: {  	_ =	shalt  }
0x40: {  	_ =	shalt  }
0x41: {  	_ =	shalt  }
0x42: {  	_ =	shalt  }
0x43: {  	_ =	shalt  }
0x44: {  	_ =	shalt  }
0x45: {  	_ =	shalt  }
0x46: {  	_ =	shalt  }
0x47: {  	_ =	shalt  }
0x48: {  	_ =	shalt  }
0x49: {  	_ =	shalt  }
0x4a: {  	_ =	shalt  }
0x4b: {  	_ =	shalt  }
0x4c: {  	_ =	shalt  }
0x4d: {  	_ =	shalt  }
0x4e: {  	_ =	shalt  }
0x4f: {  	_ =	shalt  }
0x50: {  	_ =	shalt  }
0x51: {  	_ =	shalt  }
0x52: {  	_ =	shalt  }
0x53: {  	_ =	shalt  }
0x54: {  	_ =	shalt  }
0x55: {  	_ =	shalt  }
0x56: {  	_ =	shalt  }
0x57: {  	_ =	shalt  }
0x58: {  	_ =	shalt  }
0x59: {  	_ =	shalt  }
0x5a: {  	_ =	shalt  }
0x5b: {  	_ =	shalt  }
0x5c: {  	_ =	shalt  }
0x5d: {  	_ =	shalt  }
0x5e: {  	_ =	shalt  }
0x5f: {  	_ =	shalt  }
0x60: {  	_ =	shalt  }
0x61: {  	_ =	shalt  }
0x62: {  	_ =	shalt  }
0x63: {  	_ =	shalt  }
0x64: {  	_ =	shalt  }
0x65: {  	_ =	shalt  }
0x66: {  	_ =	shalt  }
0x67: {  	_ =	shalt  }
0x68: {  	_ =	shalt  }
0x69: {  	_ =	shalt  }
0x6a: {  	_ =	shalt  }
0x6b: {  	_ =	shalt  }
0x6c: {  	_ =	shalt  }
0x6d: {  	_ =	shalt  }
0x6e: {  	_ =	shalt  }
0x6f: {  	_ =	shalt  }
0x70: {  	_ =	shalt  }
0x71: {  	_ =	shalt  }
0x72: {  	_ =	shalt  }
0x73: {  	_ =	shalt  }
0x74: {  	_ =	shalt  }
0x75: {  	_ =	shalt  }
0x76: {  	_ =	shalt  }
0x77: {  	_ =	shalt  }
0x78: {  	_ =	shalt  }
0x79: {  	_ =	shalt  }
0x7a: {  	_ =	shalt  }
0x7b: {  	_ =	shalt  }
0x7c: {  	_ =	shalt  }
0x7d: {  	_ =	shalt  }
0x7e: {  	_ =	shalt  }
0x7f: {  	_ =	shalt  }
0x80: {  	_ =	shalt  }
0x81: {  	_ =	shalt  }
0x82: {  	_ =	shalt  }
0x83: {  	_ =	shalt  }
0x84: {  	_ =	shalt  }
0x85: {  	_ =	shalt  }
0x86: {  	_ =	shalt  }
0x87: {  	_ =	shalt  }
.Lfunc_end0:
.L_simem_size_0:
called_computation_lowered:
.L_overlay_start_0:
0x88: {  	s2 =	sld [smem:$0x3FD9]  }
0x89: {  	s3 =	sld [smem:$0x3FFE];
	_ =	sdelay $0x1  }
0x8a: {  	s1 =	srdreg.scid  }
0x8b: {  	s0 =	sand.u32 $0x1, s1  }
0x8c: {  	s17 =	sshll.u32 s0, $0xA;
	s2 =	sadd.s32 s3, s2  }
0x8d: {  	s2 =	sadd.s32 s2, s17  }
0x8e: {  	[smem:$0x3FB8] =	sst s2  }
0x8f: {  	_ = 	snop  }
0x90: {  	s2 =	sld [smem:$0x3FD0];
	(tm) =	ssettm $0x1  }
0x91: {  	s18 =	sld [smem:$0x3FFB];
	_ =	sdelay $0x3  }
0x92: {  	_ =	strace s18  }
0x93: {  	s3 =	sld [smem:$0x3FFC];
	_ =	sdelay $0x3  }
0x94: {  	_ =	strace s3  }
0x95: {  	s3 =	sld [smem:$0x3FFD];
	_ =	sdelay $0x3  }
0x96: {  	_ =	strace s3  }
0x97: {  	_ =	strace $0x8FFFFFFF  }
0x98: {  	s19 =	sld [smem:$0x3FDB];
	_ =	sdelay $0x1  }
0x99: {  	s4 =	simm.s32 $_scs_section_size  }
0x9a: {  	s5 =	simm.s32 $_size__tile_overlayer_lowered;
	s6 =	simm.s32 $_tile_overlayer_lowered  }
0x9b: {  	s22 =	simm.s32 $0x1BFF;
	s21 =	sshll.u32 s6, $0x1;
	s3 =	sadd.s32 s4, s19  }
0x9c: {  	s7 =	simm.s32 $0x0;
	s20 =	sshll.u32 s5, $0x1;
	s5 =	sadd.s32 s21, s3  }
0x9d: {  	[timem:s7], [sflag:s22] =	dma.local [hbm:s5], s20  }
0x9e: {  	_ =	swait.ge [sflag:s22], s20  }
0x9f: {  	s4 =	ssub.s32 $0x0, s20;
	[sflag:s22] =	ssyncset.done $0x0  }
0xa0: {  	[sflag:s22] =	ssyncadd.s32 s4;
	_ =	sdelay $0x1  }
0xa1: {  	s23 =	simm.s32 $0x1B8B  }
0xa2: {  	_ =	swait.ge [sflag:s23], $0x1  }
0xa3: {  	[sflag:s23] =	ssyncset.done $0x0  }
0xa4: {  	s25 =	simm.s32 $0x1B8E;
	s24 =	sld [smem:$0x3FFE];
	[sflag:s23] =	ssyncadd.s32 $0xFFFFFFFF  }
0xa5: {  	s26 =	simm.s32 $execute0_lowered;
	[smem:$0x3FD2] =	sst s25  }
0xa6: {  	s5 =	sshll.u32 s26, $0x1;
	_ =	strace $0x80000046;
	[dreg:$0x1] =	wrdreg $0xFFFFFFFF  }
0xa7: {  	s28 =	simm.s32 $_size_execute0_lowered;
	s3 =	sadd.s32 s3, s5;
	[dreg:$0x0] =	wrdreg $0x0  }
0xa8: {  	s5 =	sshll.u32 s28, $0x1;
	[dreg:$0x2] =	wrdreg s3  }
0xa9: {  	[dreg:$0x3] =	wrdreg s5  }
0xaa: {  	[dreg:$0x4] =	wrdreg $0xC0  }
0xab: {  	_ =	task [dreg:s7], $0x5FFFF  }
0xac: {  	[dreg:$0x1] =	wrdreg $0xFFFFFFFF  }
0xad: {  	[dreg:$0x0] =	wrdreg $0x60  }
0xae: {  	[dreg:$0x2] =	wrdreg s2  }
0xaf: {  	[dreg:$0x3] =	wrdreg s24  }
0xb0: {  	[dreg:$0x4] =	wrdreg $0x68000  }
0xb1: {  	[dreg:$0x5] =	wrdreg $0x9  }
0xb2: {  	_ =	task.clear_ibuf [dreg:s7], $0x6FFFF;
	_ =	strace $0x90000046  }
0xb3: {  	s29 =	simm.s32 $0x9;
	_ =	strace $0x80000048  }
0xb4: {  	_ =	swait.ge [sflag:s29], $0x1  }
0xb5: {  	[sflag:s29] =	ssyncadd.s32 $0xFFFFFFFF  }
0xb6: {  	_ =	strace $0x90000048  }
0xb7: {  	_ =	sfence  }
0xb8: {  	s30 =	sld [smem:$0x0];
	_ =	sdelay $0x2  }
0xb9: {  	s31 =	sshll.u32 s1, $0xD;
	s1 =	sshrl.u32 s1, $0x2  }
0xba: {  	s3 =	sand.u32 $0x4000, s31;
	s1 =	sadd.s32 s1, s30  }
0xbb: {  	s0 =	sor.u32 s3, s0;
	s1 =	sshll.u32 s1, $0x11  }
0xbc: {  	s0 =	sor.u32 s1, s0  }
0xbd: {  	s0 =	sadd.s32 $0x8F2B, s0  }
0xbe: {  	[sflag:s0] =	ssyncadd.remote.s32 $0x1  }
0xbf: {  	_ =	sfence.sel $0xFFFF  }
0xc0: {  	[dreg:$0x0] =	wrdreg $0xFFFFFFFF;
	(pc) =	sbr.abs _section_cstart, $3  }
0xc1: {  	[dreg:$0x1] =	wrdreg $0xFFFFFFFF  }
0xc2: {  	_ =	task.clear_ibuf [dreg:s7], $0x2FFFF;
	_ =	strace $0x9FFFFFFF  }
0xc3: {  	(tm) =	ssettm $0x7FFFFFFF  }
tec
execute0_lowered:
.L_overlay_start_1:
0x0: {  	(tag) =	ssettag $0x1  }
0x1: {  	s7 =	rddreg [dreg:$0x0]  }
0x2: {  	s6 =	rddreg [dreg:$0x1];
	s0 =	srdreg.scid  }
0x3: {  	s2 =	rddreg [dreg:$0x2];
	s1 =	stileid.u32  }
0x4: {  	s3 =	simm.s32 $0x0;
	s13 =	simm.s32 $0x80;
	s14 =	simm.s32 $0x1  }
0x5: {  	s15 =	simm.s32 $0x2;
	s8 =	sand.u32 $0x1, s0;
	s0 =	rddreg [dreg:$0x3]  }
0x6: {  	s16 =	simm.s32 $0x0;
	s9 =	smul.u32 $0x14000, s1;
	[smem:$0x7FF] =	sst s3  }
0x7: {  	s4 =	sadd.s32 $0x18000, s6;
	s11 =	smul.u32 $0x50000, s1;
	s31 =	sshll.u32 s1, $0x6  }
0x8: {  	s5 =	smul.u32 $0x140000, s8;
	s10 =	sshll.u32 s8, $0x4;
	s8 =	ssub.s32 $0x2, s8  }
0x9: {  	_ =	strace $0x80000047;
	s10 =	sor.u32 s1, s10;
	s29 =	sshrl.u32 s8, $0x1  }
0xa: {  	s30 =	sshrl.u32 s11, $0x2;
	s9 =	sadd.s32 s9, s5;
	s5 =	sadd.s32 $0x18800, s6  }
0xb: {  	s10 =	smul.u32 $0x500, s10;
	s12 =	ssub.s32 s8, s29;
	s9 =	sshrl.u32 s9, $0x3  }
0xc: {  	s11 =	sadd.s32 s30, s2;
	s9 =	sadd.s32 s9, s6;
	s6 =	sor.u32 $0x1C03, s31  }
0xd: {  	s7 =	sadd.s32 s7, s10;
	s10 =	sshrl.u32 s11, $0x3;
	s11 =	simm.s32 $0x3  }
0xe: {  	s8 =	sadd.s32 $0x1B000, s9;
	s9 =	smax.u32 s12, $0x1;
	s12 =	simm.s32 $0x2800  }
.LBB2_1:
0xf: {  	[spmem:s10], [sflag:s6] =	dma.local [hbm:s5], $0x2800  }
0x10: {  	_ =	swait.ge [sflag:s11], $0x2800  }
0x11: {  	[sflag:s11] =	ssyncset.done $0x0  }
0x12: {  	[sflag:s11] =	ssyncadd.s32 $0xFFFFD800  }
0x13: {  	[tilespmem:s12], [sflag:$0x3] =	stream.linear.gather [hbm4b:s4+s3], $0x4000, $0x38;
	[tilespmem:$0x1A800] =	vst v63  }
0x14: {  	_ =	swait.ge [sflag:s11], $0x4000  }
0x15: {  	[sflag:s11] =	ssyncset.done $0x0  }
0x16: {  	[sflag:s11] =	ssyncadd.s32 $0xFFFFC000  }
0x17: {  	[tilespmem:s3], [sflag:$0x3] =	stream.linear.gather [hbm4b:s7+s3], $0x2800, $0x38;
	[tilespmem:$0x1A800] =	vst v63  }
0x18: {  	_ =	swait.ge [sflag:s11], $0x2800  }
0x19: {  	[sflag:s11] =	ssyncset.done $0x0  }
0x1a: {  	[sflag:s11] =	ssyncadd.s32 $0xFFFFD800  }
0x1b: {  	[bflag:$0x0] =	sbarrier.arrive $0xFFFF  }
0x1c: {  	[spmem:s2] =	stream.indirect.scatter.add.f32 [tilespmem:s12], [sflag:$0x1], $0x80, s3, s13, $0xb8;
	[tilespmem:$0x1A800] =	vst v63  }
0x1d: {  	_ = 	snop  }
0x1e: {  	[spmem:s2] =	stream.indirect.scatter.add.f32 [tilespmem:s12], [sflag:$0x2], $0x80, s13, s13, $0xb8;
	[tilespmem:$0x1A800] =	vst v63  }
0x1f: {  	_ =	swait.ge [sflag:s14], $0x4000  }
0x20: {  	[sflag:s14] =	ssyncset.done $0x0  }
0x21: {  	s17 =	simm.s32 $0x100;
	[sflag:s14] =	ssyncadd.s32 $0xFFFFC000  }
0x22: {  	[spmem:s2] =	stream.indirect.scatter.add.f32 [tilespmem:s12], [sflag:$0x1], $0x80, s17, s13, $0xb8;
	[tilespmem:$0x1A800] =	vst v63  }
0x23: {  	_ =	swait.ge [sflag:s15], $0x4000  }
0x24: {  	[sflag:s15] =	ssyncset.done $0x0  }
0x25: {  	s18 =	simm.s32 $0x180;
	s17 =	simm.s32 $0xFFFF6800;
	[sflag:s15] =	ssyncadd.s32 $0xFFFFC000  }
.LBB2_2:
0x26: {  	[spmem:s2] =	stream.indirect.scatter.add.f32 [tilespmem:s12], [sflag:$0x2], $0x80, s18, s13, $0xb8;
	[tilespmem:$0x1A800] =	vst v63  }
0x27: {  	s18 =	smov.u32 s17  }
0x28: {  	p0 =	sne.s32 s17, $0xFFFFFC00;
	s17 =	sadd.s32 $0x400, s17;
	_ =	swait.ge [sflag:s14], $0x4000  }
0x29: {  	s18 =	sshra.s32 s18, $0x2;
	[sflag:s14] =	ssyncset.done $0x0  }
.Ltmp0:
0x2a: {  	s19 =	sadd.s32 $0x2800, s18;
	[sflag:s14] =	ssyncadd.s32 $0xFFFFC000;
	(pc) =	sbr.rel @p0 .LBB2_2-.Ltmp0, $4  }
0x2b: {  	[spmem:s2] =	stream.indirect.scatter.add.f32 [tilespmem:s12], [sflag:$0x1], $0x80, s19, s13, $0xb8;
	[tilespmem:$0x1A800] =	vst v63  }
0x2c: {  	_ =	swait.ge [sflag:s15], $0x4000  }
0x2d: {  	[sflag:s15] =	ssyncset.done $0x0  }
0x2e: {  	s18 =	sadd.s32 $0x2880, s18;
	[sflag:s15] =	ssyncadd.s32 $0xFFFFC000  }
0x2f: {  	[spmem:s2] =	stream.indirect.scatter.add.f32 [tilespmem:s12], [sflag:$0x2], $0x80, s18, s13, $0xb8;
	[tilespmem:$0x1A800] =	vst v63  }
0x30: {  	_ =	swait.ge [sflag:s14], $0x4000  }
0x31: {  	[sflag:s14] =	ssyncset.done $0x0  }
0x32: {  	[sflag:s14] =	ssyncadd.s32 $0xFFFFC000  }
0x33: {  	_ =	swait.ge [sflag:s15], $0x4000  }
0x34: {  	s16 =	sadd.s32 $0x1, s16;
	[sflag:s15] =	ssyncset.done $0x0  }
0x35: {  	p0 =	sne.s32 s16, s9;
	[sflag:s15] =	ssyncadd.s32 $0xFFFFC000  }
.Ltmp1:
0x36: {  	[bflag:$0x0] =	sbarrier.arrive $0xFFFF;
	(pc) =	sbr.rel @p0 .LBB2_1-.Ltmp1, $4  }
0x37: {  	[hbm:s8], [sflag:s6] =	dma.local [spmem:s10], $0x2800  }
0x38: {  	_ =	swait.ge [sflag:s11], $0x2800  }
0x39: {  	[sflag:s11] =	ssyncset.done $0x0  }
0x3a: {  	[sflag:s11] =	ssyncadd.s32 $0xFFFFD800  }
0x3b: {  	_ =	sfence.sel $0x180000  }
0x3c: {  	[bflag:$0x0] =	sbarrier.arrive $0xFFFF  }
0x3d: {  	p0 =	sne.s32 s1, $0x0;
	_ =	strace $0x90000047  }
0x3e: {  	s0 =	sadd.s32 @!p0 $0x100000, s0;
	[bflag:$0x2] =	sbarrier.arrive $0xFFFF  }
0x3f: {  	[sflag:s0] =	ssyncadd.tile.s32 @!p0 $0x1;
	_ =	shalt  }
.Lfunc_end2:
_tile_overlayer_lowered:
.L_overlay_start_2:
0x40: {  	(tag) =	ssettag $0x2  }
0x41: {  	s0 =	rddreg [dreg:$0x0];
	s2 =	stileid.u32  }
0x42: {  	s1 =	rddreg [dreg:$0x1];
	p0 =	sne.s32 s2, $0x0  }
0x43: {  	s3 =	rddreg [dreg:$0x2];
	[bflag:$0x3] =	sbarrier.arrive $0xFFFF;
	s2 =	simm.s32 @!p0 $0x1C03  }
0x44: {  	[timem:s3], [sflag:s2] =	dma.local @!p0 [hbm:s0], s1  }
0x45: {  	s0 =	simm.s32 @!p0 $0x3  }
0x46: {  	_ =	swait.ge @!p0 [sflag:s0], s1  }
0x47: {  	s1 =	ssub.s32 @!p0 $0x0, s1;
	[sflag:s0] =	ssyncset.done @!p0 $0x0  }
0x48: {  	[sflag:s0] =	ssyncadd.s32 @!p0 s1  }
0x49: {  	[bflag:$0x3] =	sbarrier.arrive $0xFFFF  }
0x4a: {  	_ =	shalt  }

// kernel: kernel.15.cloned.1.call-start
scs
__scs_entry_jumppad:
0x0: {  	(pc) =	sbr.rel $0x88, $3  }
0x1: {  	(tag) =	ssettag $0x0;
	lr =	simm.s32 $0x1  }
0x2: {  	[smem:$0x3F91] =	sst lr;
	_ =	strace $0xD0000000  }
0x3: {  	_ = 	snop  }
0x4: {  	_ = 	snop  }
0x5: {  	_ = 	snop  }
0x6: {  	_ = 	snop  }
0x7: {  	_ = 	snop  }
__scs_overlays_trampoline_lowered:
0x8: {  	[smem:$0x3FA0] =	sst s0  }
0x9: {  	[smem:$0x3FA1] =	sst s1  }
0xa: {  	[smem:$0x3FA2] =	sst s2  }
0xb: {  	[smem:$0x3FA3] =	sst s3  }
0xc: {  	[smem:$0x3FA4] =	sst s4  }
0xd: {  	[smem:$0x3FA5] =	sst s5  }
0xe: {  	[smem:$0x3FA6] =	sst s6  }
0xf: {  	[smem:$0x3FA7] =	sst s7  }
0x10: {  	[smem:$0x3FA8] =	sst s8  }
0x11: {  	[smem:$0x3FA9] =	sst s9;
	s0 =	simm.s32 @!p0 $0x0  }
0x12: {  	s1 =	sld [smem:$0x3F8F];
	s0 =	simm.s32 @p0 $0x1  }
0x13: {  	[smem:$0x3FAA] =	sst s0;
	s0 =	simm.s32 @!p1 $0x0  }
0x14: {  	s2 =	sld [smem:$0x3F8E];
	s0 =	simm.s32 @p1 $0x1  }
0x15: {  	[smem:$0x3FAB] =	sst s0;
	s0 =	simm.s32 @!p2 $0x0  }
0x16: {  	s3 =	sld [smem:$0x3FDB];
	s0 =	simm.s32 @p2 $0x1  }
0x17: {  	s4 =	simm.s32 $0x1BF5;
	[smem:$0x3FAD] =	sst s0  }
0x18: {  	s0 =	sld [smem:$0x3F90];
	_ =	swait.ge [sflag:s4], $0x0  }
0x19: {  	s7 =	sld [smem:$0x3F91]  }
0x1a: {  	s8 =	sadd.s32 $0xFFFFE003, lr  }
0x1b: {  	s9 =	sadd.s32 $0xFFFFFEF7, lr;
	s5 =	simm.s32 $0xFFFFFFFF;
	p2 =	slt.u32 s8, $0xFFFFF086  }
0x1c: {  	p1 =	slt.u32 s9, $0xF7A;
	s5 =	simm.s32 @!p2 $0x0  }
0x1d: {  	s5 =	simm.s32 @p1 $0x1;
	p0 =	seq.s32 s7, s2  }
0x1e: {  	s7 =	smul.u32 @!p0 $0xF7A, s2;
	p2 =	seq.s32 @!p0 s5, $0x0  }
0x1f: {  	s9 =	smul.u32 $0xF7A, s1;
	s8 =	simm.s32 @!p0 $0x1BF5;
	p2 =	por !p2, p0  }
0x20: {  	[sflag:s8] =	ssyncset.s32 @!p0 $0xFFFFF086;
	s6 =	sadd.s32 @!p0 s3, s7;
	s7 =	simm.s32 @!p0 $0x108  }
0x21: {  	s3 =	sadd.s32 s3, s9;
	s6 =	sadd.s32 @!p0 $0x88, s6;
	s7 =	simm.s32 @p2 $0x1082  }
0x22: {  	[simem:s7], [sflag:s8] =	dma.local @!p0 [hbm:s6], $0xF7A  }
0x23: {  	s9 =	sor.u32 $0xD0000000, s2;
	s6 =	simm.s32 $0x108;
	_ =	swait.ge @!p0 [sflag:s8], $0x0  }
0x24: {  	s3 =	sadd.s32 $0x88, s3;
	s6 =	simm.s32 @!p1 $0x1082;
	[sflag:s4] =	ssyncset.s32 $0xFFFFF086  }
0x25: {  	[simem:s6], [sflag:s4] =	dma.local [hbm:s3], $0xF7A  }
0x26: {  	[smem:$0x3F91] =	sst s1;
	(tag) =	ssettag s2;
	_ =	strace s9  }
0x27: {  	s1 =	sld [smem:$0x3FA1]  }
0x28: {  	s2 =	sld [smem:$0x3FA2]  }
0x29: {  	s4 =	sld [smem:$0x3FA4]  }
0x2a: {  	p0 =	seq.s32 s5, $0x0;
	s5 =	sld [smem:$0x3FA5]  }
0x2b: {  	s6 =	sld [smem:$0x3FA6]  }
0x2c: {  	s7 =	sld [smem:$0x3FA7]  }
0x2d: {  	s3 =	simm.s32 $0x108;
	s8 =	sld [smem:$0x3FA8]  }
0x2e: {  	s3 =	simm.s32 @!p0 $0x1082;
	s9 =	sld [smem:$0x3FA9]  }
0x2f: {  	lr =	sadd.s32 s0, s3;
	s0 =	sld [smem:$0x3FA0]  }
0x30: {  	s3 =	sld [smem:$0x3FA3]  }
0x31: {  	[smem:$0x3FAC] =	sst s10  }
0x32: {  	s10 =	sld [smem:$0x3FAA];
	_ =	sdelay $0x3  }
0x33: {  	p0 =	seq.s32 s10, $0x1;
	s10 =	sld [smem:$0x3FAC];
	_ =	sdelay $0x3  }
0x34: {  	[smem:$0x3FAC] =	sst s10  }
0x35: {  	s10 =	sld [smem:$0x3FAB];
	_ =	sdelay $0x3  }
0x36: {  	p1 =	seq.s32 s10, $0x1;
	s10 =	sld [smem:$0x3FAC];
	_ =	sdelay $0x3  }
0x37: {  	[smem:$0x3FAC] =	sst s10  }
0x38: {  	s10 =	sld [smem:$0x3FAD]  }
0x39: {  	_ = 	snop;
	(pc) =	sbr.ind lr, $3  }
0x3a: {  	_ = 	snop  }
0x3b: {  	_ = 	snop  }
0x3c: {  	p2 =	seq.s32 s10, $0x1;
	s10 =	sld [smem:$0x3FAC]  }
0x3d: {  	_ =	shalt  }
0x3e: {  	_ =	shalt  }
0x3f: {  	_ =	shalt  }
0x40: {  	_ =	shalt  }
0x41: {  	_ =	shalt  }
0x42: {  	_ =	shalt  }
0x43: {  	_ =	shalt  }
0x44: {  	_ =	shalt  }
0x45: {  	_ =	shalt  }
0x46: {  	_ =	shalt  }
0x47: {  	_ =	shalt  }
0x48: {  	_ =	shalt  }
0x49: {  	_ =	shalt  }
0x4a: {  	_ =	shalt  }
0x4b: {  	_ =	shalt  }
0x4c: {  	_ =	shalt  }
0x4d: {  	_ =	shalt  }
0x4e: {  	_ =	shalt  }
0x4f: {  	_ =	shalt  }
0x50: {  	_ =	shalt  }
0x51: {  	_ =	shalt  }
0x52: {  	_ =	shalt  }
0x53: {  	_ =	shalt  }
0x54: {  	_ =	shalt  }
0x55: {  	_ =	shalt  }
0x56: {  	_ =	shalt  }
0x57: {  	_ =	shalt  }
0x58: {  	_ =	shalt  }
0x59: {  	_ =	shalt  }
0x5a: {  	_ =	shalt  }
0x5b: {  	_ =	shalt  }
0x5c: {  	_ =	shalt  }
0x5d: {  	_ =	shalt  }
0x5e: {  	_ =	shalt  }
0x5f: {  	_ =	shalt  }
0x60: {  	_ =	shalt  }
0x61: {  	_ =	shalt  }
0x62: {  	_ =	shalt  }
0x63: {  	_ =	shalt  }
0x64: {  	_ =	shalt  }
0x65: {  	_ =	shalt  }
0x66: {  	_ =	shalt  }
0x67: {  	_ =	shalt  }
0x68: {  	_ =	shalt  }
0x69: {  	_ =	shalt  }
0x6a: {  	_ =	shalt  }
0x6b: {  	_ =	shalt  }
0x6c: {  	_ =	shalt  }
0x6d: {  	_ =	shalt  }
0x6e: {  	_ =	shalt  }
0x6f: {  	_ =	shalt  }
0x70: {  	_ =	shalt  }
0x71: {  	_ =	shalt  }
0x72: {  	_ =	shalt  }
0x73: {  	_ =	shalt  }
0x74: {  	_ =	shalt  }
0x75: {  	_ =	shalt  }
0x76: {  	_ =	shalt  }
0x77: {  	_ =	shalt  }
0x78: {  	_ =	shalt  }
0x79: {  	_ =	shalt  }
0x7a: {  	_ =	shalt  }
0x7b: {  	_ =	shalt  }
0x7c: {  	_ =	shalt  }
0x7d: {  	_ =	shalt  }
0x7e: {  	_ =	shalt  }
0x7f: {  	_ =	shalt  }
0x80: {  	_ =	shalt  }
0x81: {  	_ =	shalt  }
0x82: {  	_ =	shalt  }
0x83: {  	_ =	shalt  }
0x84: {  	_ =	shalt  }
0x85: {  	_ =	shalt  }
0x86: {  	_ =	shalt  }
0x87: {  	_ =	shalt  }
.Lfunc_end0:
.L_simem_size_0:
called_computation.1_lowered:
.L_overlay_start_0:
0x88: {  	s2 =	sld [smem:$0x3FD9]  }
0x89: {  	s3 =	sld [smem:$0x3FFE];
	_ =	sdelay $0x1  }
0x8a: {  	s1 =	srdreg.scid  }
0x8b: {  	s0 =	sand.u32 $0x1, s1  }
0x8c: {  	s17 =	sshll.u32 s0, $0xA;
	s2 =	sadd.s32 s3, s2  }
0x8d: {  	s2 =	sadd.s32 s2, s17  }
0x8e: {  	[smem:$0x3FB8] =	sst s2  }
0x8f: {  	_ = 	snop  }
0x90: {  	(tm) =	ssettm $0x1  }
0x91: {  	s18 =	sld [smem:$0x3FFB];
	_ =	sdelay $0x3  }
0x92: {  	_ =	strace s18  }
0x93: {  	s2 =	sld [smem:$0x3FFC];
	_ =	sdelay $0x3  }
0x94: {  	_ =	strace s2  }
0x95: {  	s2 =	sld [smem:$0x3FFD];
	_ =	sdelay $0x3  }
0x96: {  	_ =	strace s2  }
0x97: {  	_ =	strace $0x8FFFFFFF  }
0x98: {  	s19 =	sld [smem:$0x3FDB];
	_ =	sdelay $0x1  }
0x99: {  	s20 =	simm.s32 $_scs_section_size  }
0x9a: {  	s4 =	simm.s32 $_size__tile_overlayer_lowered;
	s5 =	simm.s32 $_tile_overlayer_lowered  }
0x9b: {  	s6 =	simm.s32 $0x1BFF;
	s21 =	sshll.u32 s5, $0x1;
	s3 =	sadd.s32 s20, s19  }
0x9c: {  	s22 =	simm.s32 $0x0;
	s4 =	sshll.u32 s4, $0x1;
	s5 =	sadd.s32 s21, s3  }
0x9d: {  	[timem:s22], [sflag:s6] =	dma.local [hbm:s5], s4  }
0x9e: {  	_ =	swait.ge [sflag:s6], s4  }
0x9f: {  	s4 =	ssub.s32 $0x0, s4;
	[sflag:s6] =	ssyncset.done $0x0  }
0xa0: {  	[sflag:s6] =	ssyncadd.s32 s4;
	_ =	sdelay $0x1  }
0xa1: {  	s23 =	simm.s32 $0x1B8B  }
0xa2: {  	_ =	swait.ge [sflag:s23], $0x1  }
0xa3: {  	[sflag:s23] =	ssyncset.done $0x0  }
0xa4: {  	[sflag:s23] =	ssyncadd.s32 $0xFFFFFFFF  }
0xa5: {  	s4 =	sld [smem:$0x0]  }
0xa6: {  	s5 =	sand.u32 $0xFFFFFFFE, s1  }
0xa7: {  	p0 =	sne.s32 s1, s5  }
0xa8: {  	s5 =	sshll.u32 @p0 s5, $0xE  }
0xa9: {  	s5 =	sadd.s32 @p0 $0x11B8D, s5;
	s6 =	sshll.u32 @p0 s4, $0x11  }
0xaa: {  	s5 =	sor.u32 @p0 s6, s5  }
0xab: {  	[sflag:s5] =	ssyncadd.remote.s32 @p0 $0x1;
	_ =	sdelay $0x1  }
0xac: {  	s5 =	simm.s32 @p0 $0x1B8D  }
0xad: {  	_ =	swait.eq @p0 [sflag:s5], $0x1  }
0xae: {  	[sflag:s5] =	ssyncadd.s32 @p0 $0xFFFFFFFF  }
0xaf: {  	s6 =	sshll.u32 @!p0 s1, $0xE  }
0xb0: {  	s6 =	sor.u32 @!p0 $0x4000, s6;
	s5 =	simm.s32 @!p0 $0x1B8D  }
0xb1: {  	s4 =	sshll.u32 @!p0 s4, $0x11;
	s6 =	sadd.s32 @!p0 $0x11B8D, s6;
	_ =	swait.eq @!p0 [sflag:s5], $0x1  }
0xb2: {  	s4 =	sor.u32 @!p0 s4, s6;
	[sflag:s5] =	ssyncadd.s32 @!p0 $0xFFFFFFFF  }
0xb3: {  	s25 =	simm.s32 $0x1B8E;
	s24 =	sld [smem:$0x3FFE];
	[sflag:s4] =	ssyncadd.remote.s32 @!p0 $0x1  }
0xb4: {  	s26 =	simm.s32 $execute0_lowered;
	[smem:$0x3FD2] =	sst s25  }
0xb5: {  	s5 =	sshll.u32 s26, $0x1;
	_ =	strace $0x80000049;
	[dreg:$0x1] =	wrdreg $0xFFFFFFFF  }
0xb6: {  	s28 =	simm.s32 $_size_execute0_lowered;
	s3 =	sadd.s32 s3, s5;
	[dreg:$0x0] =	wrdreg $0x0  }
0xb7: {  	s5 =	sshll.u32 s28, $0x1;
	[dreg:$0x2] =	wrdreg s3  }
0xb8: {  	[dreg:$0x3] =	wrdreg s5  }
0xb9: {  	[dreg:$0x4] =	wrdreg $0xC0  }
0xba: {  	_ =	task [dreg:s22], $0x5FFFF  }
0xbb: {  	[dreg:$0x1] =	wrdreg $0xFFFFFFFF  }
0xbc: {  	[dreg:$0x0] =	wrdreg $0x60  }
0xbd: {  	[dreg:$0x2] =	wrdreg s24  }
0xbe: {  	[dreg:$0x3] =	wrdreg $0x52000  }
0xbf: {  	[dreg:$0x4] =	wrdreg $0xA  }
0xc0: {  	_ =	task.clear_ibuf [dreg:s22], $0x5FFFF;
	_ =	strace $0x90000049  }
0xc1: {  	s29 =	simm.s32 $0xA;
	_ =	strace $0x8000004B  }
0xc2: {  	_ =	swait.ge [sflag:s29], $0x1  }
0xc3: {  	[sflag:s29] =	ssyncadd.s32 $0xFFFFFFFF  }
0xc4: {  	_ =	strace $0x9000004B  }
0xc5: {  	_ =	sfence  }
0xc6: {  	s30 =	sld [smem:$0x0];
	_ =	sdelay $0x2  }
0xc7: {  	s31 =	sshll.u32 s1, $0xD;
	s1 =	sshrl.u32 s1, $0x2  }
0xc8: {  	s4 =	sand.u32 $0x4000, s31;
	s1 =	sadd.s32 s1, s30  }
0xc9: {  	s0 =	sor.u32 s4, s0;
	s1 =	sshll.u32 s1, $0x11  }
0xca: {  	s0 =	sor.u32 s1, s0  }
0xcb: {  	s0 =	sadd.s32 $0x8F2B, s0  }
0xcc: {  	[sflag:s0] =	ssyncadd.remote.s32 $0x1  }
0xcd: {  	_ =	sfence.sel $0xFFFF  }
0xce: {  	[dreg:$0x0] =	wrdreg $0xFFFFFFFF;
	(pc) =	sbr.abs _section_cstart, $3  }
0xcf: {  	[dreg:$0x1] =	wrdreg $0xFFFFFFFF  }
0xd0: {  	_ =	task.clear_ibuf [dreg:s22], $0x2FFFF;
	_ =	strace $0x9FFFFFFF  }
0xd1: {  	(tm) =	ssettm $0x7FFFFFFF  }
tec
execute0_lowered:
.L_overlay_start_1:
0x0: {  	(tag) =	ssettag $0x1  }
0x1: {  	s0 =	rddreg [dreg:$0x0]  }
0x2: {  	s1 =	rddreg [dreg:$0x1]  }
0x3: {  	s3 =	simm.s32 $0x0;
	s2 =	srdreg.scid;
	s13 =	stileid.u32  }
0x4: {  	s9 =	simm.s32 $0x7E;
	s28 =	simm.s32 $0x1;
	s29 =	simm.s32 $0x2  }
0x5: {  	s30 =	simm.s32 $0x3;
	s31 =	simm.s32 $0x4;
	[smem:$0x7FF] =	sst s3  }
0x6: {  	s2 =	sand.u32 $0x1, s2;
	s8 =	smul.u32 $0x14000, s13;
	s4 =	sadd.s32 $0x6B000, s0  }
0x7: {  	s5 =	sadd.s32 $0x4400, s0;
	s6 =	sadd.s32 $0xE200, s0;
	s12 =	smul.u32 $0x50000, s13  }
0x8: {  	s14 =	sadd.s32 $0x18800, s0;
	s21 =	sshll.u32 s13, $0x6;
	s7 =	smul.u32 $0x140000, s2  }
0x9: {  	p0 =	seq.s32 s2, $0x0;
	_ =	strace $0x8000004A;
	s11 =	smul.u32 $0x27600, s2  }
0xa: {  	s2 =	ssub.s32 $0x2, s2;
	[dreg:$0x3] =	wrdreg s14;
	s9 =	simm.s32 @!p0 $0x7C  }
0xb: {  	s17 =	sshrl.u32 s2, $0x1;
	s20 =	sshrl.u32 s12, $0x2;
	s10 =	smul.u32 s9, s13  }
0xc: {  	s7 =	sadd.s32 s8, s7;
	s2 =	ssub.s32 s2, s17;
	s19 =	sadd.s32 s20, s1  }
0xd: {  	s8 =	sor.u32 $0x1C05, s21;
	s9 =	sshrl.u32 s9, $0x1;
	s20 =	simm.s32 $0x5  }
0xe: {  	s21 =	simm.s32 $0x100;
	s7 =	sshrl.u32 s7, $0x3;
	s16 =	smul.u32 $0x50, s10  }
0xf: {  	s14 =	smax.u32 s2, $0x1;
	s15 =	sadd.s32 $0xFFFFFFFF, s9;
	s0 =	sadd.s32 s7, s0  }
0x10: {  	s19 =	sshrl.u32 s19, $0x3;
	s13 =	sadd.s32 $0x92200, s0;
	s18 =	sadd.s32 s11, s16  }
0x11: {  	s22 =	sshrl.u32 s18, $0x3;
	s26 =	sadd.s32 $0xF0, s18;
	s16 =	sadd.s32 $0xA0, s18  }
0x12: {  	s23 =	sadd.s32 s5, s22;
	s24 =	sadd.s32 s6, s22;
	s10 =	sadd.s32 $0xA, s22  }
0x13: {  	s0 =	sshrl.u32 s26, $0x3;
	s22 =	simm.s32 $0x80;
	[dreg:$0x4] =	wrdreg s23  }
0x14: {  	s26 =	simm.s32 $0x2A00;
	[dreg:$0x5] =	wrdreg s24;
	s25 =	sadd.s32 s5, s10  }
0x15: {  	s10 =	sadd.s32 s6, s10;
	s17 =	sadd.s32 s0, s6;
	s18 =	sadd.s32 s0, s5  }
0x16: {  	s23 =	simm.s32 $0x180;
	s24 =	simm.s32 $0x50;
	[dreg:$0x6] =	wrdreg s25  }
0x17: {  	s0 =	simm.s32 $0x0;
	[dreg:$0x7] =	wrdreg s10;
	s25 =	simm.s32 $0x200  }
.LBB2_1:
0x18: {  	s2 =	rddreg [dreg:$0x3]  }
0x19: {  	[spmem:s19], [sflag:s8] =	dma.local [hbm:s2], $0x2800  }
0x1a: {  	_ =	swait.ge [sflag:s20], $0x2800  }
0x1b: {  	[sflag:s20] =	ssyncset.done $0x0  }
0x1c: {  	s7 =	rddreg [dreg:$0x4];
	[sflag:s20] =	ssyncadd.s32 $0xFFFFD800  }
0x1d: {  	[tilespmem:s3], [sflag:$0x5] =	stream.linear.gather [hbm4b:s7+s3], $0x50, $0x38;
	[tilespmem:$0x19200] =	vst v63  }
0x1e: {  	_ =	swait.ge [sflag:s20], $0x50  }
0x1f: {  	[sflag:s20] =	ssyncset.done $0x0  }
0x20: {  	s9 =	rddreg [dreg:$0x5];
	[sflag:s20] =	ssyncadd.s32 $0xFFFFFFB0  }
0x21: {  	[tilespmem:s21], [sflag:$0x5] =	stream.linear.gather [hbm4b:s9+s3], $0x50, $0x38;
	[tilespmem:$0x19200] =	vst v63  }
0x22: {  	_ =	swait.ge [sflag:s20], $0x50  }
0x23: {  	[sflag:s20] =	ssyncset.done $0x0  }
0x24: {  	s10 =	rddreg [dreg:$0x6];
	[sflag:s20] =	ssyncadd.s32 $0xFFFFFFB0  }
0x25: {  	[tilespmem:s22], [sflag:$0x5] =	stream.linear.gather [hbm4b:s10+s3], $0x50, $0x38;
	[tilespmem:$0x19200] =	vst v63  }
0x26: {  	_ =	swait.ge [sflag:s20], $0x50  }
0x27: {  	[sflag:s20] =	ssyncset.done $0x0  }
0x28: {  	s11 =	rddreg [dreg:$0x7];
	[sflag:s20] =	ssyncadd.s32 $0xFFFFFFB0  }
0x29: {  	[tilespmem:s23], [sflag:$0x5] =	stream.linear.gather [hbm4b:s11+s3], $0x50, $0x38;
	[tilespmem:$0x19200] =	vst v63  }
0x2a: {  	_ =	swait.ge [sflag:s20], $0x50  }
0x2b: {  	[sflag:s20] =	ssyncset.done $0x0  }
0x2c: {  	[sflag:s20] =	ssyncadd.s32 $0xFFFFFFB0  }
0x2d: {  	[bflag:$0x0] =	sbarrier.arrive $0xFFFF  }
0x2e: {  	[tilespmem:s25], [sflag:$0x1] =	stream.indirect.gather [hbm4b:s4+s24], $0x80, s3, s24, $0xb8;
	[tilespmem:$0x19200] =	vst v63  }
0x2f: {  	_ = 	snop  }
0x30: {  	[tilespmem:s26], [sflag:$0x2] =	stream.indirect.gather [hbm4b:s4+s24], $0x80, s22, s24, $0xb8;
	[tilespmem:$0x19200] =	vst v63  }
0x31: {  	_ =	swait.ge [sflag:s28], $0x2800  }
0x32: {  	[sflag:s28] =	ssyncset.done $0x0  }
0x33: {  	[sflag:s28] =	ssyncadd.s32 $0xFFFFD800  }
0x34: {  	[spmem:s1] =	stream.indirect.scatter.add.f32 [tilespmem:s25], [sflag:$0x5], $0x80, s21, s24, $0xb8;
	[tilespmem:$0x19200] =	vst v63  }
0x35: {  	_ =	swait.ge [sflag:s20], $0x2800  }
0x36: {  	s12 =	sshrl.u32 s16, $0x3;
	[sflag:s20] =	ssyncset.done $0x0  }
0x37: {  	s7 =	sadd.s32 s5, s12;
	[sflag:s20] =	ssyncadd.s32 $0xFFFFD800  }
0x38: {  	[tilespmem:s3], [sflag:$0x3] =	stream.linear.gather [hbm4b:s7+s3], $0x50, $0x38;
	[tilespmem:$0x19200] =	vst v63  }
0x39: {  	s2 =	sadd.s32 s6, s12  }
0x3a: {  	[tilespmem:s21], [sflag:$0x3] =	stream.linear.gather [hbm4b:s2+s3], $0x50, $0x38;
	[tilespmem:$0x19200] =	vst v63  }
0x3b: {  	_ =	swait.ge [sflag:s29], $0x2800  }
0x3c: {  	[sflag:s29] =	ssyncset.done $0x0  }
0x3d: {  	[sflag:s29] =	ssyncadd.s32 $0xFFFFD800  }
0x3e: {  	[spmem:s1] =	stream.indirect.scatter.add.f32 [tilespmem:s26], [sflag:$0x5], $0x80, s23, s24, $0xb8;
	[tilespmem:$0x19200] =	vst v63  }
0x3f: {  	_ =	swait.ge [sflag:s20], $0x2800  }
0x40: {  	[sflag:s20] =	ssyncset.done $0x0  }
0x41: {  	[sflag:s20] =	ssyncadd.s32 $0xFFFFD800  }
0x42: {  	[tilespmem:s22], [sflag:$0x4] =	stream.linear.gather [hbm4b:s18+s3], $0x50, $0x38;
	[tilespmem:$0x19200] =	vst v63  }
0x43: {  	_ = 	snop  }
0x44: {  	[tilespmem:s23], [sflag:$0x4] =	stream.linear.gather [hbm4b:s17+s3], $0x50, $0x38;
	[tilespmem:$0x19200] =	vst v63  }
0x45: {  	_ =	swait.ge [sflag:s30], $0x50  }
0x46: {  	[sflag:s30] =	ssyncset.done $0x0  }
0x47: {  	[sflag:s30] =	ssyncadd.s32 $0xFFFFFFB0  }
0x48: {  	_ =	swait.ge [sflag:s30], $0x50  }
0x49: {  	[sflag:s30] =	ssyncset.done $0x0  }
0x4a: {  	[sflag:s30] =	ssyncadd.s32 $0xFFFFFFB0  }
0x4b: {  	[tilespmem:s25], [sflag:$0x1] =	stream.indirect.gather [hbm4b:s4+s24], $0x80, s3, s24, $0xb8;
	[tilespmem:$0x19200] =	vst v63  }
0x4c: {  	p0 =	sne.s32 s15, $0x1;
	_ =	swait.ge [sflag:s31], $0x50  }
.Ltmp0:
0x4d: {  	[sflag:s31] =	ssyncset.done $0x0;
	(pc) =	sbr.rel @!p0 .LBB2_3-.Ltmp0, $4  }
0x4e: {  	[sflag:s31] =	ssyncadd.s32 $0xFFFFFFB0  }
0x4f: {  	_ =	swait.ge [sflag:s31], $0x50  }
0x50: {  	s9 =	sadd.s32 $0xA0, s16;
	s10 =	sadd.s32 $0x14, s17;
	[sflag:s31] =	ssyncset.done $0x0  }
0x51: {  	s7 =	sadd.s32 $0x14, s18;
	s2 =	sadd.s32 $0xFFFFFFFF, s15;
	[sflag:s31] =	ssyncadd.s32 $0xFFFFFFB0  }
.LBB2_2:
0x52: {  	[tilespmem:s26], [sflag:$0x2] =	stream.indirect.gather [hbm4b:s4+s24], $0x80, s22, s24, $0xb8;
	[tilespmem:$0x19200] =	vst v63  }
0x53: {  	p0 =	sne.s32 s2, $0x1;
	s2 =	sadd.s32 $0xFFFFFFFF, s2;
	_ =	swait.ge [sflag:s28], $0x2800  }
0x54: {  	[sflag:s28] =	ssyncset.done $0x0  }
0x55: {  	[sflag:s28] =	ssyncadd.s32 $0xFFFFD800  }
0x56: {  	[spmem:s1] =	stream.indirect.scatter.add.f32 [tilespmem:s25], [sflag:$0x5], $0x80, s21, s24, $0xb8;
	[tilespmem:$0x19200] =	vst v63  }
0x57: {  	_ =	swait.ge [sflag:s20], $0x2800  }
0x58: {  	s11 =	sshrl.u32 s9, $0x3;
	[sflag:s20] =	ssyncset.done $0x0  }
0x59: {  	s12 =	sadd.s32 s5, s11;
	[sflag:s20] =	ssyncadd.s32 $0xFFFFD800  }
0x5a: {  	[tilespmem:s3], [sflag:$0x3] =	stream.linear.gather [hbm4b:s12+s3], $0x50, $0x38;
	[tilespmem:$0x19200] =	vst v63  }
0x5b: {  	s11 =	sadd.s32 s6, s11  }
0x5c: {  	[tilespmem:s21], [sflag:$0x3] =	stream.linear.gather [hbm4b:s11+s3], $0x50, $0x38;
	[tilespmem:$0x19200] =	vst v63  }
0x5d: {  	_ =	swait.ge [sflag:s29], $0x2800  }
0x5e: {  	[sflag:s29] =	ssyncset.done $0x0  }
0x5f: {  	[sflag:s29] =	ssyncadd.s32 $0xFFFFD800  }
0x60: {  	[spmem:s1] =	stream.indirect.scatter.add.f32 [tilespmem:s26], [sflag:$0x5], $0x80, s23, s24, $0xb8;
	[tilespmem:$0x19200] =	vst v63  }
0x61: {  	_ =	swait.ge [sflag:s20], $0x2800  }
0x62: {  	[sflag:s20] =	ssyncset.done $0x0  }
0x63: {  	[sflag:s20] =	ssyncadd.s32 $0xFFFFD800  }
0x64: {  	[tilespmem:s22], [sflag:$0x4] =	stream.linear.gather [hbm4b:s7+s3], $0x50, $0x38;
	[tilespmem:$0x19200] =	vst v63  }
0x65: {  	_ = 	snop  }
0x66: {  	[tilespmem:s23], [sflag:$0x4] =	stream.linear.gather [hbm4b:s10+s3], $0x50, $0x38;
	[tilespmem:$0x19200] =	vst v63  }
0x67: {  	_ =	swait.ge [sflag:s30], $0x50  }
0x68: {  	[sflag:s30] =	ssyncset.done $0x0  }
0x69: {  	[sflag:s30] =	ssyncadd.s32 $0xFFFFFFB0  }
0x6a: {  	_ =	swait.ge [sflag:s30], $0x50  }
0x6b: {  	[sflag:s30] =	ssyncset.done $0x0  }
0x6c: {  	[sflag:s30] =	ssyncadd.s32 $0xFFFFFFB0  }
0x6d: {  	[tilespmem:s25], [sflag:$0x1] =	stream.indirect.gather [hbm4b:s4+s24], $0x80, s3, s24, $0xb8;
	[tilespmem:$0x19200] =	vst v63  }
0x6e: {  	_ =	swait.ge [sflag:s31], $0x50  }
.Ltmp1:
0x6f: {  	[sflag:s31] =	ssyncset.done $0x0;
	(pc) =	sbr.rel @p0 .LBB2_2-.Ltmp1, $4  }
0x70: {  	[sflag:s31] =	ssyncadd.s32 $0xFFFFFFB0  }
0x71: {  	_ =	swait.ge [sflag:s31], $0x50  }
0x72: {  	s7 =	sadd.s32 $0x14, s7;
	[sflag:s31] =	ssyncset.done $0x0  }
0x73: {  	s9 =	sadd.s32 $0xA0, s9;
	s10 =	sadd.s32 $0x14, s10;
	[sflag:s31] =	ssyncadd.s32 $0xFFFFFFB0  }
.LBB2_3:
0x74: {  	[tilespmem:s26], [sflag:$0x2] =	stream.indirect.gather [hbm4b:s4+s24], $0x80, s22, s24, $0xb8;
	[tilespmem:$0x19200] =	vst v63  }
0x75: {  	_ =	swait.ge [sflag:s28], $0x2800  }
0x76: {  	[sflag:s28] =	ssyncset.done $0x0  }
0x77: {  	[sflag:s28] =	ssyncadd.s32 $0xFFFFD800  }
0x78: {  	[spmem:s1] =	stream.indirect.scatter.add.f32 [tilespmem:s25], [sflag:$0x5], $0x80, s21, s24, $0xb8;
	[tilespmem:$0x19200] =	vst v63  }
0x79: {  	_ =	swait.ge [sflag:s20], $0x2800  }
0x7a: {  	[sflag:s20] =	ssyncset.done $0x0  }
0x7b: {  	[sflag:s20] =	ssyncadd.s32 $0xFFFFD800  }
0x7c: {  	_ =	swait.ge [sflag:s29], $0x2800  }
0x7d: {  	[sflag:s29] =	ssyncset.done $0x0  }
0x7e: {  	[sflag:s29] =	ssyncadd.s32 $0xFFFFD800  }
0x7f: {  	[spmem:s1] =	stream.indirect.scatter.add.f32 [tilespmem:s26], [sflag:$0x5], $0x80, s23, s24, $0xb8;
	[tilespmem:$0x19200] =	vst v63  }
0x80: {  	_ =	swait.ge [sflag:s20], $0x2800  }
0x81: {  	s0 =	sadd.s32 $0x1, s0;
	[sflag:s20] =	ssyncset.done $0x0  }
0x82: {  	p0 =	sne.s32 s0, s14;
	[sflag:s20] =	ssyncadd.s32 $0xFFFFD800  }
.Ltmp2:
0x83: {  	[bflag:$0x0] =	sbarrier.arrive $0xFFFF;
	(pc) =	sbr.rel @p0 .LBB2_1-.Ltmp2, $4  }
0x84: {  	[hbm:s13], [sflag:s8] =	dma.local [spmem:s19], $0x2800  }
0x85: {  	_ =	swait.ge [sflag:s20], $0x2800  }
0x86: {  	[sflag:s20] =	ssyncset.done $0x0  }
0x87: {  	[sflag:s20] =	ssyncadd.s32 $0xFFFFD800  }
0x88: {  	_ =	sfence.sel $0x180000  }
0x89: {  	[bflag:$0x0] =	sbarrier.arrive $0xFFFF  }
0x8a: {  	_ =	strace $0x9000004A  }
0x8b: {  	s0 =	stileid.u32;
	[bflag:$0x2] =	sbarrier.arrive $0xFFFF  }
0x8c: {  	p0 =	sne.s32 s0, $0x0;
	s0 =	rddreg [dreg:$0x2]  }
0x8d: {  	s0 =	sadd.s32 @!p0 $0x100000, s0  }
0x8e: {  	[sflag:s0] =	ssyncadd.tile.s32 @!p0 $0x1;
	_ =	shalt  }
.Lfunc_end2:
_tile_overlayer_lowered:
.L_overlay_start_2:
0x8f: {  	(tag) =	ssettag $0x2  }
0x90: {  	s0 =	rddreg [dreg:$0x0];
	s2 =	stileid.u32  }
0x91: {  	s1 =	rddreg [dreg:$0x1];
	p0 =	sne.s32 s2, $0x0  }
0x92: {  	s3 =	rddreg [dreg:$0x2];
	[bflag:$0x3] =	sbarrier.arrive $0xFFFF;
	s2 =	simm.s32 @!p0 $0x1C05  }
0x93: {  	[timem:s3], [sflag:s2] =	dma.local @!p0 [hbm:s0], s1  }
0x94: {  	s0 =	simm.s32 @!p0 $0x5  }
0x95: {  	_ =	swait.ge @!p0 [sflag:s0], s1  }
0x96: {  	s1 =	ssub.s32 @!p0 $0x0, s1;
	[sflag:s0] =	ssyncset.done @!p0 $0x0  }
0x97: {  	[sflag:s0] =	ssyncadd.s32 @!p0 s1  }
0x98: {  	[bflag:$0x3] =	sbarrier.arrive $0xFFFF  }
0x99: {  	_ =	shalt  }

// kernel: kernel.18.cloned.1.call-start
scs
__scs_entry_jumppad:
0x0: {  	(pc) =	sbr.rel $0x88, $3  }
0x1: {  	(tag) =	ssettag $0x0;
	lr =	simm.s32 $0x1  }
0x2: {  	[smem:$0x3F91] =	sst lr;
	_ =	strace $0xD0000000  }
0x3: {  	_ = 	snop  }
0x4: {  	_ = 	snop  }
0x5: {  	_ = 	snop  }
0x6: {  	_ = 	snop  }
0x7: {  	_ = 	snop  }
__scs_overlays_trampoline_lowered:
0x8: {  	[smem:$0x3FA0] =	sst s0  }
0x9: {  	[smem:$0x3FA1] =	sst s1  }
0xa: {  	[smem:$0x3FA2] =	sst s2  }
0xb: {  	[smem:$0x3FA3] =	sst s3  }
0xc: {  	[smem:$0x3FA4] =	sst s4  }
0xd: {  	[smem:$0x3FA5] =	sst s5  }
0xe: {  	[smem:$0x3FA6] =	sst s6  }
0xf: {  	[smem:$0x3FA7] =	sst s7  }
0x10: {  	[smem:$0x3FA8] =	sst s8  }
0x11: {  	[smem:$0x3FA9] =	sst s9;
	s0 =	simm.s32 @!p0 $0x0  }
0x12: {  	s1 =	sld [smem:$0x3F8F];
	s0 =	simm.s32 @p0 $0x1  }
0x13: {  	[smem:$0x3FAA] =	sst s0;
	s0 =	simm.s32 @!p1 $0x0  }
0x14: {  	s2 =	sld [smem:$0x3F8E];
	s0 =	simm.s32 @p1 $0x1  }
0x15: {  	[smem:$0x3FAB] =	sst s0;
	s0 =	simm.s32 @!p2 $0x0  }
0x16: {  	s3 =	sld [smem:$0x3FDB];
	s0 =	simm.s32 @p2 $0x1  }
0x17: {  	s4 =	simm.s32 $0x1BF5;
	[smem:$0x3FAD] =	sst s0  }
0x18: {  	s0 =	sld [smem:$0x3F90];
	_ =	swait.ge [sflag:s4], $0x0  }
0x19: {  	s7 =	sld [smem:$0x3F91]  }
0x1a: {  	s8 =	sadd.s32 $0xFFFFE003, lr  }
0x1b: {  	s9 =	sadd.s32 $0xFFFFFEF7, lr;
	s5 =	simm.s32 $0xFFFFFFFF;
	p2 =	slt.u32 s8, $0xFFFFF086  }
0x1c: {  	p1 =	slt.u32 s9, $0xF7A;
	s5 =	simm.s32 @!p2 $0x0  }
0x1d: {  	s5 =	simm.s32 @p1 $0x1;
	p0 =	seq.s32 s7, s2  }
0x1e: {  	s7 =	smul.u32 @!p0 $0xF7A, s2;
	p2 =	seq.s32 @!p0 s5, $0x0  }
0x1f: {  	s9 =	smul.u32 $0xF7A, s1;
	s8 =	simm.s32 @!p0 $0x1BF5;
	p2 =	por !p2, p0  }
0x20: {  	[sflag:s8] =	ssyncset.s32 @!p0 $0xFFFFF086;
	s6 =	sadd.s32 @!p0 s3, s7;
	s7 =	simm.s32 @!p0 $0x108  }
0x21: {  	s3 =	sadd.s32 s3, s9;
	s6 =	sadd.s32 @!p0 $0x88, s6;
	s7 =	simm.s32 @p2 $0x1082  }
0x22: {  	[simem:s7], [sflag:s8] =	dma.local @!p0 [hbm:s6], $0xF7A  }
0x23: {  	s9 =	sor.u32 $0xD0000000, s2;
	s6 =	simm.s32 $0x108;
	_ =	swait.ge @!p0 [sflag:s8], $0x0  }
0x24: {  	s3 =	sadd.s32 $0x88, s3;
	s6 =	simm.s32 @!p1 $0x1082;
	[sflag:s4] =	ssyncset.s32 $0xFFFFF086  }
0x25: {  	[simem:s6], [sflag:s4] =	dma.local [hbm:s3], $0xF7A  }
0x26: {  	[smem:$0x3F91] =	sst s1;
	(tag) =	ssettag s2;
	_ =	strace s9  }
0x27: {  	s1 =	sld [smem:$0x3FA1]  }
0x28: {  	s2 =	sld [smem:$0x3FA2]  }
0x29: {  	s4 =	sld [smem:$0x3FA4]  }
0x2a: {  	p0 =	seq.s32 s5, $0x0;
	s5 =	sld [smem:$0x3FA5]  }
0x2b: {  	s6 =	sld [smem:$0x3FA6]  }
0x2c: {  	s7 =	sld [smem:$0x3FA7]  }
0x2d: {  	s3 =	simm.s32 $0x108;
	s8 =	sld [smem:$0x3FA8]  }
0x2e: {  	s3 =	simm.s32 @!p0 $0x1082;
	s9 =	sld [smem:$0x3FA9]  }
0x2f: {  	lr =	sadd.s32 s0, s3;
	s0 =	sld [smem:$0x3FA0]  }
0x30: {  	s3 =	sld [smem:$0x3FA3]  }
0x31: {  	[smem:$0x3FAC] =	sst s10  }
0x32: {  	s10 =	sld [smem:$0x3FAA];
	_ =	sdelay $0x3  }
0x33: {  	p0 =	seq.s32 s10, $0x1;
	s10 =	sld [smem:$0x3FAC];
	_ =	sdelay $0x3  }
0x34: {  	[smem:$0x3FAC] =	sst s10  }
0x35: {  	s10 =	sld [smem:$0x3FAB];
	_ =	sdelay $0x3  }
0x36: {  	p1 =	seq.s32 s10, $0x1;
	s10 =	sld [smem:$0x3FAC];
	_ =	sdelay $0x3  }
0x37: {  	[smem:$0x3FAC] =	sst s10  }
0x38: {  	s10 =	sld [smem:$0x3FAD]  }
0x39: {  	_ = 	snop;
	(pc) =	sbr.ind lr, $3  }
0x3a: {  	_ = 	snop  }
0x3b: {  	_ = 	snop  }
0x3c: {  	p2 =	seq.s32 s10, $0x1;
	s10 =	sld [smem:$0x3FAC]  }
0x3d: {  	_ =	shalt  }
0x3e: {  	_ =	shalt  }
0x3f: {  	_ =	shalt  }
0x40: {  	_ =	shalt  }
0x41: {  	_ =	shalt  }
0x42: {  	_ =	shalt  }
0x43: {  	_ =	shalt  }
0x44: {  	_ =	shalt  }
0x45: {  	_ =	shalt  }
0x46: {  	_ =	shalt  }
0x47: {  	_ =	shalt  }
0x48: {  	_ =	shalt  }
0x49: {  	_ =	shalt  }
0x4a: {  	_ =	shalt  }
0x4b: {  	_ =	shalt  }
0x4c: {  	_ =	shalt  }
0x4d: {  	_ =	shalt  }
0x4e: {  	_ =	shalt  }
0x4f: {  	_ =	shalt  }
0x50: {  	_ =	shalt  }
0x51: {  	_ =	shalt  }
0x52: {  	_ =	shalt  }
0x53: {  	_ =	shalt  }
0x54: {  	_ =	shalt  }
0x55: {  	_ =	shalt  }
0x56: {  	_ =	shalt  }
0x57: {  	_ =	shalt  }
0x58: {  	_ =	shalt  }
0x59: {  	_ =	shalt  }
0x5a: {  	_ =	shalt  }
0x5b: {  	_ =	shalt  }
0x5c: {  	_ =	shalt  }
0x5d: {  	_ =	shalt  }
0x5e: {  	_ =	shalt  }
0x5f: {  	_ =	shalt  }
0x60: {  	_ =	shalt  }
0x61: {  	_ =	shalt  }
0x62: {  	_ =	shalt  }
0x63: {  	_ =	shalt  }
0x64: {  	_ =	shalt  }
0x65: {  	_ =	shalt  }
0x66: {  	_ =	shalt  }
0x67: {  	_ =	shalt  }
0x68: {  	_ =	shalt  }
0x69: {  	_ =	shalt  }
0x6a: {  	_ =	shalt  }
0x6b: {  	_ =	shalt  }
0x6c: {  	_ =	shalt  }
0x6d: {  	_ =	shalt  }
0x6e: {  	_ =	shalt  }
0x6f: {  	_ =	shalt  }
0x70: {  	_ =	shalt  }
0x71: {  	_ =	shalt  }
0x72: {  	_ =	shalt  }
0x73: {  	_ =	shalt  }
0x74: {  	_ =	shalt  }
0x75: {  	_ =	shalt  }
0x76: {  	_ =	shalt  }
0x77: {  	_ =	shalt  }
0x78: {  	_ =	shalt  }
0x79: {  	_ =	shalt  }
0x7a: {  	_ =	shalt  }
0x7b: {  	_ =	shalt  }
0x7c: {  	_ =	shalt  }
0x7d: {  	_ =	shalt  }
0x7e: {  	_ =	shalt  }
0x7f: {  	_ =	shalt  }
0x80: {  	_ =	shalt  }
0x81: {  	_ =	shalt  }
0x82: {  	_ =	shalt  }
0x83: {  	_ =	shalt  }
0x84: {  	_ =	shalt  }
0x85: {  	_ =	shalt  }
0x86: {  	_ =	shalt  }
0x87: {  	_ =	shalt  }
.Lfunc_end0:
.L_simem_size_0:
called_computation.2_lowered:
.L_overlay_start_0:
0x88: {  	s2 =	sld [smem:$0x3FD9]  }
0x89: {  	s3 =	sld [smem:$0x3FFE];
	_ =	sdelay $0x1  }
0x8a: {  	s1 =	srdreg.scid  }
0x8b: {  	s0 =	sand.u32 $0x1, s1  }
0x8c: {  	s16 =	sshll.u32 s0, $0xA;
	s2 =	sadd.s32 s3, s2  }
0x8d: {  	s2 =	sadd.s32 s2, s16  }
0x8e: {  	[smem:$0x3FB8] =	sst s2  }
0x8f: {  	_ = 	snop  }
0x90: {  	(tm) =	ssettm $0x1  }
0x91: {  	s17 =	sld [smem:$0x3FFB];
	_ =	sdelay $0x3  }
0x92: {  	_ =	strace s17  }
0x93: {  	s2 =	sld [smem:$0x3FFC];
	_ =	sdelay $0x3  }
0x94: {  	_ =	strace s2  }
0x95: {  	s2 =	sld [smem:$0x3FFD];
	_ =	sdelay $0x3  }
0x96: {  	_ =	strace s2  }
0x97: {  	_ =	strace $0x8FFFFFFF  }
0x98: {  	s18 =	sld [smem:$0x3FDB];
	_ =	sdelay $0x1  }
0x99: {  	s19 =	simm.s32 $_scs_section_size  }
0x9a: {  	s4 =	simm.s32 $_size__tile_overlayer_lowered;
	s5 =	simm.s32 $_tile_overlayer_lowered  }
0x9b: {  	s22 =	simm.s32 $0x1BFF;
	s21 =	sshll.u32 s5, $0x1;
	s2 =	sadd.s32 s19, s18  }
0x9c: {  	s6 =	simm.s32 $0x0;
	s20 =	sshll.u32 s4, $0x1;
	s4 =	sadd.s32 s21, s2  }
0x9d: {  	[timem:s6], [sflag:s22] =	dma.local [hbm:s4], s20  }
0x9e: {  	_ =	swait.ge [sflag:s22], s20  }
0x9f: {  	s3 =	ssub.s32 $0x0, s20;
	[sflag:s22] =	ssyncset.done $0x0  }
0xa0: {  	[sflag:s22] =	ssyncadd.s32 s3;
	_ =	sdelay $0x1  }
0xa1: {  	s23 =	simm.s32 $0x1B8B  }
0xa2: {  	_ =	swait.ge [sflag:s23], $0x1  }
0xa3: {  	[sflag:s23] =	ssyncset.done $0x0  }
0xa4: {  	s25 =	simm.s32 $0x1B8E;
	s24 =	sld [smem:$0x3FFE];
	[sflag:s23] =	ssyncadd.s32 $0xFFFFFFFF  }
0xa5: {  	s26 =	simm.s32 $execute0_lowered;
	[smem:$0x3FD2] =	sst s25  }
0xa6: {  	s4 =	sshll.u32 s26, $0x1;
	_ =	strace $0x8000004C;
	[dreg:$0x1] =	wrdreg $0xFFFFFFFF  }
0xa7: {  	s28 =	simm.s32 $_size_execute0_lowered;
	s2 =	sadd.s32 s2, s4;
	[dreg:$0x0] =	wrdreg $0x0  }
0xa8: {  	s4 =	sshll.u32 s28, $0x1;
	[dreg:$0x2] =	wrdreg s2  }
0xa9: {  	[dreg:$0x3] =	wrdreg s4  }
0xaa: {  	[dreg:$0x4] =	wrdreg $0xC0  }
0xab: {  	_ =	task [dreg:s6], $0x5FFFF  }
0xac: {  	[dreg:$0x1] =	wrdreg $0xFFFFFFFF  }
0xad: {  	[dreg:$0x0] =	wrdreg $0x60  }
0xae: {  	[dreg:$0x2] =	wrdreg s24  }
0xaf: {  	[dreg:$0x3] =	wrdreg $0x52000  }
0xb0: {  	[dreg:$0x4] =	wrdreg $0x9  }
0xb1: {  	_ =	task.clear_ibuf [dreg:s6], $0x5FFFF;
	_ =	strace $0x9000004C  }
0xb2: {  	s29 =	simm.s32 $0x9;
	_ =	strace $0x8000004E  }
0xb3: {  	_ =	swait.ge [sflag:s29], $0x1  }
0xb4: {  	[sflag:s29] =	ssyncadd.s32 $0xFFFFFFFF  }
0xb5: {  	_ =	strace $0x9000004E  }
0xb6: {  	_ =	sfence  }
0xb7: {  	s30 =	sld [smem:$0x0];
	_ =	sdelay $0x2  }
0xb8: {  	s31 =	sshll.u32 s1, $0xD;
	s1 =	sshrl.u32 s1, $0x2  }
0xb9: {  	s3 =	sand.u32 $0x4000, s31;
	s1 =	sadd.s32 s1, s30  }
0xba: {  	s0 =	sor.u32 s3, s0;
	s1 =	sshll.u32 s1, $0x11  }
0xbb: {  	s0 =	sor.u32 s1, s0  }
0xbc: {  	s0 =	sadd.s32 $0x8F2B, s0  }
0xbd: {  	[sflag:s0] =	ssyncadd.remote.s32 $0x1  }
0xbe: {  	_ =	sfence.sel $0xFFFF  }
0xbf: {  	[dreg:$0x0] =	wrdreg $0xFFFFFFFF;
	(pc) =	sbr.abs _section_cstart, $3  }
0xc0: {  	[dreg:$0x1] =	wrdreg $0xFFFFFFFF  }
0xc1: {  	_ =	task.clear_ibuf [dreg:s6], $0x2FFFF;
	_ =	strace $0x9FFFFFFF  }
0xc2: {  	(tm) =	ssettm $0x7FFFFFFF  }
0xc3: {  	_ =	shalt  }
tec
execute0_lowered:
.L_overlay_start_1:
0x0: {  	(tag) =	ssettag $0x1  }
0x1: {  	s0 =	rddreg [dreg:$0x0]  }
0x2: {  	s1 =	rddreg [dreg:$0x1]  }
0x3: {  	s3 =	simm.s32 $0x0;
	s2 =	srdreg.scid;
	s13 =	stileid.u32  }
0x4: {  	s9 =	simm.s32 $0x7E;
	s28 =	simm.s32 $0x1;
	s29 =	simm.s32 $0x2  }
0x5: {  	s30 =	simm.s32 $0x3;
	s31 =	simm.s32 $0x4;
	[smem:$0x7FF] =	sst s3  }
0x6: {  	s2 =	sand.u32 $0x1, s2;
	s8 =	smul.u32 $0x14000, s13;
	s4 =	sadd.s32 $0x6B000, s0  }
0x7: {  	s5 =	sadd.s32 $0x4400, s0;
	s6 =	sadd.s32 $0xE200, s0;
	s12 =	smul.u32 $0x50000, s13  }
0x8: {  	s14 =	sadd.s32 $0x18800, s0;
	s21 =	sshll.u32 s13, $0x6;
	s7 =	smul.u32 $0x140000, s2  }
0x9: {  	p0 =	seq.s32 s2, $0x0;
	_ =	strace $0x8000004D;
	s11 =	smul.u32 $0x27600, s2  }
0xa: {  	s2 =	ssub.s32 $0x2, s2;
	[dreg:$0x3] =	wrdreg s14;
	s9 =	simm.s32 @!p0 $0x7C  }
0xb: {  	s17 =	sshrl.u32 s2, $0x1;
	s20 =	sshrl.u32 s12, $0x2;
	s10 =	smul.u32 s9, s13  }
0xc: {  	s7 =	sadd.s32 s8, s7;
	s2 =	ssub.s32 s2, s17;
	s19 =	sadd.s32 s20, s1  }
0xd: {  	s8 =	sor.u32 $0x1C05, s21;
	s9 =	sshrl.u32 s9, $0x1;
	s20 =	simm.s32 $0x5  }
0xe: {  	s21 =	simm.s32 $0x100;
	s7 =	sshrl.u32 s7, $0x3;
	s16 =	smul.u32 $0x50, s10  }
0xf: {  	s14 =	smax.u32 s2, $0x1;
	s15 =	sadd.s32 $0xFFFFFFFF, s9;
	s0 =	sadd.s32 s7, s0  }
0x10: {  	s19 =	sshrl.u32 s19, $0x3;
	s13 =	sadd.s32 $0x92200, s0;
	s18 =	sadd.s32 s11, s16  }
0x11: {  	s22 =	sshrl.u32 s18, $0x3;
	s26 =	sadd.s32 $0xF0, s18;
	s16 =	sadd.s32 $0xA0, s18  }
0x12: {  	s23 =	sadd.s32 s5, s22;
	s24 =	sadd.s32 s6, s22;
	s10 =	sadd.s32 $0xA, s22  }
0x13: {  	s0 =	sshrl.u32 s26, $0x3;
	s22 =	simm.s32 $0x80;
	[dreg:$0x4] =	wrdreg s23  }
0x14: {  	s26 =	simm.s32 $0x2A00;
	[dreg:$0x5] =	wrdreg s24;
	s25 =	sadd.s32 s5, s10  }
0x15: {  	s10 =	sadd.s32 s6, s10;
	s17 =	sadd.s32 s0, s6;
	s18 =	sadd.s32 s0, s5  }
0x16: {  	s23 =	simm.s32 $0x180;
	s24 =	simm.s32 $0x50;
	[dreg:$0x6] =	wrdreg s25  }
0x17: {  	s0 =	simm.s32 $0x0;
	[dreg:$0x7] =	wrdreg s10;
	s25 =	simm.s32 $0x200  }
.LBB2_1:
0x18: {  	s2 =	rddreg [dreg:$0x3]  }
0x19: {  	[spmem:s19], [sflag:s8] =	dma.local [hbm:s2], $0x2800  }
0x1a: {  	_ =	swait.ge [sflag:s20], $0x2800  }
0x1b: {  	[sflag:s20] =	ssyncset.done $0x0  }
0x1c: {  	s7 =	rddreg [dreg:$0x4];
	[sflag:s20] =	ssyncadd.s32 $0xFFFFD800  }
0x1d: {  	[tilespmem:s3], [sflag:$0x5] =	stream.linear.gather [hbm4b:s7+s3], $0x50, $0x38;
	[tilespmem:$0x19200] =	vst v63  }
0x1e: {  	_ =	swait.ge [sflag:s20], $0x50  }
0x1f: {  	[sflag:s20] =	ssyncset.done $0x0  }
0x20: {  	s9 =	rddreg [dreg:$0x5];
	[sflag:s20] =	ssyncadd.s32 $0xFFFFFFB0  }
0x21: {  	[tilespmem:s21], [sflag:$0x5] =	stream.linear.gather [hbm4b:s9+s3], $0x50, $0x38;
	[tilespmem:$0x19200] =	vst v63  }
0x22: {  	_ =	swait.ge [sflag:s20], $0x50  }
0x23: {  	[sflag:s20] =	ssyncset.done $0x0  }
0x24: {  	s10 =	rddreg [dreg:$0x6];
	[sflag:s20] =	ssyncadd.s32 $0xFFFFFFB0  }
0x25: {  	[tilespmem:s22], [sflag:$0x5] =	stream.linear.gather [hbm4b:s10+s3], $0x50, $0x38;
	[tilespmem:$0x19200] =	vst v63  }
0x26: {  	_ =	swait.ge [sflag:s20], $0x50  }
0x27: {  	[sflag:s20] =	ssyncset.done $0x0  }
0x28: {  	s11 =	rddreg [dreg:$0x7];
	[sflag:s20] =	ssyncadd.s32 $0xFFFFFFB0  }
0x29: {  	[tilespmem:s23], [sflag:$0x5] =	stream.linear.gather [hbm4b:s11+s3], $0x50, $0x38;
	[tilespmem:$0x19200] =	vst v63  }
0x2a: {  	_ =	swait.ge [sflag:s20], $0x50  }
0x2b: {  	[sflag:s20] =	ssyncset.done $0x0  }
0x2c: {  	[sflag:s20] =	ssyncadd.s32 $0xFFFFFFB0  }
0x2d: {  	[bflag:$0x0] =	sbarrier.arrive $0xFFFF  }
0x2e: {  	[tilespmem:s25], [sflag:$0x1] =	stream.indirect.gather [hbm4b:s4+s24], $0x80, s3, s24, $0xb8;
	[tilespmem:$0x19200] =	vst v63  }
0x2f: {  	_ = 	snop  }
0x30: {  	[tilespmem:s26], [sflag:$0x2] =	stream.indirect.gather [hbm4b:s4+s24], $0x80, s22, s24, $0xb8;
	[tilespmem:$0x19200] =	vst v63  }
0x31: {  	_ =	swait.ge [sflag:s28], $0x2800  }
0x32: {  	[sflag:s28] =	ssyncset.done $0x0  }
0x33: {  	[sflag:s28] =	ssyncadd.s32 $0xFFFFD800  }
0x34: {  	[spmem:s1] =	stream.indirect.scatter.add.f32 [tilespmem:s25], [sflag:$0x5], $0x80, s21, s24, $0xb8;
	[tilespmem:$0x19200] =	vst v63  }
0x35: {  	_ =	swait.ge [sflag:s20], $0x2800  }
0x36: {  	s12 =	sshrl.u32 s16, $0x3;
	[sflag:s20] =	ssyncset.done $0x0  }
0x37: {  	s7 =	sadd.s32 s5, s12;
	[sflag:s20] =	ssyncadd.s32 $0xFFFFD800  }
0x38: {  	[tilespmem:s3], [sflag:$0x3] =	stream.linear.gather [hbm4b:s7+s3], $0x50, $0x38;
	[tilespmem:$0x19200] =	vst v63  }
0x39: {  	s2 =	sadd.s32 s6, s12  }
0x3a: {  	[tilespmem:s21], [sflag:$0x3] =	stream.linear.gather [hbm4b:s2+s3], $0x50, $0x38;
	[tilespmem:$0x19200] =	vst v63  }
0x3b: {  	_ =	swait.ge [sflag:s29], $0x2800  }
0x3c: {  	[sflag:s29] =	ssyncset.done $0x0  }
0x3d: {  	[sflag:s29] =	ssyncadd.s32 $0xFFFFD800  }
0x3e: {  	[spmem:s1] =	stream.indirect.scatter.add.f32 [tilespmem:s26], [sflag:$0x5], $0x80, s23, s24, $0xb8;
	[tilespmem:$0x19200] =	vst v63  }
0x3f: {  	_ =	swait.ge [sflag:s20], $0x2800  }
0x40: {  	[sflag:s20] =	ssyncset.done $0x0  }
0x41: {  	[sflag:s20] =	ssyncadd.s32 $0xFFFFD800  }
0x42: {  	[tilespmem:s22], [sflag:$0x4] =	stream.linear.gather [hbm4b:s18+s3], $0x50, $0x38;
	[tilespmem:$0x19200] =	vst v63  }
0x43: {  	_ = 	snop  }
0x44: {  	[tilespmem:s23], [sflag:$0x4] =	stream.linear.gather [hbm4b:s17+s3], $0x50, $0x38;
	[tilespmem:$0x19200] =	vst v63  }
0x45: {  	_ =	swait.ge [sflag:s30], $0x50  }
0x46: {  	[sflag:s30] =	ssyncset.done $0x0  }
0x47: {  	[sflag:s30] =	ssyncadd.s32 $0xFFFFFFB0  }
0x48: {  	_ =	swait.ge [sflag:s30], $0x50  }
0x49: {  	[sflag:s30] =	ssyncset.done $0x0  }
0x4a: {  	[sflag:s30] =	ssyncadd.s32 $0xFFFFFFB0  }
0x4b: {  	[tilespmem:s25], [sflag:$0x1] =	stream.indirect.gather [hbm4b:s4+s24], $0x80, s3, s24, $0xb8;
	[tilespmem:$0x19200] =	vst v63  }
0x4c: {  	p0 =	sne.s32 s15, $0x1;
	_ =	swait.ge [sflag:s31], $0x50  }
.Ltmp0:
0x4d: {  	[sflag:s31] =	ssyncset.done $0x0;
	(pc) =	sbr.rel @!p0 .LBB2_3-.Ltmp0, $4  }
0x4e: {  	[sflag:s31] =	ssyncadd.s32 $0xFFFFFFB0  }
0x4f: {  	_ =	swait.ge [sflag:s31], $0x50  }
0x50: {  	s9 =	sadd.s32 $0xA0, s16;
	s10 =	sadd.s32 $0x14, s17;
	[sflag:s31] =	ssyncset.done $0x0  }
0x51: {  	s7 =	sadd.s32 $0x14, s18;
	s2 =	sadd.s32 $0xFFFFFFFF, s15;
	[sflag:s31] =	ssyncadd.s32 $0xFFFFFFB0  }
.LBB2_2:
0x52: {  	[tilespmem:s26], [sflag:$0x2] =	stream.indirect.gather [hbm4b:s4+s24], $0x80, s22, s24, $0xb8;
	[tilespmem:$0x19200] =	vst v63  }
0x53: {  	p0 =	sne.s32 s2, $0x1;
	s2 =	sadd.s32 $0xFFFFFFFF, s2;
	_ =	swait.ge [sflag:s28], $0x2800  }
0x54: {  	[sflag:s28] =	ssyncset.done $0x0  }
0x55: {  	[sflag:s28] =	ssyncadd.s32 $0xFFFFD800  }
0x56: {  	[spmem:s1] =	stream.indirect.scatter.add.f32 [tilespmem:s25], [sflag:$0x5], $0x80, s21, s24, $0xb8;
	[tilespmem:$0x19200] =	vst v63  }
0x57: {  	_ =	swait.ge [sflag:s20], $0x2800  }
0x58: {  	s11 =	sshrl.u32 s9, $0x3;
	[sflag:s20] =	ssyncset.done $0x0  }
0x59: {  	s12 =	sadd.s32 s5, s11;
	[sflag:s20] =	ssyncadd.s32 $0xFFFFD800  }
0x5a: {  	[tilespmem:s3], [sflag:$0x3] =	stream.linear.gather [hbm4b:s12+s3], $0x50, $0x38;
	[tilespmem:$0x19200] =	vst v63  }
0x5b: {  	s11 =	sadd.s32 s6, s11  }
0x5c: {  	[tilespmem:s21], [sflag:$0x3] =	stream.linear.gather [hbm4b:s11+s3], $0x50, $0x38;
	[tilespmem:$0x19200] =	vst v63  }
0x5d: {  	_ =	swait.ge [sflag:s29], $0x2800  }
0x5e: {  	[sflag:s29] =	ssyncset.done $0x0  }
0x5f: {  	[sflag:s29] =	ssyncadd.s32 $0xFFFFD800  }
0x60: {  	[spmem:s1] =	stream.indirect.scatter.add.f32 [tilespmem:s26], [sflag:$0x5], $0x80, s23, s24, $0xb8;
	[tilespmem:$0x19200] =	vst v63  }
0x61: {  	_ =	swait.ge [sflag:s20], $0x2800  }
0x62: {  	[sflag:s20] =	ssyncset.done $0x0  }
0x63: {  	[sflag:s20] =	ssyncadd.s32 $0xFFFFD800  }
0x64: {  	[tilespmem:s22], [sflag:$0x4] =	stream.linear.gather [hbm4b:s7+s3], $0x50, $0x38;
	[tilespmem:$0x19200] =	vst v63  }
0x65: {  	_ = 	snop  }
0x66: {  	[tilespmem:s23], [sflag:$0x4] =	stream.linear.gather [hbm4b:s10+s3], $0x50, $0x38;
	[tilespmem:$0x19200] =	vst v63  }
0x67: {  	_ =	swait.ge [sflag:s30], $0x50  }
0x68: {  	[sflag:s30] =	ssyncset.done $0x0  }
0x69: {  	[sflag:s30] =	ssyncadd.s32 $0xFFFFFFB0  }
0x6a: {  	_ =	swait.ge [sflag:s30], $0x50  }
0x6b: {  	[sflag:s30] =	ssyncset.done $0x0  }
0x6c: {  	[sflag:s30] =	ssyncadd.s32 $0xFFFFFFB0  }
0x6d: {  	[tilespmem:s25], [sflag:$0x1] =	stream.indirect.gather [hbm4b:s4+s24], $0x80, s3, s24, $0xb8;
	[tilespmem:$0x19200] =	vst v63  }
0x6e: {  	_ =	swait.ge [sflag:s31], $0x50  }
.Ltmp1:
0x6f: {  	[sflag:s31] =	ssyncset.done $0x0;
	(pc) =	sbr.rel @p0 .LBB2_2-.Ltmp1, $4  }
0x70: {  	[sflag:s31] =	ssyncadd.s32 $0xFFFFFFB0  }
0x71: {  	_ =	swait.ge [sflag:s31], $0x50  }
0x72: {  	s7 =	sadd.s32 $0x14, s7;
	[sflag:s31] =	ssyncset.done $0x0  }
0x73: {  	s9 =	sadd.s32 $0xA0, s9;
	s10 =	sadd.s32 $0x14, s10;
	[sflag:s31] =	ssyncadd.s32 $0xFFFFFFB0  }
.LBB2_3:
0x74: {  	[tilespmem:s26], [sflag:$0x2] =	stream.indirect.gather [hbm4b:s4+s24], $0x80, s22, s24, $0xb8;
	[tilespmem:$0x19200] =	vst v63  }
0x75: {  	_ =	swait.ge [sflag:s28], $0x2800  }
0x76: {  	[sflag:s28] =	ssyncset.done $0x0  }
0x77: {  	[sflag:s28] =	ssyncadd.s32 $0xFFFFD800  }
0x78: {  	[spmem:s1] =	stream.indirect.scatter.add.f32 [tilespmem:s25], [sflag:$0x5], $0x80, s21, s24, $0xb8;
	[tilespmem:$0x19200] =	vst v63  }
0x79: {  	_ =	swait.ge [sflag:s20], $0x2800  }
0x7a: {  	[sflag:s20] =	ssyncset.done $0x0  }
0x7b: {  	[sflag:s20] =	ssyncadd.s32 $0xFFFFD800  }
0x7c: {  	_ =	swait.ge [sflag:s29], $0x2800  }
0x7d: {  	[sflag:s29] =	ssyncset.done $0x0  }
0x7e: {  	[sflag:s29] =	ssyncadd.s32 $0xFFFFD800  }
0x7f: {  	[spmem:s1] =	stream.indirect.scatter.add.f32 [tilespmem:s26], [sflag:$0x5], $0x80, s23, s24, $0xb8;
	[tilespmem:$0x19200] =	vst v63  }
0x80: {  	_ =	swait.ge [sflag:s20], $0x2800  }
0x81: {  	s0 =	sadd.s32 $0x1, s0;
	[sflag:s20] =	ssyncset.done $0x0  }
0x82: {  	p0 =	sne.s32 s0, s14;
	[sflag:s20] =	ssyncadd.s32 $0xFFFFD800  }
.Ltmp2:
0x83: {  	[bflag:$0x0] =	sbarrier.arrive $0xFFFF;
	(pc) =	sbr.rel @p0 .LBB2_1-.Ltmp2, $4  }
0x84: {  	[hbm:s13], [sflag:s8] =	dma.local [spmem:s19], $0x2800  }
0x85: {  	_ =	swait.ge [sflag:s20], $0x2800  }
0x86: {  	[sflag:s20] =	ssyncset.done $0x0  }
0x87: {  	[sflag:s20] =	ssyncadd.s32 $0xFFFFD800  }
0x88: {  	_ =	sfence.sel $0x180000  }
0x89: {  	[bflag:$0x0] =	sbarrier.arrive $0xFFFF  }
0x8a: {  	_ =	strace $0x9000004D  }
0x8b: {  	s0 =	stileid.u32;
	[bflag:$0x2] =	sbarrier.arrive $0xFFFF  }
0x8c: {  	p0 =	sne.s32 s0, $0x0;
	s0 =	rddreg [dreg:$0x2]  }
0x8d: {  	s0 =	sadd.s32 @!p0 $0x100000, s0  }
0x8e: {  	[sflag:s0] =	ssyncadd.tile.s32 @!p0 $0x1;
	_ =	shalt  }
.Lfunc_end2:
_tile_overlayer_lowered:
.L_overlay_start_2:
0x8f: {  	(tag) =	ssettag $0x2  }
0x90: {  	s0 =	rddreg [dreg:$0x0];
	s2 =	stileid.u32  }
0x91: {  	s1 =	rddreg [dreg:$0x1];
	p0 =	sne.s32 s2, $0x0  }
0x92: {  	s3 =	rddreg [dreg:$0x2];
	[bflag:$0x3] =	sbarrier.arrive $0xFFFF;
	s2 =	simm.s32 @!p0 $0x1C05  }
0x93: {  	[timem:s3], [sflag:s2] =	dma.local @!p0 [hbm:s0], s1  }
0x94: {  	s0 =	simm.s32 @!p0 $0x5  }
0x95: {  	_ =	swait.ge @!p0 [sflag:s0], s1  }
0x96: {  	s1 =	ssub.s32 @!p0 $0x0, s1;
	[sflag:s0] =	ssyncset.done @!p0 $0x0  }
0x97: {  	[sflag:s0] =	ssyncadd.s32 @!p0 s1  }
0x98: {  	[bflag:$0x3] =	sbarrier.arrive $0xFFFF  }
0x99: {  	_ =	shalt  }

// kernel: kernel.21.cloned.1.call-start
scs
__scs_entry_jumppad:
0x0: {  	(pc) =	sbr.rel $0x88, $3  }
0x1: {  	(tag) =	ssettag $0x0;
	lr =	simm.s32 $0x1  }
0x2: {  	[smem:$0x3F91] =	sst lr;
	_ =	strace $0xD0000000  }
0x3: {  	_ = 	snop  }
0x4: {  	_ = 	snop  }
0x5: {  	_ = 	snop  }
0x6: {  	_ = 	snop  }
0x7: {  	_ = 	snop  }
__scs_overlays_trampoline_lowered:
0x8: {  	[smem:$0x3FA0] =	sst s0  }
0x9: {  	[smem:$0x3FA1] =	sst s1  }
0xa: {  	[smem:$0x3FA2] =	sst s2  }
0xb: {  	[smem:$0x3FA3] =	sst s3  }
0xc: {  	[smem:$0x3FA4] =	sst s4  }
0xd: {  	[smem:$0x3FA5] =	sst s5  }
0xe: {  	[smem:$0x3FA6] =	sst s6  }
0xf: {  	[smem:$0x3FA7] =	sst s7  }
0x10: {  	[smem:$0x3FA8] =	sst s8  }
0x11: {  	[smem:$0x3FA9] =	sst s9;
	s0 =	simm.s32 @!p0 $0x0  }
0x12: {  	s1 =	sld [smem:$0x3F8F];
	s0 =	simm.s32 @p0 $0x1  }
0x13: {  	[smem:$0x3FAA] =	sst s0;
	s0 =	simm.s32 @!p1 $0x0  }
0x14: {  	s2 =	sld [smem:$0x3F8E];
	s0 =	simm.s32 @p1 $0x1  }
0x15: {  	[smem:$0x3FAB] =	sst s0;
	s0 =	simm.s32 @!p2 $0x0  }
0x16: {  	s3 =	sld [smem:$0x3FDB];
	s0 =	simm.s32 @p2 $0x1  }
0x17: {  	s4 =	simm.s32 $0x1BF5;
	[smem:$0x3FAD] =	sst s0  }
0x18: {  	s0 =	sld [smem:$0x3F90];
	_ =	swait.ge [sflag:s4], $0x0  }
0x19: {  	s7 =	sld [smem:$0x3F91]  }
0x1a: {  	s8 =	sadd.s32 $0xFFFFE003, lr  }
0x1b: {  	s9 =	sadd.s32 $0xFFFFFEF7, lr;
	s5 =	simm.s32 $0xFFFFFFFF;
	p2 =	slt.u32 s8, $0xFFFFF086  }
0x1c: {  	p1 =	slt.u32 s9, $0xF7A;
	s5 =	simm.s32 @!p2 $0x0  }
0x1d: {  	s5 =	simm.s32 @p1 $0x1;
	p0 =	seq.s32 s7, s2  }
0x1e: {  	s7 =	smul.u32 @!p0 $0xF7A, s2;
	p2 =	seq.s32 @!p0 s5, $0x0  }
0x1f: {  	s9 =	smul.u32 $0xF7A, s1;
	s8 =	simm.s32 @!p0 $0x1BF5;
	p2 =	por !p2, p0  }
0x20: {  	[sflag:s8] =	ssyncset.s32 @!p0 $0xFFFFF086;
	s6 =	sadd.s32 @!p0 s3, s7;
	s7 =	simm.s32 @!p0 $0x108  }
0x21: {  	s3 =	sadd.s32 s3, s9;
	s6 =	sadd.s32 @!p0 $0x88, s6;
	s7 =	simm.s32 @p2 $0x1082  }
0x22: {  	[simem:s7], [sflag:s8] =	dma.local @!p0 [hbm:s6], $0xF7A  }
0x23: {  	s9 =	sor.u32 $0xD0000000, s2;
	s6 =	simm.s32 $0x108;
	_ =	swait.ge @!p0 [sflag:s8], $0x0  }
0x24: {  	s3 =	sadd.s32 $0x88, s3;
	s6 =	simm.s32 @!p1 $0x1082;
	[sflag:s4] =	ssyncset.s32 $0xFFFFF086  }
0x25: {  	[simem:s6], [sflag:s4] =	dma.local [hbm:s3], $0xF7A  }
0x26: {  	[smem:$0x3F91] =	sst s1;
	(tag) =	ssettag s2;
	_ =	strace s9  }
0x27: {  	s1 =	sld [smem:$0x3FA1]  }
0x28: {  	s2 =	sld [smem:$0x3FA2]  }
0x29: {  	s4 =	sld [smem:$0x3FA4]  }
0x2a: {  	p0 =	seq.s32 s5, $0x0;
	s5 =	sld [smem:$0x3FA5]  }
0x2b: {  	s6 =	sld [smem:$0x3FA6]  }
0x2c: {  	s7 =	sld [smem:$0x3FA7]  }
0x2d: {  	s3 =	simm.s32 $0x108;
	s8 =	sld [smem:$0x3FA8]  }
0x2e: {  	s3 =	simm.s32 @!p0 $0x1082;
	s9 =	sld [smem:$0x3FA9]  }
0x2f: {  	lr =	sadd.s32 s0, s3;
	s0 =	sld [smem:$0x3FA0]  }
0x30: {  	s3 =	sld [smem:$0x3FA3]  }
0x31: {  	[smem:$0x3FAC] =	sst s10  }
0x32: {  	s10 =	sld [smem:$0x3FAA];
	_ =	sdelay $0x3  }
0x33: {  	p0 =	seq.s32 s10, $0x1;
	s10 =	sld [smem:$0x3FAC];
	_ =	sdelay $0x3  }
0x34: {  	[smem:$0x3FAC] =	sst s10  }
0x35: {  	s10 =	sld [smem:$0x3FAB];
	_ =	sdelay $0x3  }
0x36: {  	p1 =	seq.s32 s10, $0x1;
	s10 =	sld [smem:$0x3FAC];
	_ =	sdelay $0x3  }
0x37: {  	[smem:$0x3FAC] =	sst s10  }
0x38: {  	s10 =	sld [smem:$0x3FAD]  }
0x39: {  	_ = 	snop;
	(pc) =	sbr.ind lr, $3  }
0x3a: {  	_ = 	snop  }
0x3b: {  	_ = 	snop  }
0x3c: {  	p2 =	seq.s32 s10, $0x1;
	s10 =	sld [smem:$0x3FAC]  }
0x3d: {  	_ =	shalt  }
0x3e: {  	_ =	shalt  }
0x3f: {  	_ =	shalt  }
0x40: {  	_ =	shalt  }
0x41: {  	_ =	shalt  }
0x42: {  	_ =	shalt  }
0x43: {  	_ =	shalt  }
0x44: {  	_ =	shalt  }
0x45: {  	_ =	shalt  }
0x46: {  	_ =	shalt  }
0x47: {  	_ =	shalt  }
0x48: {  	_ =	shalt  }
0x49: {  	_ =	shalt  }
0x4a: {  	_ =	shalt  }
0x4b: {  	_ =	shalt  }
0x4c: {  	_ =	shalt  }
0x4d: {  	_ =	shalt  }
0x4e: {  	_ =	shalt  }
0x4f: {  	_ =	shalt  }
0x50: {  	_ =	shalt  }
0x51: {  	_ =	shalt  }
0x52: {  	_ =	shalt  }
0x53: {  	_ =	shalt  }
0x54: {  	_ =	shalt  }
0x55: {  	_ =	shalt  }
0x56: {  	_ =	shalt  }
0x57: {  	_ =	shalt  }
0x58: {  	_ =	shalt  }
0x59: {  	_ =	shalt  }
0x5a: {  	_ =	shalt  }
0x5b: {  	_ =	shalt  }
0x5c: {  	_ =	shalt  }
0x5d: {  	_ =	shalt  }
0x5e: {  	_ =	shalt  }
0x5f: {  	_ =	shalt  }
0x60: {  	_ =	shalt  }
0x61: {  	_ =	shalt  }
0x62: {  	_ =	shalt  }
0x63: {  	_ =	shalt  }
0x64: {  	_ =	shalt  }
0x65: {  	_ =	shalt  }
0x66: {  	_ =	shalt  }
0x67: {  	_ =	shalt  }
0x68: {  	_ =	shalt  }
0x69: {  	_ =	shalt  }
0x6a: {  	_ =	shalt  }
0x6b: {  	_ =	shalt  }
0x6c: {  	_ =	shalt  }
0x6d: {  	_ =	shalt  }
0x6e: {  	_ =	shalt  }
0x6f: {  	_ =	shalt  }
0x70: {  	_ =	shalt  }
0x71: {  	_ =	shalt  }
0x72: {  	_ =	shalt  }
0x73: {  	_ =	shalt  }
0x74: {  	_ =	shalt  }
0x75: {  	_ =	shalt  }
0x76: {  	_ =	shalt  }
0x77: {  	_ =	shalt  }
0x78: {  	_ =	shalt  }
0x79: {  	_ =	shalt  }
0x7a: {  	_ =	shalt  }
0x7b: {  	_ =	shalt  }
0x7c: {  	_ =	shalt  }
0x7d: {  	_ =	shalt  }
0x7e: {  	_ =	shalt  }
0x7f: {  	_ =	shalt  }
0x80: {  	_ =	shalt  }
0x81: {  	_ =	shalt  }
0x82: {  	_ =	shalt  }
0x83: {  	_ =	shalt  }
0x84: {  	_ =	shalt  }
0x85: {  	_ =	shalt  }
0x86: {  	_ =	shalt  }
0x87: {  	_ =	shalt  }
.Lfunc_end0:
.L_simem_size_0:
called_computation.3_lowered:
.L_overlay_start_0:
0x88: {  	s2 =	sld [smem:$0x3FD9]  }
0x89: {  	s3 =	sld [smem:$0x3FFE];
	_ =	sdelay $0x1  }
0x8a: {  	s1 =	srdreg.scid  }
0x8b: {  	s0 =	sand.u32 $0x1, s1  }
0x8c: {  	s16 =	sshll.u32 s0, $0xA;
	s2 =	sadd.s32 s3, s2  }
0x8d: {  	s2 =	sadd.s32 s2, s16  }
0x8e: {  	[smem:$0x3FB8] =	sst s2  }
0x8f: {  	_ = 	snop  }
0x90: {  	(tm) =	ssettm $0x1  }
0x91: {  	s17 =	sld [smem:$0x3FFB];
	_ =	sdelay $0x3  }
0x92: {  	_ =	strace s17  }
0x93: {  	s2 =	sld [smem:$0x3FFC];
	_ =	sdelay $0x3  }
0x94: {  	_ =	strace s2  }
0x95: {  	s2 =	sld [smem:$0x3FFD];
	_ =	sdelay $0x3  }
0x96: {  	_ =	strace s2  }
0x97: {  	_ =	strace $0x8FFFFFFF  }
0x98: {  	s18 =	sld [smem:$0x3FDB];
	_ =	sdelay $0x1  }
0x99: {  	s19 =	simm.s32 $_scs_section_size  }
0x9a: {  	s4 =	simm.s32 $_size__tile_overlayer_lowered;
	s5 =	simm.s32 $_tile_overlayer_lowered  }
0x9b: {  	s22 =	simm.s32 $0x1BFF;
	s21 =	sshll.u32 s5, $0x1;
	s2 =	sadd.s32 s19, s18  }
0x9c: {  	s6 =	simm.s32 $0x0;
	s20 =	sshll.u32 s4, $0x1;
	s4 =	sadd.s32 s21, s2  }
0x9d: {  	[timem:s6], [sflag:s22] =	dma.local [hbm:s4], s20  }
0x9e: {  	_ =	swait.ge [sflag:s22], s20  }
0x9f: {  	s3 =	ssub.s32 $0x0, s20;
	[sflag:s22] =	ssyncset.done $0x0  }
0xa0: {  	[sflag:s22] =	ssyncadd.s32 s3;
	_ =	sdelay $0x1  }
0xa1: {  	s23 =	simm.s32 $0x1B8B  }
0xa2: {  	_ =	swait.ge [sflag:s23], $0x1  }
0xa3: {  	[sflag:s23] =	ssyncset.done $0x0  }
0xa4: {  	s25 =	simm.s32 $0x1B8E;
	s24 =	sld [smem:$0x3FFE];
	[sflag:s23] =	ssyncadd.s32 $0xFFFFFFFF  }
0xa5: {  	s26 =	simm.s32 $execute0_lowered;
	[smem:$0x3FD2] =	sst s25  }
0xa6: {  	s4 =	sshll.u32 s26, $0x1;
	_ =	strace $0x8000004F;
	[dreg:$0x1] =	wrdreg $0xFFFFFFFF  }
0xa7: {  	s28 =	simm.s32 $_size_execute0_lowered;
	s2 =	sadd.s32 s2, s4;
	[dreg:$0x0] =	wrdreg $0x0  }
0xa8: {  	s4 =	sshll.u32 s28, $0x1;
	[dreg:$0x2] =	wrdreg s2  }
0xa9: {  	[dreg:$0x3] =	wrdreg s4  }
0xaa: {  	[dreg:$0x4] =	wrdreg $0xC0  }
0xab: {  	_ =	task [dreg:s6], $0x5FFFF  }
0xac: {  	[dreg:$0x1] =	wrdreg $0xFFFFFFFF  }
0xad: {  	[dreg:$0x0] =	wrdreg $0x60  }
0xae: {  	[dreg:$0x2] =	wrdreg s24  }
0xaf: {  	[dreg:$0x3] =	wrdreg $0x52000  }
0xb0: {  	[dreg:$0x4] =	wrdreg $0x9  }
0xb1: {  	_ =	task.clear_ibuf [dreg:s6], $0x5FFFF;
	_ =	strace $0x9000004F  }
0xb2: {  	s29 =	simm.s32 $0x9;
	_ =	strace $0x80000051  }
0xb3: {  	_ =	swait.ge [sflag:s29], $0x1  }
0xb4: {  	[sflag:s29] =	ssyncadd.s32 $0xFFFFFFFF  }
0xb5: {  	_ =	strace $0x90000051  }
0xb6: {  	_ =	sfence  }
0xb7: {  	s30 =	sld [smem:$0x0];
	_ =	sdelay $0x2  }
0xb8: {  	s31 =	sshll.u32 s1, $0xD;
	s1 =	sshrl.u32 s1, $0x2  }
0xb9: {  	s3 =	sand.u32 $0x4000, s31;
	s1 =	sadd.s32 s1, s30  }
0xba: {  	s0 =	sor.u32 s3, s0;
	s1 =	sshll.u32 s1, $0x11  }
0xbb: {  	s0 =	sor.u32 s1, s0  }
0xbc: {  	s0 =	sadd.s32 $0x8F2B, s0  }
0xbd: {  	[sflag:s0] =	ssyncadd.remote.s32 $0x1  }
0xbe: {  	_ =	sfence.sel $0xFFFF  }
0xbf: {  	[dreg:$0x0] =	wrdreg $0xFFFFFFFF;
	(pc) =	sbr.abs _section_cstart, $3  }
0xc0: {  	[dreg:$0x1] =	wrdreg $0xFFFFFFFF  }
0xc1: {  	_ =	task.clear_ibuf [dreg:s6], $0x2FFFF;
	_ =	strace $0x9FFFFFFF  }
0xc2: {  	(tm) =	ssettm $0x7FFFFFFF  }
0xc3: {  	_ =	shalt  }
tec
execute0_lowered:
.L_overlay_start_1:
0x0: {  	(tag) =	ssettag $0x1  }
0x1: {  	s0 =	rddreg [dreg:$0x0]  }
0x2: {  	s1 =	rddreg [dreg:$0x1]  }
0x3: {  	s3 =	simm.s32 $0x0;
	s2 =	srdreg.scid;
	s13 =	stileid.u32  }
0x4: {  	s9 =	simm.s32 $0x7E;
	s28 =	simm.s32 $0x1;
	s29 =	simm.s32 $0x2  }
0x5: {  	s30 =	simm.s32 $0x3;
	s31 =	simm.s32 $0x4;
	[smem:$0x7FF] =	sst s3  }
0x6: {  	s2 =	sand.u32 $0x1, s2;
	s8 =	smul.u32 $0x14000, s13;
	s4 =	sadd.s32 $0x6B000, s0  }
0x7: {  	s5 =	sadd.s32 $0x4400, s0;
	s6 =	sadd.s32 $0xE200, s0;
	s12 =	smul.u32 $0x50000, s13  }
0x8: {  	s14 =	sadd.s32 $0x18800, s0;
	s21 =	sshll.u32 s13, $0x6;
	s7 =	smul.u32 $0x140000, s2  }
0x9: {  	p0 =	seq.s32 s2, $0x0;
	_ =	strace $0x80000050;
	s11 =	smul.u32 $0x27600, s2  }
0xa: {  	s2 =	ssub.s32 $0x2, s2;
	[dreg:$0x3] =	wrdreg s14;
	s9 =	simm.s32 @!p0 $0x7C  }
0xb: {  	s17 =	sshrl.u32 s2, $0x1;
	s20 =	sshrl.u32 s12, $0x2;
	s10 =	smul.u32 s9, s13  }
0xc: {  	s7 =	sadd.s32 s8, s7;
	s2 =	ssub.s32 s2, s17;
	s19 =	sadd.s32 s20, s1  }
0xd: {  	s8 =	sor.u32 $0x1C05, s21;
	s9 =	sshrl.u32 s9, $0x1;
	s20 =	simm.s32 $0x5  }
0xe: {  	s21 =	simm.s32 $0x100;
	s7 =	sshrl.u32 s7, $0x3;
	s16 =	smul.u32 $0x50, s10  }
0xf: {  	s14 =	smax.u32 s2, $0x1;
	s15 =	sadd.s32 $0xFFFFFFFF, s9;
	s0 =	sadd.s32 s7, s0  }
0x10: {  	s19 =	sshrl.u32 s19, $0x3;
	s13 =	sadd.s32 $0x92200, s0;
	s18 =	sadd.s32 s11, s16  }
0x11: {  	s22 =	sshrl.u32 s18, $0x3;
	s26 =	sadd.s32 $0xF0, s18;
	s16 =	sadd.s32 $0xA0, s18  }
0x12: {  	s23 =	sadd.s32 s5, s22;
	s24 =	sadd.s32 s6, s22;
	s10 =	sadd.s32 $0xA, s22  }
0x13: {  	s0 =	sshrl.u32 s26, $0x3;
	s22 =	simm.s32 $0x80;
	[dreg:$0x4] =	wrdreg s23  }
0x14: {  	s26 =	simm.s32 $0x2A00;
	[dreg:$0x5] =	wrdreg s24;
	s25 =	sadd.s32 s5, s10  }
0x15: {  	s10 =	sadd.s32 s6, s10;
	s17 =	sadd.s32 s0, s6;
	s18 =	sadd.s32 s0, s5  }
0x16: {  	s23 =	simm.s32 $0x180;
	s24 =	simm.s32 $0x50;
	[dreg:$0x6] =	wrdreg s25  }
0x17: {  	s0 =	simm.s32 $0x0;
	[dreg:$0x7] =	wrdreg s10;
	s25 =	simm.s32 $0x200  }
.LBB2_1:
0x18: {  	s2 =	rddreg [dreg:$0x3]  }
0x19: {  	[spmem:s19], [sflag:s8] =	dma.local [hbm:s2], $0x2800  }
0x1a: {  	_ =	swait.ge [sflag:s20], $0x2800  }
0x1b: {  	[sflag:s20] =	ssyncset.done $0x0  }
0x1c: {  	s7 =	rddreg [dreg:$0x4];
	[sflag:s20] =	ssyncadd.s32 $0xFFFFD800  }
0x1d: {  	[tilespmem:s3], [sflag:$0x5] =	stream.linear.gather [hbm4b:s7+s3], $0x50, $0x38;
	[tilespmem:$0x19200] =	vst v63  }
0x1e: {  	_ =	swait.ge [sflag:s20], $0x50  }
0x1f: {  	[sflag:s20] =	ssyncset.done $0x0  }
0x20: {  	s9 =	rddreg [dreg:$0x5];
	[sflag:s20] =	ssyncadd.s32 $0xFFFFFFB0  }
0x21: {  	[tilespmem:s21], [sflag:$0x5] =	stream.linear.gather [hbm4b:s9+s3], $0x50, $0x38;
	[tilespmem:$0x19200] =	vst v63  }
0x22: {  	_ =	swait.ge [sflag:s20], $0x50  }
0x23: {  	[sflag:s20] =	ssyncset.done $0x0  }
0x24: {  	s10 =	rddreg [dreg:$0x6];
	[sflag:s20] =	ssyncadd.s32 $0xFFFFFFB0  }
0x25: {  	[tilespmem:s22], [sflag:$0x5] =	stream.linear.gather [hbm4b:s10+s3], $0x50, $0x38;
	[tilespmem:$0x19200] =	vst v63  }
0x26: {  	_ =	swait.ge [sflag:s20], $0x50  }
0x27: {  	[sflag:s20] =	ssyncset.done $0x0  }
0x28: {  	s11 =	rddreg [dreg:$0x7];
	[sflag:s20] =	ssyncadd.s32 $0xFFFFFFB0  }
0x29: {  	[tilespmem:s23], [sflag:$0x5] =	stream.linear.gather [hbm4b:s11+s3], $0x50, $0x38;
	[tilespmem:$0x19200] =	vst v63  }
0x2a: {  	_ =	swait.ge [sflag:s20], $0x50  }
0x2b: {  	[sflag:s20] =	ssyncset.done $0x0  }
0x2c: {  	[sflag:s20] =	ssyncadd.s32 $0xFFFFFFB0  }
0x2d: {  	[bflag:$0x0] =	sbarrier.arrive $0xFFFF  }
0x2e: {  	[tilespmem:s25], [sflag:$0x1] =	stream.indirect.gather [hbm4b:s4+s24], $0x80, s3, s24, $0xb8;
	[tilespmem:$0x19200] =	vst v63  }
0x2f: {  	_ = 	snop  }
0x30: {  	[tilespmem:s26], [sflag:$0x2] =	stream.indirect.gather [hbm4b:s4+s24], $0x80, s22, s24, $0xb8;
	[tilespmem:$0x19200] =	vst v63  }
0x31: {  	_ =	swait.ge [sflag:s28], $0x2800  }
0x32: {  	[sflag:s28] =	ssyncset.done $0x0  }
0x33: {  	[sflag:s28] =	ssyncadd.s32 $0xFFFFD800  }
0x34: {  	[spmem:s1] =	stream.indirect.scatter.add.f32 [tilespmem:s25], [sflag:$0x5], $0x80, s21, s24, $0xb8;
	[tilespmem:$0x19200] =	vst v63  }
0x35: {  	_ =	swait.ge [sflag:s20], $0x2800  }
0x36: {  	s12 =	sshrl.u32 s16, $0x3;
	[sflag:s20] =	ssyncset.done $0x0  }
0x37: {  	s7 =	sadd.s32 s5, s12;
	[sflag:s20] =	ssyncadd.s32 $0xFFFFD800  }
0x38: {  	[tilespmem:s3], [sflag:$0x3] =	stream.linear.gather [hbm4b:s7+s3], $0x50, $0x38;
	[tilespmem:$0x19200] =	vst v63  }
0x39: {  	s2 =	sadd.s32 s6, s12  }
0x3a: {  	[tilespmem:s21], [sflag:$0x3] =	stream.linear.gather [hbm4b:s2+s3], $0x50, $0x38;
	[tilespmem:$0x19200] =	vst v63  }
0x3b: {  	_ =	swait.ge [sflag:s29], $0x2800  }
0x3c: {  	[sflag:s29] =	ssyncset.done $0x0  }
0x3d: {  	[sflag:s29] =	ssyncadd.s32 $0xFFFFD800  }
0x3e: {  	[spmem:s1] =	stream.indirect.scatter.add.f32 [tilespmem:s26], [sflag:$0x5], $0x80, s23, s24, $0xb8;
	[tilespmem:$0x19200] =	vst v63  }
0x3f: {  	_ =	swait.ge [sflag:s20], $0x2800  }
0x40: {  	[sflag:s20] =	ssyncset.done $0x0  }
0x41: {  	[sflag:s20] =	ssyncadd.s32 $0xFFFFD800  }
0x42: {  	[tilespmem:s22], [sflag:$0x4] =	stream.linear.gather [hbm4b:s18+s3], $0x50, $0x38;
	[tilespmem:$0x19200] =	vst v63  }
0x43: {  	_ = 	snop  }
0x44: {  	[tilespmem:s23], [sflag:$0x4] =	stream.linear.gather [hbm4b:s17+s3], $0x50, $0x38;
	[tilespmem:$0x19200] =	vst v63  }
0x45: {  	_ =	swait.ge [sflag:s30], $0x50  }
0x46: {  	[sflag:s30] =	ssyncset.done $0x0  }
0x47: {  	[sflag:s30] =	ssyncadd.s32 $0xFFFFFFB0  }
0x48: {  	_ =	swait.ge [sflag:s30], $0x50  }
0x49: {  	[sflag:s30] =	ssyncset.done $0x0  }
0x4a: {  	[sflag:s30] =	ssyncadd.s32 $0xFFFFFFB0  }
0x4b: {  	[tilespmem:s25], [sflag:$0x1] =	stream.indirect.gather [hbm4b:s4+s24], $0x80, s3, s24, $0xb8;
	[tilespmem:$0x19200] =	vst v63  }
0x4c: {  	p0 =	sne.s32 s15, $0x1;
	_ =	swait.ge [sflag:s31], $0x50  }
.Ltmp0:
0x4d: {  	[sflag:s31] =	ssyncset.done $0x0;
	(pc) =	sbr.rel @!p0 .LBB2_3-.Ltmp0, $4  }
0x4e: {  	[sflag:s31] =	ssyncadd.s32 $0xFFFFFFB0  }
0x4f: {  	_ =	swait.ge [sflag:s31], $0x50  }
0x50: {  	s9 =	sadd.s32 $0xA0, s16;
	s10 =	sadd.s32 $0x14, s17;
	[sflag:s31] =	ssyncset.done $0x0  }
0x51: {  	s7 =	sadd.s32 $0x14, s18;
	s2 =	sadd.s32 $0xFFFFFFFF, s15;
	[sflag:s31] =	ssyncadd.s32 $0xFFFFFFB0  }
.LBB2_2:
0x52: {  	[tilespmem:s26], [sflag:$0x2] =	stream.indirect.gather [hbm4b:s4+s24], $0x80, s22, s24, $0xb8;
	[tilespmem:$0x19200] =	vst v63  }
0x53: {  	p0 =	sne.s32 s2, $0x1;
	s2 =	sadd.s32 $0xFFFFFFFF, s2;
	_ =	swait.ge [sflag:s28], $0x2800  }
0x54: {  	[sflag:s28] =	ssyncset.done $0x0  }
0x55: {  	[sflag:s28] =	ssyncadd.s32 $0xFFFFD800  }
0x56: {  	[spmem:s1] =	stream.indirect.scatter.add.f32 [tilespmem:s25], [sflag:$0x5], $0x80, s21, s24, $0xb8;
	[tilespmem:$0x19200] =	vst v63  }
0x57: {  	_ =	swait.ge [sflag:s20], $0x2800  }
0x58: {  	s11 =	sshrl.u32 s9, $0x3;
	[sflag:s20] =	ssyncset.done $0x0  }
0x59: {  	s12 =	sadd.s32 s5, s11;
	[sflag:s20] =	ssyncadd.s32 $0xFFFFD800  }
0x5a: {  	[tilespmem:s3], [sflag:$0x3] =	stream.linear.gather [hbm4b:s12+s3], $0x50, $0x38;
	[tilespmem:$0x19200] =	vst v63  }
0x5b: {  	s11 =	sadd.s32 s6, s11  }
0x5c: {  	[tilespmem:s21], [sflag:$0x3] =	stream.linear.gather [hbm4b:s11+s3], $0x50, $0x38;
	[tilespmem:$0x19200] =	vst v63  }
0x5d: {  	_ =	swait.ge [sflag:s29], $0x2800  }
0x5e: {  	[sflag:s29] =	ssyncset.done $0x0  }
0x5f: {  	[sflag:s29] =	ssyncadd.s32 $0xFFFFD800  }
0x60: {  	[spmem:s1] =	stream.indirect.scatter.add.f32 [tilespmem:s26], [sflag:$0x5], $0x80, s23, s24, $0xb8;
	[tilespmem:$0x19200] =	vst v63  }
0x61: {  	_ =	swait.ge [sflag:s20], $0x2800  }
0x62: {  	[sflag:s20] =	ssyncset.done $0x0  }
0x63: {  	[sflag:s20] =	ssyncadd.s32 $0xFFFFD800  }
0x64: {  	[tilespmem:s22], [sflag:$0x4] =	stream.linear.gather [hbm4b:s7+s3], $0x50, $0x38;
	[tilespmem:$0x19200] =	vst v63  }
0x65: {  	_ = 	snop  }
0x66: {  	[tilespmem:s23], [sflag:$0x4] =	stream.linear.gather [hbm4b:s10+s3], $0x50, $0x38;
	[tilespmem:$0x19200] =	vst v63  }
0x67: {  	_ =	swait.ge [sflag:s30], $0x50  }
0x68: {  	[sflag:s30] =	ssyncset.done $0x0  }
0x69: {  	[sflag:s30] =	ssyncadd.s32 $0xFFFFFFB0  }
0x6a: {  	_ =	swait.ge [sflag:s30], $0x50  }
0x6b: {  	[sflag:s30] =	ssyncset.done $0x0  }
0x6c: {  	[sflag:s30] =	ssyncadd.s32 $0xFFFFFFB0  }
0x6d: {  	[tilespmem:s25], [sflag:$0x1] =	stream.indirect.gather [hbm4b:s4+s24], $0x80, s3, s24, $0xb8;
	[tilespmem:$0x19200] =	vst v63  }
0x6e: {  	_ =	swait.ge [sflag:s31], $0x50  }
.Ltmp1:
0x6f: {  	[sflag:s31] =	ssyncset.done $0x0;
	(pc) =	sbr.rel @p0 .LBB2_2-.Ltmp1, $4  }
0x70: {  	[sflag:s31] =	ssyncadd.s32 $0xFFFFFFB0  }
0x71: {  	_ =	swait.ge [sflag:s31], $0x50  }
0x72: {  	s7 =	sadd.s32 $0x14, s7;
	[sflag:s31] =	ssyncset.done $0x0  }
0x73: {  	s9 =	sadd.s32 $0xA0, s9;
	s10 =	sadd.s32 $0x14, s10;
	[sflag:s31] =	ssyncadd.s32 $0xFFFFFFB0  }
.LBB2_3:
0x74: {  	[tilespmem:s26], [sflag:$0x2] =	stream.indirect.gather [hbm4b:s4+s24], $0x80, s22, s24, $0xb8;
	[tilespmem:$0x19200] =	vst v63  }
0x75: {  	_ =	swait.ge [sflag:s28], $0x2800  }
0x76: {  	[sflag:s28] =	ssyncset.done $0x0  }
0x77: {  	[sflag:s28] =	ssyncadd.s32 $0xFFFFD800  }
0x78: {  	[spmem:s1] =	stream.indirect.scatter.add.f32 [tilespmem:s25], [sflag:$0x5], $0x80, s21, s24, $0xb8;
	[tilespmem:$0x19200] =	vst v63  }
0x79: {  	_ =	swait.ge [sflag:s20], $0x2800  }
0x7a: {  	[sflag:s20] =	ssyncset.done $0x0  }
0x7b: {  	[sflag:s20] =	ssyncadd.s32 $0xFFFFD800  }
0x7c: {  	_ =	swait.ge [sflag:s29], $0x2800  }
0x7d: {  	[sflag:s29] =	ssyncset.done $0x0  }
0x7e: {  	[sflag:s29] =	ssyncadd.s32 $0xFFFFD800  }
0x7f: {  	[spmem:s1] =	stream.indirect.scatter.add.f32 [tilespmem:s26], [sflag:$0x5], $0x80, s23, s24, $0xb8;
	[tilespmem:$0x19200] =	vst v63  }
0x80: {  	_ =	swait.ge [sflag:s20], $0x2800  }
0x81: {  	s0 =	sadd.s32 $0x1, s0;
	[sflag:s20] =	ssyncset.done $0x0  }
0x82: {  	p0 =	sne.s32 s0, s14;
	[sflag:s20] =	ssyncadd.s32 $0xFFFFD800  }
.Ltmp2:
0x83: {  	[bflag:$0x0] =	sbarrier.arrive $0xFFFF;
	(pc) =	sbr.rel @p0 .LBB2_1-.Ltmp2, $4  }
0x84: {  	[hbm:s13], [sflag:s8] =	dma.local [spmem:s19], $0x2800  }
0x85: {  	_ =	swait.ge [sflag:s20], $0x2800  }
0x86: {  	[sflag:s20] =	ssyncset.done $0x0  }
0x87: {  	[sflag:s20] =	ssyncadd.s32 $0xFFFFD800  }
0x88: {  	_ =	sfence.sel $0x180000  }
0x89: {  	[bflag:$0x0] =	sbarrier.arrive $0xFFFF  }
0x8a: {  	_ =	strace $0x90000050  }
0x8b: {  	s0 =	stileid.u32;
	[bflag:$0x2] =	sbarrier.arrive $0xFFFF  }
0x8c: {  	p0 =	sne.s32 s0, $0x0;
	s0 =	rddreg [dreg:$0x2]  }
0x8d: {  	s0 =	sadd.s32 @!p0 $0x100000, s0  }
0x8e: {  	[sflag:s0] =	ssyncadd.tile.s32 @!p0 $0x1;
	_ =	shalt  }
.Lfunc_end2:
_tile_overlayer_lowered:
.L_overlay_start_2:
0x8f: {  	(tag) =	ssettag $0x2  }
0x90: {  	s0 =	rddreg [dreg:$0x0];
	s2 =	stileid.u32  }
0x91: {  	s1 =	rddreg [dreg:$0x1];
	p0 =	sne.s32 s2, $0x0  }
0x92: {  	s3 =	rddreg [dreg:$0x2];
	[bflag:$0x3] =	sbarrier.arrive $0xFFFF;
	s2 =	simm.s32 @!p0 $0x1C05  }
0x93: {  	[timem:s3], [sflag:s2] =	dma.local @!p0 [hbm:s0], s1  }
0x94: {  	s0 =	simm.s32 @!p0 $0x5  }
0x95: {  	_ =	swait.ge @!p0 [sflag:s0], s1  }
0x96: {  	s1 =	ssub.s32 @!p0 $0x0, s1;
	[sflag:s0] =	ssyncset.done @!p0 $0x0  }
0x97: {  	[sflag:s0] =	ssyncadd.s32 @!p0 s1  }
0x98: {  	[bflag:$0x3] =	sbarrier.arrive $0xFFFF  }
0x99: {  	_ =	shalt  }

// kernel: kernel.24.cloned.1.call-start
scs
__scs_entry_jumppad:
0x0: {  	(pc) =	sbr.rel $0x88, $3  }
0x1: {  	(tag) =	ssettag $0x0;
	lr =	simm.s32 $0x1  }
0x2: {  	[smem:$0x3F91] =	sst lr;
	_ =	strace $0xD0000000  }
0x3: {  	_ = 	snop  }
0x4: {  	_ = 	snop  }
0x5: {  	_ = 	snop  }
0x6: {  	_ = 	snop  }
0x7: {  	_ = 	snop  }
__scs_overlays_trampoline_lowered:
0x8: {  	[smem:$0x3FA0] =	sst s0  }
0x9: {  	[smem:$0x3FA1] =	sst s1  }
0xa: {  	[smem:$0x3FA2] =	sst s2  }
0xb: {  	[smem:$0x3FA3] =	sst s3  }
0xc: {  	[smem:$0x3FA4] =	sst s4  }
0xd: {  	[smem:$0x3FA5] =	sst s5  }
0xe: {  	[smem:$0x3FA6] =	sst s6  }
0xf: {  	[smem:$0x3FA7] =	sst s7  }
0x10: {  	[smem:$0x3FA8] =	sst s8  }
0x11: {  	[smem:$0x3FA9] =	sst s9;
	s0 =	simm.s32 @!p0 $0x0  }
0x12: {  	s1 =	sld [smem:$0x3F8F];
	s0 =	simm.s32 @p0 $0x1  }
0x13: {  	[smem:$0x3FAA] =	sst s0;
	s0 =	simm.s32 @!p1 $0x0  }
0x14: {  	s2 =	sld [smem:$0x3F8E];
	s0 =	simm.s32 @p1 $0x1  }
0x15: {  	[smem:$0x3FAB] =	sst s0;
	s0 =	simm.s32 @!p2 $0x0  }
0x16: {  	s3 =	sld [smem:$0x3FDB];
	s0 =	simm.s32 @p2 $0x1  }
0x17: {  	s4 =	simm.s32 $0x1BF5;
	[smem:$0x3FAD] =	sst s0  }
0x18: {  	s0 =	sld [smem:$0x3F90];
	_ =	swait.ge [sflag:s4], $0x0  }
0x19: {  	s7 =	sld [smem:$0x3F91]  }
0x1a: {  	s8 =	sadd.s32 $0xFFFFE003, lr  }
0x1b: {  	s9 =	sadd.s32 $0xFFFFFEF7, lr;
	s5 =	simm.s32 $0xFFFFFFFF;
	p2 =	slt.u32 s8, $0xFFFFF086  }
0x1c: {  	p1 =	slt.u32 s9, $0xF7A;
	s5 =	simm.s32 @!p2 $0x0  }
0x1d: {  	s5 =	simm.s32 @p1 $0x1;
	p0 =	seq.s32 s7, s2  }
0x1e: {  	s7 =	smul.u32 @!p0 $0xF7A, s2;
	p2 =	seq.s32 @!p0 s5, $0x0  }
0x1f: {  	s9 =	smul.u32 $0xF7A, s1;
	s8 =	simm.s32 @!p0 $0x1BF5;
	p2 =	por !p2, p0  }
0x20: {  	[sflag:s8] =	ssyncset.s32 @!p0 $0xFFFFF086;
	s6 =	sadd.s32 @!p0 s3, s7;
	s7 =	simm.s32 @!p0 $0x108  }
0x21: {  	s3 =	sadd.s32 s3, s9;
	s6 =	sadd.s32 @!p0 $0x88, s6;
	s7 =	simm.s32 @p2 $0x1082  }
0x22: {  	[simem:s7], [sflag:s8] =	dma.local @!p0 [hbm:s6], $0xF7A  }
0x23: {  	s9 =	sor.u32 $0xD0000000, s2;
	s6 =	simm.s32 $0x108;
	_ =	swait.ge @!p0 [sflag:s8], $0x0  }
0x24: {  	s3 =	sadd.s32 $0x88, s3;
	s6 =	simm.s32 @!p1 $0x1082;
	[sflag:s4] =	ssyncset.s32 $0xFFFFF086  }
0x25: {  	[simem:s6], [sflag:s4] =	dma.local [hbm:s3], $0xF7A  }
0x26: {  	[smem:$0x3F91] =	sst s1;
	(tag) =	ssettag s2;
	_ =	strace s9  }
0x27: {  	s1 =	sld [smem:$0x3FA1]  }
0x28: {  	s2 =	sld [smem:$0x3FA2]  }
0x29: {  	s4 =	sld [smem:$0x3FA4]  }
0x2a: {  	p0 =	seq.s32 s5, $0x0;
	s5 =	sld [smem:$0x3FA5]  }
0x2b: {  	s6 =	sld [smem:$0x3FA6]  }
0x2c: {  	s7 =	sld [smem:$0x3FA7]  }
0x2d: {  	s3 =	simm.s32 $0x108;
	s8 =	sld [smem:$0x3FA8]  }
0x2e: {  	s3 =	simm.s32 @!p0 $0x1082;
	s9 =	sld [smem:$0x3FA9]  }
0x2f: {  	lr =	sadd.s32 s0, s3;
	s0 =	sld [smem:$0x3FA0]  }
0x30: {  	s3 =	sld [smem:$0x3FA3]  }
0x31: {  	[smem:$0x3FAC] =	sst s10  }
0x32: {  	s10 =	sld [smem:$0x3FAA];
	_ =	sdelay $0x3  }
0x33: {  	p0 =	seq.s32 s10, $0x1;
	s10 =	sld [smem:$0x3FAC];
	_ =	sdelay $0x3  }
0x34: {  	[smem:$0x3FAC] =	sst s10  }
0x35: {  	s10 =	sld [smem:$0x3FAB];
	_ =	sdelay $0x3  }
0x36: {  	p1 =	seq.s32 s10, $0x1;
	s10 =	sld [smem:$0x3FAC];
	_ =	sdelay $0x3  }
0x37: {  	[smem:$0x3FAC] =	sst s10  }
0x38: {  	s10 =	sld [smem:$0x3FAD]  }
0x39: {  	_ = 	snop;
	(pc) =	sbr.ind lr, $3  }
0x3a: {  	_ = 	snop  }
0x3b: {  	_ = 	snop  }
0x3c: {  	p2 =	seq.s32 s10, $0x1;
	s10 =	sld [smem:$0x3FAC]  }
0x3d: {  	_ =	shalt  }
0x3e: {  	_ =	shalt  }
0x3f: {  	_ =	shalt  }
0x40: {  	_ =	shalt  }
0x41: {  	_ =	shalt  }
0x42: {  	_ =	shalt  }
0x43: {  	_ =	shalt  }
0x44: {  	_ =	shalt  }
0x45: {  	_ =	shalt  }
0x46: {  	_ =	shalt  }
0x47: {  	_ =	shalt  }
0x48: {  	_ =	shalt  }
0x49: {  	_ =	shalt  }
0x4a: {  	_ =	shalt  }
0x4b: {  	_ =	shalt  }
0x4c: {  	_ =	shalt  }
0x4d: {  	_ =	shalt  }
0x4e: {  	_ =	shalt  }
0x4f: {  	_ =	shalt  }
0x50: {  	_ =	shalt  }
0x51: {  	_ =	shalt  }
0x52: {  	_ =	shalt  }
0x53: {  	_ =	shalt  }
0x54: {  	_ =	shalt  }
0x55: {  	_ =	shalt  }
0x56: {  	_ =	shalt  }
0x57: {  	_ =	shalt  }
0x58: {  	_ =	shalt  }
0x59: {  	_ =	shalt  }
0x5a: {  	_ =	shalt  }
0x5b: {  	_ =	shalt  }
0x5c: {  	_ =	shalt  }
0x5d: {  	_ =	shalt  }
0x5e: {  	_ =	shalt  }
0x5f: {  	_ =	shalt  }
0x60: {  	_ =	shalt  }
0x61: {  	_ =	shalt  }
0x62: {  	_ =	shalt  }
0x63: {  	_ =	shalt  }
0x64: {  	_ =	shalt  }
0x65: {  	_ =	shalt  }
0x66: {  	_ =	shalt  }
0x67: {  	_ =	shalt  }
0x68: {  	_ =	shalt  }
0x69: {  	_ =	shalt  }
0x6a: {  	_ =	shalt  }
0x6b: {  	_ =	shalt  }
0x6c: {  	_ =	shalt  }
0x6d: {  	_ =	shalt  }
0x6e: {  	_ =	shalt  }
0x6f: {  	_ =	shalt  }
0x70: {  	_ =	shalt  }
0x71: {  	_ =	shalt  }
0x72: {  	_ =	shalt  }
0x73: {  	_ =	shalt  }
0x74: {  	_ =	shalt  }
0x75: {  	_ =	shalt  }
0x76: {  	_ =	shalt  }
0x77: {  	_ =	shalt  }
0x78: {  	_ =	shalt  }
0x79: {  	_ =	shalt  }
0x7a: {  	_ =	shalt  }
0x7b: {  	_ =	shalt  }
0x7c: {  	_ =	shalt  }
0x7d: {  	_ =	shalt  }
0x7e: {  	_ =	shalt  }
0x7f: {  	_ =	shalt  }
0x80: {  	_ =	shalt  }
0x81: {  	_ =	shalt  }
0x82: {  	_ =	shalt  }
0x83: {  	_ =	shalt  }
0x84: {  	_ =	shalt  }
0x85: {  	_ =	shalt  }
0x86: {  	_ =	shalt  }
0x87: {  	_ =	shalt  }
.Lfunc_end0:
.L_simem_size_0:
called_computation.4_lowered:
.L_overlay_start_0:
0x88: {  	s2 =	sld [smem:$0x3FD9]  }
0x89: {  	s3 =	sld [smem:$0x3FFE];
	_ =	sdelay $0x1  }
0x8a: {  	s1 =	srdreg.scid  }
0x8b: {  	s0 =	sand.u32 $0x1, s1  }
0x8c: {  	s16 =	sshll.u32 s0, $0xA;
	s2 =	sadd.s32 s3, s2  }
0x8d: {  	s2 =	sadd.s32 s2, s16  }
0x8e: {  	[smem:$0x3FB8] =	sst s2  }
0x8f: {  	_ = 	snop  }
0x90: {  	(tm) =	ssettm $0x1  }
0x91: {  	s17 =	sld [smem:$0x3FFB];
	_ =	sdelay $0x3  }
0x92: {  	_ =	strace s17  }
0x93: {  	s2 =	sld [smem:$0x3FFC];
	_ =	sdelay $0x3  }
0x94: {  	_ =	strace s2  }
0x95: {  	s2 =	sld [smem:$0x3FFD];
	_ =	sdelay $0x3  }
0x96: {  	_ =	strace s2  }
0x97: {  	_ =	strace $0x8FFFFFFF  }
0x98: {  	s18 =	sld [smem:$0x3FDB];
	_ =	sdelay $0x1  }
0x99: {  	s19 =	simm.s32 $_scs_section_size  }
0x9a: {  	s4 =	simm.s32 $_size__tile_overlayer_lowered;
	s5 =	simm.s32 $_tile_overlayer_lowered  }
0x9b: {  	s22 =	simm.s32 $0x1BFF;
	s21 =	sshll.u32 s5, $0x1;
	s2 =	sadd.s32 s19, s18  }
0x9c: {  	s6 =	simm.s32 $0x0;
	s20 =	sshll.u32 s4, $0x1;
	s4 =	sadd.s32 s21, s2  }
0x9d: {  	[timem:s6], [sflag:s22] =	dma.local [hbm:s4], s20  }
0x9e: {  	_ =	swait.ge [sflag:s22], s20  }
0x9f: {  	s3 =	ssub.s32 $0x0, s20;
	[sflag:s22] =	ssyncset.done $0x0  }
0xa0: {  	[sflag:s22] =	ssyncadd.s32 s3;
	_ =	sdelay $0x1  }
0xa1: {  	s23 =	simm.s32 $0x1B8B  }
0xa2: {  	_ =	swait.ge [sflag:s23], $0x1  }
0xa3: {  	[sflag:s23] =	ssyncset.done $0x0  }
0xa4: {  	s25 =	simm.s32 $0x1B8E;
	s24 =	sld [smem:$0x3FFE];
	[sflag:s23] =	ssyncadd.s32 $0xFFFFFFFF  }
0xa5: {  	s26 =	simm.s32 $execute0_lowered;
	[smem:$0x3FD2] =	sst s25  }
0xa6: {  	s4 =	sshll.u32 s26, $0x1;
	_ =	strace $0x80000052;
	[dreg:$0x1] =	wrdreg $0xFFFFFFFF  }
0xa7: {  	s28 =	simm.s32 $_size_execute0_lowered;
	s2 =	sadd.s32 s2, s4;
	[dreg:$0x0] =	wrdreg $0x0  }
0xa8: {  	s4 =	sshll.u32 s28, $0x1;
	[dreg:$0x2] =	wrdreg s2  }
0xa9: {  	[dreg:$0x3] =	wrdreg s4  }
0xaa: {  	[dreg:$0x4] =	wrdreg $0xC0  }
0xab: {  	_ =	task [dreg:s6], $0x5FFFF  }
0xac: {  	[dreg:$0x1] =	wrdreg $0xFFFFFFFF  }
0xad: {  	[dreg:$0x0] =	wrdreg $0x60  }
0xae: {  	[dreg:$0x2] =	wrdreg s24  }
0xaf: {  	[dreg:$0x3] =	wrdreg $0x52000  }
0xb0: {  	[dreg:$0x4] =	wrdreg $0x9  }
0xb1: {  	_ =	task.clear_ibuf [dreg:s6], $0x5FFFF;
	_ =	strace $0x90000052  }
0xb2: {  	s29 =	simm.s32 $0x9;
	_ =	strace $0x80000054  }
0xb3: {  	_ =	swait.ge [sflag:s29], $0x1  }
0xb4: {  	[sflag:s29] =	ssyncadd.s32 $0xFFFFFFFF  }
0xb5: {  	_ =	strace $0x90000054  }
0xb6: {  	_ =	sfence  }
0xb7: {  	s30 =	sld [smem:$0x0];
	_ =	sdelay $0x2  }
0xb8: {  	s31 =	sshll.u32 s1, $0xD;
	s1 =	sshrl.u32 s1, $0x2  }
0xb9: {  	s3 =	sand.u32 $0x4000, s31;
	s1 =	sadd.s32 s1, s30  }
0xba: {  	s0 =	sor.u32 s3, s0;
	s1 =	sshll.u32 s1, $0x11  }
0xbb: {  	s0 =	sor.u32 s1, s0  }
0xbc: {  	s0 =	sadd.s32 $0x8F2B, s0  }
0xbd: {  	[sflag:s0] =	ssyncadd.remote.s32 $0x1  }
0xbe: {  	_ =	sfence.sel $0xFFFF  }
0xbf: {  	[dreg:$0x0] =	wrdreg $0xFFFFFFFF;
	(pc) =	sbr.abs _section_cstart, $3  }
0xc0: {  	[dreg:$0x1] =	wrdreg $0xFFFFFFFF  }
0xc1: {  	_ =	task.clear_ibuf [dreg:s6], $0x2FFFF;
	_ =	strace $0x9FFFFFFF  }
0xc2: {  	(tm) =	ssettm $0x7FFFFFFF  }
0xc3: {  	_ =	shalt  }
tec
execute0_lowered:
.L_overlay_start_1:
0x0: {  	(tag) =	ssettag $0x1  }
0x1: {  	s0 =	rddreg [dreg:$0x0]  }
0x2: {  	s1 =	rddreg [dreg:$0x1]  }
0x3: {  	s3 =	simm.s32 $0x0;
	s2 =	srdreg.scid;
	s13 =	stileid.u32  }
0x4: {  	s9 =	simm.s32 $0x7E;
	s28 =	simm.s32 $0x1;
	s29 =	simm.s32 $0x2  }
0x5: {  	s30 =	simm.s32 $0x3;
	s31 =	simm.s32 $0x4;
	[smem:$0x7FF] =	sst s3  }
0x6: {  	s2 =	sand.u32 $0x1, s2;
	s8 =	smul.u32 $0x14000, s13;
	s4 =	sadd.s32 $0x6B000, s0  }
0x7: {  	s5 =	sadd.s32 $0x4400, s0;
	s6 =	sadd.s32 $0xE200, s0;
	s12 =	smul.u32 $0x50000, s13  }
0x8: {  	s14 =	sadd.s32 $0x18800, s0;
	s21 =	sshll.u32 s13, $0x6;
	s7 =	smul.u32 $0x140000, s2  }
0x9: {  	p0 =	seq.s32 s2, $0x0;
	_ =	strace $0x80000053;
	s11 =	smul.u32 $0x27600, s2  }
0xa: {  	s2 =	ssub.s32 $0x2, s2;
	[dreg:$0x3] =	wrdreg s14;
	s9 =	simm.s32 @!p0 $0x7C  }
0xb: {  	s17 =	sshrl.u32 s2, $0x1;
	s20 =	sshrl.u32 s12, $0x2;
	s10 =	smul.u32 s9, s13  }
0xc: {  	s7 =	sadd.s32 s8, s7;
	s2 =	ssub.s32 s2, s17;
	s19 =	sadd.s32 s20, s1  }
0xd: {  	s8 =	sor.u32 $0x1C05, s21;
	s9 =	sshrl.u32 s9, $0x1;
	s20 =	simm.s32 $0x5  }
0xe: {  	s21 =	simm.s32 $0x100;
	s7 =	sshrl.u32 s7, $0x3;
	s16 =	smul.u32 $0x50, s10  }
0xf: {  	s14 =	smax.u32 s2, $0x1;
	s15 =	sadd.s32 $0xFFFFFFFF, s9;
	s0 =	sadd.s32 s7, s0  }
0x10: {  	s19 =	sshrl.u32 s19, $0x3;
	s13 =	sadd.s32 $0x92200, s0;
	s18 =	sadd.s32 s11, s16  }
0x11: {  	s22 =	sshrl.u32 s18, $0x3;
	s26 =	sadd.s32 $0xF0, s18;
	s16 =	sadd.s32 $0xA0, s18  }
0x12: {  	s23 =	sadd.s32 s5, s22;
	s24 =	sadd.s32 s6, s22;
	s10 =	sadd.s32 $0xA, s22  }
0x13: {  	s0 =	sshrl.u32 s26, $0x3;
	s22 =	simm.s32 $0x80;
	[dreg:$0x4] =	wrdreg s23  }
0x14: {  	s26 =	simm.s32 $0x2A00;
	[dreg:$0x5] =	wrdreg s24;
	s25 =	sadd.s32 s5, s10  }
0x15: {  	s10 =	sadd.s32 s6, s10;
	s17 =	sadd.s32 s0, s6;
	s18 =	sadd.s32 s0, s5  }
0x16: {  	s23 =	simm.s32 $0x180;
	s24 =	simm.s32 $0x50;
	[dreg:$0x6] =	wrdreg s25  }
0x17: {  	s0 =	simm.s32 $0x0;
	[dreg:$0x7] =	wrdreg s10;
	s25 =	simm.s32 $0x200  }
.LBB2_1:
0x18: {  	s2 =	rddreg [dreg:$0x3]  }
0x19: {  	[spmem:s19], [sflag:s8] =	dma.local [hbm:s2], $0x2800  }
0x1a: {  	_ =	swait.ge [sflag:s20], $0x2800  }
0x1b: {  	[sflag:s20] =	ssyncset.done $0x0  }
0x1c: {  	s7 =	rddreg [dreg:$0x4];
	[sflag:s20] =	ssyncadd.s32 $0xFFFFD800  }
0x1d: {  	[tilespmem:s3], [sflag:$0x5] =	stream.linear.gather [hbm4b:s7+s3], $0x50, $0x38;
	[tilespmem:$0x19200] =	vst v63  }
0x1e: {  	_ =	swait.ge [sflag:s20], $0x50  }
0x1f: {  	[sflag:s20] =	ssyncset.done $0x0  }
0x20: {  	s9 =	rddreg [dreg:$0x5];
	[sflag:s20] =	ssyncadd.s32 $0xFFFFFFB0  }
0x21: {  	[tilespmem:s21], [sflag:$0x5] =	stream.linear.gather [hbm4b:s9+s3], $0x50, $0x38;
	[tilespmem:$0x19200] =	vst v63  }
0x22: {  	_ =	swait.ge [sflag:s20], $0x50  }
0x23: {  	[sflag:s20] =	ssyncset.done $0x0  }
0x24: {  	s10 =	rddreg [dreg:$0x6];
	[sflag:s20] =	ssyncadd.s32 $0xFFFFFFB0  }
0x25: {  	[tilespmem:s22], [sflag:$0x5] =	stream.linear.gather [hbm4b:s10+s3], $0x50, $0x38;
	[tilespmem:$0x19200] =	vst v63  }
0x26: {  	_ =	swait.ge [sflag:s20], $0x50  }
0x27: {  	[sflag:s20] =	ssyncset.done $0x0  }
0x28: {  	s11 =	rddreg [dreg:$0x7];
	[sflag:s20] =	ssyncadd.s32 $0xFFFFFFB0  }
0x29: {  	[tilespmem:s23], [sflag:$0x5] =	stream.linear.gather [hbm4b:s11+s3], $0x50, $0x38;
	[tilespmem:$0x19200] =	vst v63  }
0x2a: {  	_ =	swait.ge [sflag:s20], $0x50  }
0x2b: {  	[sflag:s20] =	ssyncset.done $0x0  }
0x2c: {  	[sflag:s20] =	ssyncadd.s32 $0xFFFFFFB0  }
0x2d: {  	[bflag:$0x0] =	sbarrier.arrive $0xFFFF  }
0x2e: {  	[tilespmem:s25], [sflag:$0x1] =	stream.indirect.gather [hbm4b:s4+s24], $0x80, s3, s24, $0xb8;
	[tilespmem:$0x19200] =	vst v63  }
0x2f: {  	_ = 	snop  }
0x30: {  	[tilespmem:s26], [sflag:$0x2] =	stream.indirect.gather [hbm4b:s4+s24], $0x80, s22, s24, $0xb8;
	[tilespmem:$0x19200] =	vst v63  }
0x31: {  	_ =	swait.ge [sflag:s28], $0x2800  }
0x32: {  	[sflag:s28] =	ssyncset.done $0x0  }
0x33: {  	[sflag:s28] =	ssyncadd.s32 $0xFFFFD800  }
0x34: {  	[spmem:s1] =	stream.indirect.scatter.add.f32 [tilespmem:s25], [sflag:$0x5], $0x80, s21, s24, $0xb8;
	[tilespmem:$0x19200] =	vst v63  }
0x35: {  	_ =	swait.ge [sflag:s20], $0x2800  }
0x36: {  	s12 =	sshrl.u32 s16, $0x3;
	[sflag:s20] =	ssyncset.done $0x0  }
0x37: {  	s7 =	sadd.s32 s5, s12;
	[sflag:s20] =	ssyncadd.s32 $0xFFFFD800  }
0x38: {  	[tilespmem:s3], [sflag:$0x3] =	stream.linear.gather [hbm4b:s7+s3], $0x50, $0x38;
	[tilespmem:$0x19200] =	vst v63  }
0x39: {  	s2 =	sadd.s32 s6, s12  }
0x3a: {  	[tilespmem:s21], [sflag:$0x3] =	stream.linear.gather [hbm4b:s2+s3], $0x50, $0x38;
	[tilespmem:$0x19200] =	vst v63  }
0x3b: {  	_ =	swait.ge [sflag:s29], $0x2800  }
0x3c: {  	[sflag:s29] =	ssyncset.done $0x0  }
0x3d: {  	[sflag:s29] =	ssyncadd.s32 $0xFFFFD800  }
0x3e: {  	[spmem:s1] =	stream.indirect.scatter.add.f32 [tilespmem:s26], [sflag:$0x5], $0x80, s23, s24, $0xb8;
	[tilespmem:$0x19200] =	vst v63  }
0x3f: {  	_ =	swait.ge [sflag:s20], $0x2800  }
0x40: {  	[sflag:s20] =	ssyncset.done $0x0  }
0x41: {  	[sflag:s20] =	ssyncadd.s32 $0xFFFFD800  }
0x42: {  	[tilespmem:s22], [sflag:$0x4] =	stream.linear.gather [hbm4b:s18+s3], $0x50, $0x38;
	[tilespmem:$0x19200] =	vst v63  }
0x43: {  	_ = 	snop  }
0x44: {  	[tilespmem:s23], [sflag:$0x4] =	stream.linear.gather [hbm4b:s17+s3], $0x50, $0x38;
	[tilespmem:$0x19200] =	vst v63  }
0x45: {  	_ =	swait.ge [sflag:s30], $0x50  }
0x46: {  	[sflag:s30] =	ssyncset.done $0x0  }
0x47: {  	[sflag:s30] =	ssyncadd.s32 $0xFFFFFFB0  }
0x48: {  	_ =	swait.ge [sflag:s30], $0x50  }
0x49: {  	[sflag:s30] =	ssyncset.done $0x0  }
0x4a: {  	[sflag:s30] =	ssyncadd.s32 $0xFFFFFFB0  }
0x4b: {  	[tilespmem:s25], [sflag:$0x1] =	stream.indirect.gather [hbm4b:s4+s24], $0x80, s3, s24, $0xb8;
	[tilespmem:$0x19200] =	vst v63  }
0x4c: {  	p0 =	sne.s32 s15, $0x1;
	_ =	swait.ge [sflag:s31], $0x50  }
.Ltmp0:
0x4d: {  	[sflag:s31] =	ssyncset.done $0x0;
	(pc) =	sbr.rel @!p0 .LBB2_3-.Ltmp0, $4  }
0x4e: {  	[sflag:s31] =	ssyncadd.s32 $0xFFFFFFB0  }
0x4f: {  	_ =	swait.ge [sflag:s31], $0x50  }
0x50: {  	s9 =	sadd.s32 $0xA0, s16;
	s10 =	sadd.s32 $0x14, s17;
	[sflag:s31] =	ssyncset.done $0x0  }
0x51: {  	s7 =	sadd.s32 $0x14, s18;
	s2 =	sadd.s32 $0xFFFFFFFF, s15;
	[sflag:s31] =	ssyncadd.s32 $0xFFFFFFB0  }
.LBB2_2:
0x52: {  	[tilespmem:s26], [sflag:$0x2] =	stream.indirect.gather [hbm4b:s4+s24], $0x80, s22, s24, $0xb8;
	[tilespmem:$0x19200] =	vst v63  }
0x53: {  	p0 =	sne.s32 s2, $0x1;
	s2 =	sadd.s32 $0xFFFFFFFF, s2;
	_ =	swait.ge [sflag:s28], $0x2800  }
0x54: {  	[sflag:s28] =	ssyncset.done $0x0  }
0x55: {  	[sflag:s28] =	ssyncadd.s32 $0xFFFFD800  }
0x56: {  	[spmem:s1] =	stream.indirect.scatter.add.f32 [tilespmem:s25], [sflag:$0x5], $0x80, s21, s24, $0xb8;
	[tilespmem:$0x19200] =	vst v63  }
0x57: {  	_ =	swait.ge [sflag:s20], $0x2800  }
0x58: {  	s11 =	sshrl.u32 s9, $0x3;
	[sflag:s20] =	ssyncset.done $0x0  }
0x59: {  	s12 =	sadd.s32 s5, s11;
	[sflag:s20] =	ssyncadd.s32 $0xFFFFD800  }
0x5a: {  	[tilespmem:s3], [sflag:$0x3] =	stream.linear.gather [hbm4b:s12+s3], $0x50, $0x38;
	[tilespmem:$0x19200] =	vst v63  }
0x5b: {  	s11 =	sadd.s32 s6, s11  }
0x5c: {  	[tilespmem:s21], [sflag:$0x3] =	stream.linear.gather [hbm4b:s11+s3], $0x50, $0x38;
	[tilespmem:$0x19200] =	vst v63  }
0x5d: {  	_ =	swait.ge [sflag:s29], $0x2800  }
0x5e: {  	[sflag:s29] =	ssyncset.done $0x0  }
0x5f: {  	[sflag:s29] =	ssyncadd.s32 $0xFFFFD800  }
0x60: {  	[spmem:s1] =	stream.indirect.scatter.add.f32 [tilespmem:s26], [sflag:$0x5], $0x80, s23, s24, $0xb8;
	[tilespmem:$0x19200] =	vst v63  }
0x61: {  	_ =	swait.ge [sflag:s20], $0x2800  }
0x62: {  	[sflag:s20] =	ssyncset.done $0x0  }
0x63: {  	[sflag:s20] =	ssyncadd.s32 $0xFFFFD800  }
0x64: {  	[tilespmem:s22], [sflag:$0x4] =	stream.linear.gather [hbm4b:s7+s3], $0x50, $0x38;
	[tilespmem:$0x19200] =	vst v63  }
0x65: {  	_ = 	snop  }
0x66: {  	[tilespmem:s23], [sflag:$0x4] =	stream.linear.gather [hbm4b:s10+s3], $0x50, $0x38;
	[tilespmem:$0x19200] =	vst v63  }
0x67: {  	_ =	swait.ge [sflag:s30], $0x50  }
0x68: {  	[sflag:s30] =	ssyncset.done $0x0  }
0x69: {  	[sflag:s30] =	ssyncadd.s32 $0xFFFFFFB0  }
0x6a: {  	_ =	swait.ge [sflag:s30], $0x50  }
0x6b: {  	[sflag:s30] =	ssyncset.done $0x0  }
0x6c: {  	[sflag:s30] =	ssyncadd.s32 $0xFFFFFFB0  }
0x6d: {  	[tilespmem:s25], [sflag:$0x1] =	stream.indirect.gather [hbm4b:s4+s24], $0x80, s3, s24, $0xb8;
	[tilespmem:$0x19200] =	vst v63  }
0x6e: {  	_ =	swait.ge [sflag:s31], $0x50  }
.Ltmp1:
0x6f: {  	[sflag:s31] =	ssyncset.done $0x0;
	(pc) =	sbr.rel @p0 .LBB2_2-.Ltmp1, $4  }
0x70: {  	[sflag:s31] =	ssyncadd.s32 $0xFFFFFFB0  }
0x71: {  	_ =	swait.ge [sflag:s31], $0x50  }
0x72: {  	s7 =	sadd.s32 $0x14, s7;
	[sflag:s31] =	ssyncset.done $0x0  }
0x73: {  	s9 =	sadd.s32 $0xA0, s9;
	s10 =	sadd.s32 $0x14, s10;
	[sflag:s31] =	ssyncadd.s32 $0xFFFFFFB0  }
.LBB2_3:
0x74: {  	[tilespmem:s26], [sflag:$0x2] =	stream.indirect.gather [hbm4b:s4+s24], $0x80, s22, s24, $0xb8;
	[tilespmem:$0x19200] =	vst v63  }
0x75: {  	_ =	swait.ge [sflag:s28], $0x2800  }
0x76: {  	[sflag:s28] =	ssyncset.done $0x0  }
0x77: {  	[sflag:s28] =	ssyncadd.s32 $0xFFFFD800  }
0x78: {  	[spmem:s1] =	stream.indirect.scatter.add.f32 [tilespmem:s25], [sflag:$0x5], $0x80, s21, s24, $0xb8;
	[tilespmem:$0x19200] =	vst v63  }
0x79: {  	_ =	swait.ge [sflag:s20], $0x2800  }
0x7a: {  	[sflag:s20] =	ssyncset.done $0x0  }
0x7b: {  	[sflag:s20] =	ssyncadd.s32 $0xFFFFD800  }
0x7c: {  	_ =	swait.ge [sflag:s29], $0x2800  }
0x7d: {  	[sflag:s29] =	ssyncset.done $0x0  }
0x7e: {  	[sflag:s29] =	ssyncadd.s32 $0xFFFFD800  }
0x7f: {  	[spmem:s1] =	stream.indirect.scatter.add.f32 [tilespmem:s26], [sflag:$0x5], $0x80, s23, s24, $0xb8;
	[tilespmem:$0x19200] =	vst v63  }
0x80: {  	_ =	swait.ge [sflag:s20], $0x2800  }
0x81: {  	s0 =	sadd.s32 $0x1, s0;
	[sflag:s20] =	ssyncset.done $0x0  }
0x82: {  	p0 =	sne.s32 s0, s14;
	[sflag:s20] =	ssyncadd.s32 $0xFFFFD800  }
.Ltmp2:
0x83: {  	[bflag:$0x0] =	sbarrier.arrive $0xFFFF;
	(pc) =	sbr.rel @p0 .LBB2_1-.Ltmp2, $4  }
0x84: {  	[hbm:s13], [sflag:s8] =	dma.local [spmem:s19], $0x2800  }
0x85: {  	_ =	swait.ge [sflag:s20], $0x2800  }
0x86: {  	[sflag:s20] =	ssyncset.done $0x0  }
0x87: {  	[sflag:s20] =	ssyncadd.s32 $0xFFFFD800  }
0x88: {  	_ =	sfence.sel $0x180000  }
0x89: {  	[bflag:$0x0] =	sbarrier.arrive $0xFFFF  }
0x8a: {  	_ =	strace $0x90000053  }
0x8b: {  	s0 =	stileid.u32;
	[bflag:$0x2] =	sbarrier.arrive $0xFFFF  }
0x8c: {  	p0 =	sne.s32 s0, $0x0;
	s0 =	rddreg [dreg:$0x2]  }
0x8d: {  	s0 =	sadd.s32 @!p0 $0x100000, s0  }
0x8e: {  	[sflag:s0] =	ssyncadd.tile.s32 @!p0 $0x1;
	_ =	shalt  }
.Lfunc_end2:
_tile_overlayer_lowered:
.L_overlay_start_2:
0x8f: {  	(tag) =	ssettag $0x2  }
0x90: {  	s0 =	rddreg [dreg:$0x0];
	s2 =	stileid.u32  }
0x91: {  	s1 =	rddreg [dreg:$0x1];
	p0 =	sne.s32 s2, $0x0  }
0x92: {  	s3 =	rddreg [dreg:$0x2];
	[bflag:$0x3] =	sbarrier.arrive $0xFFFF;
	s2 =	simm.s32 @!p0 $0x1C05  }
0x93: {  	[timem:s3], [sflag:s2] =	dma.local @!p0 [hbm:s0], s1  }
0x94: {  	s0 =	simm.s32 @!p0 $0x5  }
0x95: {  	_ =	swait.ge @!p0 [sflag:s0], s1  }
0x96: {  	s1 =	ssub.s32 @!p0 $0x0, s1;
	[sflag:s0] =	ssyncset.done @!p0 $0x0  }
0x97: {  	[sflag:s0] =	ssyncadd.s32 @!p0 s1  }
0x98: {  	[bflag:$0x3] =	sbarrier.arrive $0xFFFF  }
0x99: {  	_ =	shalt  }

</sc_bundles>
